<compile_context>
chip_gen: v7x
topology: tpu7x:2x2x1
jax: 0.10.2.dev20260603
libtpu: 0.0.44.dev20260713+nightly
codegen_flags: <defaults>
</compile_context>

<pallas_src>
import functools

import jax
import jax.numpy as jnp
from jax import lax
from jax.experimental import pallas as pl
from jax.experimental.pallas import tpu as pltpu
from jax.experimental.pallas import tpu_sc as plsc

N = 10000
E = 320000
D = 128

NC = 2
NS = 16
NW = NC * NS
K = 128
EPW = 10240
NB = EPW // K
NPAD = 10240
RPT = NPAD // NS


def _sc_edge_pass(x_hbm, src_hbm, dst_hbm, w_hbm, z_hbm, s_hbm,
                  src_v, dst_v, w_v, rows0, rows1, z_acc, s_acc,
                  gsem0, gsem1):
    cid = lax.axis_index("c")
    sid = lax.axis_index("s")
    wid = cid * NS + sid

    pltpu.sync_copy(src_hbm.at[wid], src_v)
    pltpu.sync_copy(dst_hbm.at[wid], dst_v)
    pltpu.sync_copy(w_hbm.at[wid], w_v)

    zeros16 = jnp.zeros((16,), jnp.float32)

    def _zero_rows(r, _):
        for c in range(D // 16):
            rows0[r, pl.ds(16 * c, 16)] = zeros16
        return 0

    lax.fori_loop(0, K, _zero_rows, 0)
    for j in range(RPT // K):
        pltpu.sync_copy(rows0, z_acc.at[pl.ds(sid * RPT + j * K, K)])
        pltpu.sync_copy(rows0.at[0], s_acc.at[pl.ds(sid * RPT + j * K, K)])
    plsc.subcore_barrier()

    def _scale_and_s(b, rows_v):
        def _scale(g, _):
            wvec = w_v[b, pl.ds(16 * g, 16)]
            for j in range(16):
                wv = jnp.broadcast_to(wvec[j], (16,))
                e = 16 * g + j
                for c in range(D // 16):
                    rows_v[e, pl.ds(16 * c, 16)] = (
                        rows_v[e, pl.ds(16 * c, 16)] * wv)
            return 0

        lax.fori_loop(0, K // 16, _scale, 0)

    def _blk(b, _):
        pltpu.async_copy(x_hbm.at[src_v.at[b]], rows0, gsem0).wait()
        _scale_and_s(b, rows0)
        pltpu.sync_copy(rows0, z_acc.at[dst_v.at[b]], add=True)
        pltpu.sync_copy(w_v.at[b], s_acc.at[src_v.at[b]], add=True)
        return 0

    lax.fori_loop(0, NB, _blk, 0)
    plsc.subcore_barrier()

    base = sid * RPT
    pltpu.sync_copy(z_acc.at[pl.ds(base, RPT)], z_hbm.at[cid, pl.ds(base, RPT)])
    pltpu.sync_copy(s_acc.at[pl.ds(base, RPT)], s_hbm.at[cid, pl.ds(base, RPT)])


def _sc_call():
    return functools.partial(
        pl.kernel,
        out_type=[
            jax.ShapeDtypeStruct((NC, NPAD, D), jnp.float32),
            jax.ShapeDtypeStruct((NC, NPAD), jnp.float32),
        ],
        mesh=plsc.VectorSubcoreMesh(core_axis_name="c", subcore_axis_name="s",
                                    num_cores=NC, num_subcores=NS),
        scratch_types=[
            pltpu.VMEM((NB, K), jnp.int32),
            pltpu.VMEM((NB, K), jnp.int32),
            pltpu.VMEM((NB, K), jnp.float32),
            pltpu.VMEM((K, D), jnp.float32),
            pltpu.VMEM((K, D), jnp.float32),
            pltpu.VMEM_SHARED((NPAD, D), jnp.float32),
            pltpu.VMEM_SHARED((NPAD,), jnp.float32),
            pltpu.SemaphoreType.DMA,
            pltpu.SemaphoreType.DMA,
        ],
    )


def _tc_dense(z_ref, s_ref, W1_ref, b1_ref, W2_ref, b2_ref, Wg_ref, bg_ref,
              out_ref):
    f32 = jnp.float32
    bf16 = jnp.bfloat16
    z = z_ref[0] + z_ref[1]
    h = jnp.maximum(
        jnp.dot(z.astype(bf16), W1_ref[...].astype(bf16),
                preferred_element_type=f32)
        + b1_ref[...][None, :], 0.0)
    s = (s_ref[0] + s_ref[1]).reshape(1, NPAD)
    v = jnp.dot(s, h, preferred_element_type=f32,
                precision=lax.Precision.HIGHEST)
    gv = v * (1.0 / N)
    gh = gv.astype(bf16)
    gl = (gv - gh.astype(f32)).astype(bf16)
    W2b = W2_ref[...].astype(bf16)
    g = (jnp.dot(gh, W2b, preferred_element_type=f32)
         + jnp.dot(gl, W2b, preferred_element_type=f32)
         + b2_ref[...][None, :])
    out_ref[...] = jnp.tanh(
        jnp.dot(g.astype(bf16), Wg_ref[...].astype(bf16),
                preferred_element_type=f32)
        + bg_ref[...][None, :])


def kernel(node_features, edge_index, edge_weights, W1, b1, W2, b2, Wg, bg):
    src = edge_index[0]
    dst = edge_index[1]
    pad = NW * EPW - E
    src_p = jnp.concatenate([src, jnp.zeros((pad,), jnp.int32)]).reshape(NW, NB, K)
    dst_p = jnp.concatenate([dst, jnp.zeros((pad,), jnp.int32)]).reshape(NW, NB, K)
    w_p = jnp.concatenate([edge_weights,
                           jnp.zeros((pad,), jnp.float32)]).reshape(NW, NB, K)

    z_part, s_part = _sc_call()(_sc_edge_pass)(node_features, src_p, dst_p, w_p)

    out = pl.pallas_call(
        _tc_dense,
        out_shape=jax.ShapeDtypeStruct((1, D), jnp.float32),
    )(z_part, s_part, W1, b1, W2, b2, Wg, bg)
    return out[0]

# --- scband reference (transcript-rebuilt; emitter-appended) ---
"""Pipeline reference for scband-dmig-net-25933012533577 (READ-ONLY COPY).

The authoritative reference and input builder live on the scoring server;
editing this copy changes nothing except your own understanding.
"""

import jax, jax.numpy as jnp
import numpy as np

N = 10000
E = 320000
D = 128
H = 128


def setup_inputs(seed: int = 0) -> dict:
    key = jax.random.key(seed)
    ks = jax.random.split(key, 10)
    x = jax.random.normal(ks[0], (N, D), dtype=jnp.float32)
    edge_index = jax.random.randint(ks[1], (2, E), 0, N, dtype=jnp.int32)
    edge_weights = jax.random.uniform(ks[2], (E,), dtype=jnp.float32)
    # Learned parameters (DynamicGCN: feature_dim -> hidden_dim -> feature_dim; GlobalConnectivityExtractor: feature_dim -> feature_dim)
    W1 = jax.random.normal(ks[3], (D, H), dtype=jnp.float32) * (1.0 / np.sqrt(D))
    b1 = jnp.zeros((H,), dtype=jnp.float32)
    W2 = jax.random.normal(ks[4], (H, D), dtype=jnp.float32) * (1.0 / np.sqrt(H))
    b2 = jnp.zeros((D,), dtype=jnp.float32)
    Wg = jax.random.normal(ks[5], (D, D), dtype=jnp.float32) * (1.0 / np.sqrt(D))
    bg = jnp.zeros((D,), dtype=jnp.float32)
    return {"node_features": x, "edge_index": edge_index, "edge_weights": edge_weights,
            "W1": W1, "b1": b1, "W2": W2, "b2": b2, "Wg": Wg, "bg": bg}


def reference(node_features, edge_index, edge_weights, W1, b1, W2, b2, Wg, bg):
    src = edge_index[0]
    dst = edge_index[1]
    # DynamicGCN layer 1: edge-weighted gather + scatter-add message passing
    msg1 = node_features[src] * edge_weights[:, None]
    agg1 = jax.ops.segment_sum(msg1, dst, num_segments=N)
    h = jax.nn.relu(agg1 @ W1 + b1)
    # DynamicGCN layer 2
    msg2 = h[src] * edge_weights[:, None]
    agg2 = jax.ops.segment_sum(msg2, dst, num_segments=N)
    updated = agg2 @ W2 + b2
    # GlobalConnectivityExtractor: global mean pooling + projection
    g = jnp.mean(updated, axis=0)
    global_features = jnp.tanh(g @ Wg + bg)
    return global_features

if __name__ == "__main__":
    import jax
    _d = setup_inputs()
    print(jax.jit(kernel)(*tuple(_d.values())))

</pallas_src>

<mosaic_0001>
#map = affine_map<(d0, d1) -> (0, 0)>
#map1 = affine_map<(d0, d1) -> (0, 0, 0)>
module attributes {stable_mosaic.version = 14 : i64} {
  func.func @_sc_edge_pass(%arg0: i32, %arg1: i32, %arg2: memref<10000x128xf32, #tpu.memory_space<hbm>>, %arg3: memref<32x80x128xi32, #tpu.memory_space<hbm>>, %arg4: memref<32x80x128xi32, #tpu.memory_space<hbm>>, %arg5: memref<32x80x128xf32, #tpu.memory_space<hbm>>, %arg6: memref<2x10240x128xf32, #tpu.memory_space<hbm>>, %arg7: memref<2x10240xf32, #tpu.memory_space<hbm>>, %arg8: memref<80x128xi32, #tpu.memory_space<vmem>>, %arg9: memref<80x128xi32, #tpu.memory_space<vmem>>, %arg10: memref<80x128xf32, #tpu.memory_space<vmem>>, %arg11: memref<128x128xf32, #tpu.memory_space<vmem>>, %arg12: memref<128x128xf32, #tpu.memory_space<vmem>>, %arg13: memref<10240x128xf32, #tpu.memory_space<vmem_shared>>, %arg14: memref<10240xf32, #tpu.memory_space<vmem_shared>>, %arg15: memref<!tpu.dma_semaphore, #tpu.memory_space<semaphore_mem>>, %arg16: memref<!tpu.dma_semaphore, #tpu.memory_space<semaphore_mem>>) attributes {dimension_semantics = [#tpu.dimension_semantics<core_parallel>, #tpu.dimension_semantics<subcore_parallel>], iteration_bounds = array<i64: 2, 16>, scalar_prefetch = 0 : i64, scratch_operands = 9 : i64, tpu.core_type = #tpu.core_type<sc_vector_subcore>, window_params = [{transform_indices = #map}, {transform_indices = #map1}, {transform_indices = #map1}, {transform_indices = #map1}, {transform_indices = #map1}, {transform_indices = #map}]} {
    %mul3A = arith.constant 16 : i32
    %mul3A_0 = arith.muli %arg0, %mul3A : i32
    %add3A = arith.addi %mul3A_0, %arg1 : i32
    "tpu.region"() ({
      %run_scoped3A_62 = tpu.sem_alloc : memref<!tpu.dma_semaphore, #tpu.memory_space<semaphore_mem>>
      %dma_start3A = arith.constant 0 : i32
      %dma_start3A_63 = arith.constant 0 : i32
      %dma_start3A_64 = tpu.memref_slice %arg3[%add3A, %dma_start3A, %dma_start3A_63] : memref<32x80x128xi32, #tpu.memory_space<hbm>> -> memref<1x80x128xi32, #tpu.memory_space<hbm>>
      %dma_start3A_65 = tpu.memref_squeeze %dma_start3A_64 : memref<1x80x128xi32, #tpu.memory_space<hbm>> -> memref<80x128xi32, #tpu.memory_space<hbm>>
      %dma_start3A_66 = arith.constant 0 : i32
      %dma_start3A_67 = arith.constant 0 : i32
      %dma_start3A_68 = tpu.memref_slice %arg3[%add3A, %dma_start3A_66, %dma_start3A_67] : memref<32x80x128xi32, #tpu.memory_space<hbm>> -> memref<1x80x128xi32, #tpu.memory_space<hbm>>
      %dma_start3A_69 = tpu.memref_squeeze %dma_start3A_68 : memref<1x80x128xi32, #tpu.memory_space<hbm>> -> memref<80x128xi32, #tpu.memory_space<hbm>>
      tpu.enqueue_dma source(%dma_start3A_69 : memref<80x128xi32, #tpu.memory_space<hbm>>) target(%arg8 : memref<80x128xi32, #tpu.memory_space<vmem>>) target_semaphore(%run_scoped3A_62 : memref<!tpu.dma_semaphore, #tpu.memory_space<semaphore_mem>>)
      %dma_wait3A = arith.constant 0 : i32
      %dma_wait3A_70 = arith.constant 0 : i32
      %dma_wait3A_71 = tpu.memref_slice %arg3[%add3A, %dma_wait3A, %dma_wait3A_70] : memref<32x80x128xi32, #tpu.memory_space<hbm>> -> memref<1x80x128xi32, #tpu.memory_space<hbm>>
      %dma_wait3A_72 = tpu.memref_squeeze %dma_wait3A_71 : memref<1x80x128xi32, #tpu.memory_space<hbm>> -> memref<80x128xi32, #tpu.memory_space<hbm>>
      %dma_wait3A_73 = arith.constant 0 : i32
      %dma_wait3A_74 = arith.constant 0 : i32
      %dma_wait3A_75 = tpu.memref_slice %arg3[%add3A, %dma_wait3A_73, %dma_wait3A_74] : memref<32x80x128xi32, #tpu.memory_space<hbm>> -> memref<1x80x128xi32, #tpu.memory_space<hbm>>
      %dma_wait3A_76 = tpu.memref_squeeze %dma_wait3A_75 : memref<1x80x128xi32, #tpu.memory_space<hbm>> -> memref<80x128xi32, #tpu.memory_space<hbm>>
      tpu.wait_dma2 semaphore(%run_scoped3A_62 : memref<!tpu.dma_semaphore, #tpu.memory_space<semaphore_mem>>) src(%dma_wait3A_76 : memref<80x128xi32, #tpu.memory_space<hbm>>) dst(%arg8 : memref<80x128xi32, #tpu.memory_space<vmem>>)
      tpu.yield
    }) : () -> ()
    "tpu.region"() ({
      %run_scoped3A_62 = tpu.sem_alloc : memref<!tpu.dma_semaphore, #tpu.memory_space<semaphore_mem>>
      %dma_start3A = arith.constant 0 : i32
      %dma_start3A_63 = arith.constant 0 : i32
      %dma_start3A_64 = tpu.memref_slice %arg4[%add3A, %dma_start3A, %dma_start3A_63] : memref<32x80x128xi32, #tpu.memory_space<hbm>> -> memref<1x80x128xi32, #tpu.memory_space<hbm>>
      %dma_start3A_65 = tpu.memref_squeeze %dma_start3A_64 : memref<1x80x128xi32, #tpu.memory_space<hbm>> -> memref<80x128xi32, #tpu.memory_space<hbm>>
      %dma_start3A_66 = arith.constant 0 : i32
      %dma_start3A_67 = arith.constant 0 : i32
      %dma_start3A_68 = tpu.memref_slice %arg4[%add3A, %dma_start3A_66, %dma_start3A_67] : memref<32x80x128xi32, #tpu.memory_space<hbm>> -> memref<1x80x128xi32, #tpu.memory_space<hbm>>
      %dma_start3A_69 = tpu.memref_squeeze %dma_start3A_68 : memref<1x80x128xi32, #tpu.memory_space<hbm>> -> memref<80x128xi32, #tpu.memory_space<hbm>>
      tpu.enqueue_dma source(%dma_start3A_69 : memref<80x128xi32, #tpu.memory_space<hbm>>) target(%arg9 : memref<80x128xi32, #tpu.memory_space<vmem>>) target_semaphore(%run_scoped3A_62 : memref<!tpu.dma_semaphore, #tpu.memory_space<semaphore_mem>>)
      %dma_wait3A = arith.constant 0 : i32
      %dma_wait3A_70 = arith.constant 0 : i32
      %dma_wait3A_71 = tpu.memref_slice %arg4[%add3A, %dma_wait3A, %dma_wait3A_70] : memref<32x80x128xi32, #tpu.memory_space<hbm>> -> memref<1x80x128xi32, #tpu.memory_space<hbm>>
      %dma_wait3A_72 = tpu.memref_squeeze %dma_wait3A_71 : memref<1x80x128xi32, #tpu.memory_space<hbm>> -> memref<80x128xi32, #tpu.memory_space<hbm>>
      %dma_wait3A_73 = arith.constant 0 : i32
      %dma_wait3A_74 = arith.constant 0 : i32
      %dma_wait3A_75 = tpu.memref_slice %arg4[%add3A, %dma_wait3A_73, %dma_wait3A_74] : memref<32x80x128xi32, #tpu.memory_space<hbm>> -> memref<1x80x128xi32, #tpu.memory_space<hbm>>
      %dma_wait3A_76 = tpu.memref_squeeze %dma_wait3A_75 : memref<1x80x128xi32, #tpu.memory_space<hbm>> -> memref<80x128xi32, #tpu.memory_space<hbm>>
      tpu.wait_dma2 semaphore(%run_scoped3A_62 : memref<!tpu.dma_semaphore, #tpu.memory_space<semaphore_mem>>) src(%dma_wait3A_76 : memref<80x128xi32, #tpu.memory_space<hbm>>) dst(%arg9 : memref<80x128xi32, #tpu.memory_space<vmem>>)
      tpu.yield
    }) : () -> ()
    "tpu.region"() ({
      %run_scoped3A_62 = tpu.sem_alloc : memref<!tpu.dma_semaphore, #tpu.memory_space<semaphore_mem>>
      %dma_start3A = arith.constant 0 : i32
      %dma_start3A_63 = arith.constant 0 : i32
      %dma_start3A_64 = tpu.memref_slice %arg5[%add3A, %dma_start3A, %dma_start3A_63] : memref<32x80x128xf32, #tpu.memory_space<hbm>> -> memref<1x80x128xf32, #tpu.memory_space<hbm>>
      %dma_start3A_65 = tpu.memref_squeeze %dma_start3A_64 : memref<1x80x128xf32, #tpu.memory_space<hbm>> -> memref<80x128xf32, #tpu.memory_space<hbm>>
      %dma_start3A_66 = arith.constant 0 : i32
      %dma_start3A_67 = arith.constant 0 : i32
      %dma_start3A_68 = tpu.memref_slice %arg5[%add3A, %dma_start3A_66, %dma_start3A_67] : memref<32x80x128xf32, #tpu.memory_space<hbm>> -> memref<1x80x128xf32, #tpu.memory_space<hbm>>
      %dma_start3A_69 = tpu.memref_squeeze %dma_start3A_68 : memref<1x80x128xf32, #tpu.memory_space<hbm>> -> memref<80x128xf32, #tpu.memory_space<hbm>>
      tpu.enqueue_dma source(%dma_start3A_69 : memref<80x128xf32, #tpu.memory_space<hbm>>) target(%arg10 : memref<80x128xf32, #tpu.memory_space<vmem>>) target_semaphore(%run_scoped3A_62 : memref<!tpu.dma_semaphore, #tpu.memory_space<semaphore_mem>>)
      %dma_wait3A = arith.constant 0 : i32
      %dma_wait3A_70 = arith.constant 0 : i32
      %dma_wait3A_71 = tpu.memref_slice %arg5[%add3A, %dma_wait3A, %dma_wait3A_70] : memref<32x80x128xf32, #tpu.memory_space<hbm>> -> memref<1x80x128xf32, #tpu.memory_space<hbm>>
      %dma_wait3A_72 = tpu.memref_squeeze %dma_wait3A_71 : memref<1x80x128xf32, #tpu.memory_space<hbm>> -> memref<80x128xf32, #tpu.memory_space<hbm>>
      %dma_wait3A_73 = arith.constant 0 : i32
      %dma_wait3A_74 = arith.constant 0 : i32
      %dma_wait3A_75 = tpu.memref_slice %arg5[%add3A, %dma_wait3A_73, %dma_wait3A_74] : memref<32x80x128xf32, #tpu.memory_space<hbm>> -> memref<1x80x128xf32, #tpu.memory_space<hbm>>
      %dma_wait3A_76 = tpu.memref_squeeze %dma_wait3A_75 : memref<1x80x128xf32, #tpu.memory_space<hbm>> -> memref<80x128xf32, #tpu.memory_space<hbm>>
      tpu.wait_dma2 semaphore(%run_scoped3A_62 : memref<!tpu.dma_semaphore, #tpu.memory_space<semaphore_mem>>) src(%dma_wait3A_76 : memref<80x128xf32, #tpu.memory_space<hbm>>) dst(%arg10 : memref<80x128xf32, #tpu.memory_space<vmem>>)
      tpu.yield
    }) : () -> ()
    %broadcast_in_dim3A = arith.constant 0.000000e+00 : f32
    %broadcast_in_dim3A_1 = vector.broadcast %broadcast_in_dim3A : f32 to vector<16xf32>
    %scan3A = arith.constant 0 : i32
    %scan3A_2 = arith.constant 0 : i32
    %scan3A_3 = arith.constant 128 : i32
    %scan3A_4 = arith.addi %scan3A_2, %scan3A_3 : i32
    %scan3A_5 = arith.constant 1 : i32
    %scan3A_6 = scf.for %scan3A_62 = %scan3A_2 to %scan3A_4 step %scan3A_5 iter_args(%scan3A_63 = %scan3A) -> (i32)  : i32 {
      %swap3A = arith.index_cast %scan3A_62 : i32 to index
      %swap3A_64 = arith.constant 0 : index
      %swap3A_65 = tpu.vector_load %arg11[%swap3A, %swap3A_64] {strides = array<i32>} : memref<128x128xf32, #tpu.memory_space<vmem>>, vector<1x16xf32>,
      %swap3A_66 = vector.shape_cast %swap3A_65 : vector<1x16xf32> to vector<16xf32>
      %swap3A_67 = vector.shape_cast %broadcast_in_dim3A_1 : vector<16xf32> to vector<1x16xf32>
      tpu.vector_store %arg11[%swap3A, %swap3A_64], %swap3A_67 {strides = array<i32>} : memref<128x128xf32, #tpu.memory_space<vmem>>, vector<1x16xf32>,
      %swap3A_68 = arith.index_cast %scan3A_62 : i32 to index
      %swap3A_69 = arith.constant 16 : index
      %swap3A_70 = tpu.vector_load %arg11[%swap3A_68, %swap3A_69] {strides = array<i32>} : memref<128x128xf32, #tpu.memory_space<vmem>>, vector<1x16xf32>,
      %swap3A_71 = vector.shape_cast %swap3A_70 : vector<1x16xf32> to vector<16xf32>
      %swap3A_72 = vector.shape_cast %broadcast_in_dim3A_1 : vector<16xf32> to vector<1x16xf32>
      tpu.vector_store %arg11[%swap3A_68, %swap3A_69], %swap3A_72 {strides = array<i32>} : memref<128x128xf32, #tpu.memory_space<vmem>>, vector<1x16xf32>,
      %swap3A_73 = arith.index_cast %scan3A_62 : i32 to index
      %swap3A_74 = arith.constant 32 : index
      %swap3A_75 = tpu.vector_load %arg11[%swap3A_73, %swap3A_74] {strides = array<i32>} : memref<128x128xf32, #tpu.memory_space<vmem>>, vector<1x16xf32>,
      %swap3A_76 = vector.shape_cast %swap3A_75 : vector<1x16xf32> to vector<16xf32>
      %swap3A_77 = vector.shape_cast %broadcast_in_dim3A_1 : vector<16xf32> to vector<1x16xf32>
      tpu.vector_store %arg11[%swap3A_73, %swap3A_74], %swap3A_77 {strides = array<i32>} : memref<128x128xf32, #tpu.memory_space<vmem>>, vector<1x16xf32>,
      %swap3A_78 = arith.index_cast %scan3A_62 : i32 to index
      %swap3A_79 = arith.constant 48 : index
      %swap3A_80 = tpu.vector_load %arg11[%swap3A_78, %swap3A_79] {strides = array<i32>} : memref<128x128xf32, #tpu.memory_space<vmem>>, vector<1x16xf32>,
      %swap3A_81 = vector.shape_cast %swap3A_80 : vector<1x16xf32> to vector<16xf32>
      %swap3A_82 = vector.shape_cast %broadcast_in_dim3A_1 : vector<16xf32> to vector<1x16xf32>
      tpu.vector_store %arg11[%swap3A_78, %swap3A_79], %swap3A_82 {strides = array<i32>} : memref<128x128xf32, #tpu.memory_space<vmem>>, vector<1x16xf32>,
      %swap3A_83 = arith.index_cast %scan3A_62 : i32 to index
      %swap3A_84 = arith.constant 64 : index
      %swap3A_85 = tpu.vector_load %arg11[%swap3A_83, %swap3A_84] {strides = array<i32>} : memref<128x128xf32, #tpu.memory_space<vmem>>, vector<1x16xf32>,
      %swap3A_86 = vector.shape_cast %swap3A_85 : vector<1x16xf32> to vector<16xf32>
      %swap3A_87 = vector.shape_cast %broadcast_in_dim3A_1 : vector<16xf32> to vector<1x16xf32>
      tpu.vector_store %arg11[%swap3A_83, %swap3A_84], %swap3A_87 {strides = array<i32>} : memref<128x128xf32, #tpu.memory_space<vmem>>, vector<1x16xf32>,
      %swap3A_88 = arith.index_cast %scan3A_62 : i32 to index
      %swap3A_89 = arith.constant 80 : index
      %swap3A_90 = tpu.vector_load %arg11[%swap3A_88, %swap3A_89] {strides = array<i32>} : memref<128x128xf32, #tpu.memory_space<vmem>>, vector<1x16xf32>,
      %swap3A_91 = vector.shape_cast %swap3A_90 : vector<1x16xf32> to vector<16xf32>
      %swap3A_92 = vector.shape_cast %broadcast_in_dim3A_1 : vector<16xf32> to vector<1x16xf32>
      tpu.vector_store %arg11[%swap3A_88, %swap3A_89], %swap3A_92 {strides = array<i32>} : memref<128x128xf32, #tpu.memory_space<vmem>>, vector<1x16xf32>,
      %swap3A_93 = arith.index_cast %scan3A_62 : i32 to index
      %swap3A_94 = arith.constant 96 : index
      %swap3A_95 = tpu.vector_load %arg11[%swap3A_93, %swap3A_94] {strides = array<i32>} : memref<128x128xf32, #tpu.memory_space<vmem>>, vector<1x16xf32>,
      %swap3A_96 = vector.shape_cast %swap3A_95 : vector<1x16xf32> to vector<16xf32>
      %swap3A_97 = vector.shape_cast %broadcast_in_dim3A_1 : vector<16xf32> to vector<1x16xf32>
      tpu.vector_store %arg11[%swap3A_93, %swap3A_94], %swap3A_97 {strides = array<i32>} : memref<128x128xf32, #tpu.memory_space<vmem>>, vector<1x16xf32>,
      %swap3A_98 = arith.index_cast %scan3A_62 : i32 to index
      %swap3A_99 = arith.constant 112 : index
      %swap3A_100 = tpu.vector_load %arg11[%swap3A_98, %swap3A_99] {strides = array<i32>} : memref<128x128xf32, #tpu.memory_space<vmem>>, vector<1x16xf32>,
      %swap3A_101 = vector.shape_cast %swap3A_100 : vector<1x16xf32> to vector<16xf32>
      %swap3A_102 = vector.shape_cast %broadcast_in_dim3A_1 : vector<16xf32> to vector<1x16xf32>
      tpu.vector_store %arg11[%swap3A_98, %swap3A_99], %swap3A_102 {strides = array<i32>} : memref<128x128xf32, #tpu.memory_space<vmem>>, vector<1x16xf32>,
      %scan3A_103 = arith.constant 0 : i32
      scf.yield %scan3A_103 : i32
    }
    %scan3A_7 = arith.constant 128 : i32
    %mul3A_8 = arith.constant 640 : i32
    %mul3A_9 = arith.muli %arg1, %mul3A_8 : i32
    %add3A_10 = arith.constant 0 : i32
    %add3A_11 = arith.addi %mul3A_9, %add3A_10 : i32
    "tpu.region"() ({
      %run_scoped3A_62 = tpu.sem_alloc : memref<!tpu.dma_semaphore, #tpu.memory_space<semaphore_mem>>
      %dma_start3A = arith.constant 0 : i32
      %dma_start3A_63 = tpu.memref_slice %arg13[%add3A_11, %dma_start3A] : memref<10240x128xf32, #tpu.memory_space<vmem_shared>> -> memref<128x128xf32, #tpu.memory_space<vmem_shared>>
      %dma_start3A_64 = arith.constant 0 : i32
      %dma_start3A_65 = tpu.memref_slice %arg13[%add3A_11, %dma_start3A_64] : memref<10240x128xf32, #tpu.memory_space<vmem_shared>> -> memref<128x128xf32, #tpu.memory_space<vmem_shared>>
      tpu.enqueue_dma source(%arg11 : memref<128x128xf32, #tpu.memory_space<vmem>>) target(%dma_start3A_65 : memref<128x128xf32, #tpu.memory_space<vmem_shared>>) target_semaphore(%run_scoped3A_62 : memref<!tpu.dma_semaphore, #tpu.memory_space<semaphore_mem>>)
      %dma_wait3A = arith.constant 0 : i32
      %dma_wait3A_66 = tpu.memref_slice %arg13[%add3A_11, %dma_wait3A] : memref<10240x128xf32, #tpu.memory_space<vmem_shared>> -> memref<128x128xf32, #tpu.memory_space<vmem_shared>>
      %dma_wait3A_67 = arith.constant 0 : i32
      %dma_wait3A_68 = tpu.memref_slice %arg13[%add3A_11, %dma_wait3A_67] : memref<10240x128xf32, #tpu.memory_space<vmem_shared>> -> memref<128x128xf32, #tpu.memory_space<vmem_shared>>
      tpu.wait_dma2 semaphore(%run_scoped3A_62 : memref<!tpu.dma_semaphore, #tpu.memory_space<semaphore_mem>>) src(%arg11 : memref<128x128xf32, #tpu.memory_space<vmem>>) dst(%dma_wait3A_68 : memref<128x128xf32, #tpu.memory_space<vmem_shared>>)
      tpu.yield
    }) : () -> ()
    %mul3A_12 = arith.constant 640 : i32
    %mul3A_13 = arith.muli %arg1, %mul3A_12 : i32
    %add3A_14 = arith.constant 0 : i32
    %add3A_15 = arith.addi %mul3A_13, %add3A_14 : i32
    %run_scoped3A = arith.constant 0 : i32
    "tpu.region"() ({
      %run_scoped3A_62 = tpu.sem_alloc : memref<!tpu.dma_semaphore, #tpu.memory_space<semaphore_mem>>
      %dma_start3A = arith.constant 0 : i32
      %dma_start3A_63 = tpu.memref_slice %arg11[%run_scoped3A, %dma_start3A] : memref<128x128xf32, #tpu.memory_space<vmem>> -> memref<1x128xf32, #tpu.memory_space<vmem>>
      %dma_start3A_64 = tpu.memref_squeeze %dma_start3A_63 : memref<1x128xf32, #tpu.memory_space<vmem>> -> memref<128xf32, #tpu.memory_space<vmem>>
      %dma_start3A_65 = tpu.memref_slice %arg14[%add3A_15] : memref<10240xf32, #tpu.memory_space<vmem_shared>> -> memref<128xf32, #tpu.memory_space<vmem_shared>>
      %dma_start3A_66 = tpu.memref_slice %arg14[%add3A_15] : memref<10240xf32, #tpu.memory_space<vmem_shared>> -> memref<128xf32, #tpu.memory_space<vmem_shared>>
      %dma_start3A_67 = arith.constant 0 : i32
      %dma_start3A_68 = tpu.memref_slice %arg11[%run_scoped3A, %dma_start3A_67] : memref<128x128xf32, #tpu.memory_space<vmem>> -> memref<1x128xf32, #tpu.memory_space<vmem>>
      %dma_start3A_69 = tpu.memref_squeeze %dma_start3A_68 : memref<1x128xf32, #tpu.memory_space<vmem>> -> memref<128xf32, #tpu.memory_space<vmem>>
      tpu.enqueue_dma source(%dma_start3A_69 : memref<128xf32, #tpu.memory_space<vmem>>) target(%dma_start3A_66 : memref<128xf32, #tpu.memory_space<vmem_shared>>) target_semaphore(%run_scoped3A_62 : memref<!tpu.dma_semaphore, #tpu.memory_space<semaphore_mem>>)
      %dma_wait3A = arith.constant 0 : i32
      %dma_wait3A_70 = tpu.memref_slice %arg11[%run_scoped3A, %dma_wait3A] : memref<128x128xf32, #tpu.memory_space<vmem>> -> memref<1x128xf32, #tpu.memory_space<vmem>>
      %dma_wait3A_71 = tpu.memref_squeeze %dma_wait3A_70 : memref<1x128xf32, #tpu.memory_space<vmem>> -> memref<128xf32, #tpu.memory_space<vmem>>
      %dma_wait3A_72 = tpu.memref_slice %arg14[%add3A_15] : memref<10240xf32, #tpu.memory_space<vmem_shared>> -> memref<128xf32, #tpu.memory_space<vmem_shared>>
      %dma_wait3A_73 = tpu.memref_slice %arg14[%add3A_15] : memref<10240xf32, #tpu.memory_space<vmem_shared>> -> memref<128xf32, #tpu.memory_space<vmem_shared>>
      %dma_wait3A_74 = arith.constant 0 : i32
      %dma_wait3A_75 = tpu.memref_slice %arg11[%run_scoped3A, %dma_wait3A_74] : memref<128x128xf32, #tpu.memory_space<vmem>> -> memref<1x128xf32, #tpu.memory_space<vmem>>
      %dma_wait3A_76 = tpu.memref_squeeze %dma_wait3A_75 : memref<1x128xf32, #tpu.memory_space<vmem>> -> memref<128xf32, #tpu.memory_space<vmem>>
      tpu.wait_dma2 semaphore(%run_scoped3A_62 : memref<!tpu.dma_semaphore, #tpu.memory_space<semaphore_mem>>) src(%dma_wait3A_76 : memref<128xf32, #tpu.memory_space<vmem>>) dst(%dma_wait3A_73 : memref<128xf32, #tpu.memory_space<vmem_shared>>)
      tpu.yield
    }) : () -> ()
    %mul3A_16 = arith.constant 640 : i32
    %mul3A_17 = arith.muli %arg1, %mul3A_16 : i32
    %add3A_18 = arith.constant 128 : i32
    %add3A_19 = arith.addi %mul3A_17, %add3A_18 : i32
    "tpu.region"() ({
      %run_scoped3A_62 = tpu.sem_alloc : memref<!tpu.dma_semaphore, #tpu.memory_space<semaphore_mem>>
      %dma_start3A = arith.constant 0 : i32
      %dma_start3A_63 = tpu.memref_slice %arg13[%add3A_19, %dma_start3A] : memref<10240x128xf32, #tpu.memory_space<vmem_shared>> -> memref<128x128xf32, #tpu.memory_space<vmem_shared>>
      %dma_start3A_64 = arith.constant 0 : i32
      %dma_start3A_65 = tpu.memref_slice %arg13[%add3A_19, %dma_start3A_64] : memref<10240x128xf32, #tpu.memory_space<vmem_shared>> -> memref<128x128xf32, #tpu.memory_space<vmem_shared>>
      tpu.enqueue_dma source(%arg11 : memref<128x128xf32, #tpu.memory_space<vmem>>) target(%dma_start3A_65 : memref<128x128xf32, #tpu.memory_space<vmem_shared>>) target_semaphore(%run_scoped3A_62 : memref<!tpu.dma_semaphore, #tpu.memory_space<semaphore_mem>>)
      %dma_wait3A = arith.constant 0 : i32
      %dma_wait3A_66 = tpu.memref_slice %arg13[%add3A_19, %dma_wait3A] : memref<10240x128xf32, #tpu.memory_space<vmem_shared>> -> memref<128x128xf32, #tpu.memory_space<vmem_shared>>
      %dma_wait3A_67 = arith.constant 0 : i32
      %dma_wait3A_68 = tpu.memref_slice %arg13[%add3A_19, %dma_wait3A_67] : memref<10240x128xf32, #tpu.memory_space<vmem_shared>> -> memref<128x128xf32, #tpu.memory_space<vmem_shared>>
      tpu.wait_dma2 semaphore(%run_scoped3A_62 : memref<!tpu.dma_semaphore, #tpu.memory_space<semaphore_mem>>) src(%arg11 : memref<128x128xf32, #tpu.memory_space<vmem>>) dst(%dma_wait3A_68 : memref<128x128xf32, #tpu.memory_space<vmem_shared>>)
      tpu.yield
    }) : () -> ()
    %mul3A_20 = arith.constant 640 : i32
    %mul3A_21 = arith.muli %arg1, %mul3A_20 : i32
    %add3A_22 = arith.constant 128 : i32
    %add3A_23 = arith.addi %mul3A_21, %add3A_22 : i32
    %run_scoped3A_24 = arith.constant 0 : i32
    "tpu.region"() ({
      %run_scoped3A_62 = tpu.sem_alloc : memref<!tpu.dma_semaphore, #tpu.memory_space<semaphore_mem>>
      %dma_start3A = arith.constant 0 : i32
      %dma_start3A_63 = tpu.memref_slice %arg11[%run_scoped3A_24, %dma_start3A] : memref<128x128xf32, #tpu.memory_space<vmem>> -> memref<1x128xf32, #tpu.memory_space<vmem>>
      %dma_start3A_64 = tpu.memref_squeeze %dma_start3A_63 : memref<1x128xf32, #tpu.memory_space<vmem>> -> memref<128xf32, #tpu.memory_space<vmem>>
      %dma_start3A_65 = tpu.memref_slice %arg14[%add3A_23] : memref<10240xf32, #tpu.memory_space<vmem_shared>> -> memref<128xf32, #tpu.memory_space<vmem_shared>>
      %dma_start3A_66 = tpu.memref_slice %arg14[%add3A_23] : memref<10240xf32, #tpu.memory_space<vmem_shared>> -> memref<128xf32, #tpu.memory_space<vmem_shared>>
      %dma_start3A_67 = arith.constant 0 : i32
      %dma_start3A_68 = tpu.memref_slice %arg11[%run_scoped3A_24, %dma_start3A_67] : memref<128x128xf32, #tpu.memory_space<vmem>> -> memref<1x128xf32, #tpu.memory_space<vmem>>
      %dma_start3A_69 = tpu.memref_squeeze %dma_start3A_68 : memref<1x128xf32, #tpu.memory_space<vmem>> -> memref<128xf32, #tpu.memory_space<vmem>>
      tpu.enqueue_dma source(%dma_start3A_69 : memref<128xf32, #tpu.memory_space<vmem>>) target(%dma_start3A_66 : memref<128xf32, #tpu.memory_space<vmem_shared>>) target_semaphore(%run_scoped3A_62 : memref<!tpu.dma_semaphore, #tpu.memory_space<semaphore_mem>>)
      %dma_wait3A = arith.constant 0 : i32
      %dma_wait3A_70 = tpu.memref_slice %arg11[%run_scoped3A_24, %dma_wait3A] : memref<128x128xf32, #tpu.memory_space<vmem>> -> memref<1x128xf32, #tpu.memory_space<vmem>>
      %dma_wait3A_71 = tpu.memref_squeeze %dma_wait3A_70 : memref<1x128xf32, #tpu.memory_space<vmem>> -> memref<128xf32, #tpu.memory_space<vmem>>
      %dma_wait3A_72 = tpu.memref_slice %arg14[%add3A_23] : memref<10240xf32, #tpu.memory_space<vmem_shared>> -> memref<128xf32, #tpu.memory_space<vmem_shared>>
      %dma_wait3A_73 = tpu.memref_slice %arg14[%add3A_23] : memref<10240xf32, #tpu.memory_space<vmem_shared>> -> memref<128xf32, #tpu.memory_space<vmem_shared>>
      %dma_wait3A_74 = arith.constant 0 : i32
      %dma_wait3A_75 = tpu.memref_slice %arg11[%run_scoped3A_24, %dma_wait3A_74] : memref<128x128xf32, #tpu.memory_space<vmem>> -> memref<1x128xf32, #tpu.memory_space<vmem>>
      %dma_wait3A_76 = tpu.memref_squeeze %dma_wait3A_75 : memref<1x128xf32, #tpu.memory_space<vmem>> -> memref<128xf32, #tpu.memory_space<vmem>>
      tpu.wait_dma2 semaphore(%run_scoped3A_62 : memref<!tpu.dma_semaphore, #tpu.memory_space<semaphore_mem>>) src(%dma_wait3A_76 : memref<128xf32, #tpu.memory_space<vmem>>) dst(%dma_wait3A_73 : memref<128xf32, #tpu.memory_space<vmem_shared>>)
      tpu.yield
    }) : () -> ()
    %mul3A_25 = arith.constant 640 : i32
    %mul3A_26 = arith.muli %arg1, %mul3A_25 : i32
    %add3A_27 = arith.constant 256 : i32
    %add3A_28 = arith.addi %mul3A_26, %add3A_27 : i32
    "tpu.region"() ({
      %run_scoped3A_62 = tpu.sem_alloc : memref<!tpu.dma_semaphore, #tpu.memory_space<semaphore_mem>>
      %dma_start3A = arith.constant 0 : i32
      %dma_start3A_63 = tpu.memref_slice %arg13[%add3A_28, %dma_start3A] : memref<10240x128xf32, #tpu.memory_space<vmem_shared>> -> memref<128x128xf32, #tpu.memory_space<vmem_shared>>
      %dma_start3A_64 = arith.constant 0 : i32
      %dma_start3A_65 = tpu.memref_slice %arg13[%add3A_28, %dma_start3A_64] : memref<10240x128xf32, #tpu.memory_space<vmem_shared>> -> memref<128x128xf32, #tpu.memory_space<vmem_shared>>
      tpu.enqueue_dma source(%arg11 : memref<128x128xf32, #tpu.memory_space<vmem>>) target(%dma_start3A_65 : memref<128x128xf32, #tpu.memory_space<vmem_shared>>) target_semaphore(%run_scoped3A_62 : memref<!tpu.dma_semaphore, #tpu.memory_space<semaphore_mem>>)
      %dma_wait3A = arith.constant 0 : i32
      %dma_wait3A_66 = tpu.memref_slice %arg13[%add3A_28, %dma_wait3A] : memref<10240x128xf32, #tpu.memory_space<vmem_shared>> -> memref<128x128xf32, #tpu.memory_space<vmem_shared>>
      %dma_wait3A_67 = arith.constant 0 : i32
      %dma_wait3A_68 = tpu.memref_slice %arg13[%add3A_28, %dma_wait3A_67] : memref<10240x128xf32, #tpu.memory_space<vmem_shared>> -> memref<128x128xf32, #tpu.memory_space<vmem_shared>>
      tpu.wait_dma2 semaphore(%run_scoped3A_62 : memref<!tpu.dma_semaphore, #tpu.memory_space<semaphore_mem>>) src(%arg11 : memref<128x128xf32, #tpu.memory_space<vmem>>) dst(%dma_wait3A_68 : memref<128x128xf32, #tpu.memory_space<vmem_shared>>)
      tpu.yield
    }) : () -> ()
    %mul3A_29 = arith.constant 640 : i32
    %mul3A_30 = arith.muli %arg1, %mul3A_29 : i32
    %add3A_31 = arith.constant 256 : i32
    %add3A_32 = arith.addi %mul3A_30, %add3A_31 : i32
    %run_scoped3A_33 = arith.constant 0 : i32
    "tpu.region"() ({
      %run_scoped3A_62 = tpu.sem_alloc : memref<!tpu.dma_semaphore, #tpu.memory_space<semaphore_mem>>
      %dma_start3A = arith.constant 0 : i32
      %dma_start3A_63 = tpu.memref_slice %arg11[%run_scoped3A_33, %dma_start3A] : memref<128x128xf32, #tpu.memory_space<vmem>> -> memref<1x128xf32, #tpu.memory_space<vmem>>
      %dma_start3A_64 = tpu.memref_squeeze %dma_start3A_63 : memref<1x128xf32, #tpu.memory_space<vmem>> -> memref<128xf32, #tpu.memory_space<vmem>>
      %dma_start3A_65 = tpu.memref_slice %arg14[%add3A_32] : memref<10240xf32, #tpu.memory_space<vmem_shared>> -> memref<128xf32, #tpu.memory_space<vmem_shared>>
      %dma_start3A_66 = tpu.memref_slice %arg14[%add3A_32] : memref<10240xf32, #tpu.memory_space<vmem_shared>> -> memref<128xf32, #tpu.memory_space<vmem_shared>>
      %dma_start3A_67 = arith.constant 0 : i32
      %dma_start3A_68 = tpu.memref_slice %arg11[%run_scoped3A_33, %dma_start3A_67] : memref<128x128xf32, #tpu.memory_space<vmem>> -> memref<1x128xf32, #tpu.memory_space<vmem>>
      %dma_start3A_69 = tpu.memref_squeeze %dma_start3A_68 : memref<1x128xf32, #tpu.memory_space<vmem>> -> memref<128xf32, #tpu.memory_space<vmem>>
      tpu.enqueue_dma source(%dma_start3A_69 : memref<128xf32, #tpu.memory_space<vmem>>) target(%dma_start3A_66 : memref<128xf32, #tpu.memory_space<vmem_shared>>) target_semaphore(%run_scoped3A_62 : memref<!tpu.dma_semaphore, #tpu.memory_space<semaphore_mem>>)
      %dma_wait3A = arith.constant 0 : i32
      %dma_wait3A_70 = tpu.memref_slice %arg11[%run_scoped3A_33, %dma_wait3A] : memref<128x128xf32, #tpu.memory_space<vmem>> -> memref<1x128xf32, #tpu.memory_space<vmem>>
      %dma_wait3A_71 = tpu.memref_squeeze %dma_wait3A_70 : memref<1x128xf32, #tpu.memory_space<vmem>> -> memref<128xf32, #tpu.memory_space<vmem>>
      %dma_wait3A_72 = tpu.memref_slice %arg14[%add3A_32] : memref<10240xf32, #tpu.memory_space<vmem_shared>> -> memref<128xf32, #tpu.memory_space<vmem_shared>>
      %dma_wait3A_73 = tpu.memref_slice %arg14[%add3A_32] : memref<10240xf32, #tpu.memory_space<vmem_shared>> -> memref<128xf32, #tpu.memory_space<vmem_shared>>
      %dma_wait3A_74 = arith.constant 0 : i32
      %dma_wait3A_75 = tpu.memref_slice %arg11[%run_scoped3A_33, %dma_wait3A_74] : memref<128x128xf32, #tpu.memory_space<vmem>> -> memref<1x128xf32, #tpu.memory_space<vmem>>
      %dma_wait3A_76 = tpu.memref_squeeze %dma_wait3A_75 : memref<1x128xf32, #tpu.memory_space<vmem>> -> memref<128xf32, #tpu.memory_space<vmem>>
      tpu.wait_dma2 semaphore(%run_scoped3A_62 : memref<!tpu.dma_semaphore, #tpu.memory_space<semaphore_mem>>) src(%dma_wait3A_76 : memref<128xf32, #tpu.memory_space<vmem>>) dst(%dma_wait3A_73 : memref<128xf32, #tpu.memory_space<vmem_shared>>)
      tpu.yield
    }) : () -> ()
    %mul3A_34 = arith.constant 640 : i32
    %mul3A_35 = arith.muli %arg1, %mul3A_34 : i32
    %add3A_36 = arith.constant 384 : i32
    %add3A_37 = arith.addi %mul3A_35, %add3A_36 : i32
    "tpu.region"() ({
      %run_scoped3A_62 = tpu.sem_alloc : memref<!tpu.dma_semaphore, #tpu.memory_space<semaphore_mem>>
      %dma_start3A = arith.constant 0 : i32
      %dma_start3A_63 = tpu.memref_slice %arg13[%add3A_37, %dma_start3A] : memref<10240x128xf32, #tpu.memory_space<vmem_shared>> -> memref<128x128xf32, #tpu.memory_space<vmem_shared>>
      %dma_start3A_64 = arith.constant 0 : i32
      %dma_start3A_65 = tpu.memref_slice %arg13[%add3A_37, %dma_start3A_64] : memref<10240x128xf32, #tpu.memory_space<vmem_shared>> -> memref<128x128xf32, #tpu.memory_space<vmem_shared>>
      tpu.enqueue_dma source(%arg11 : memref<128x128xf32, #tpu.memory_space<vmem>>) target(%dma_start3A_65 : memref<128x128xf32, #tpu.memory_space<vmem_shared>>) target_semaphore(%run_scoped3A_62 : memref<!tpu.dma_semaphore, #tpu.memory_space<semaphore_mem>>)
      %dma_wait3A = arith.constant 0 : i32
      %dma_wait3A_66 = tpu.memref_slice %arg13[%add3A_37, %dma_wait3A] : memref<10240x128xf32, #tpu.memory_space<vmem_shared>> -> memref<128x128xf32, #tpu.memory_space<vmem_shared>>
      %dma_wait3A_67 = arith.constant 0 : i32
      %dma_wait3A_68 = tpu.memref_slice %arg13[%add3A_37, %dma_wait3A_67] : memref<10240x128xf32, #tpu.memory_space<vmem_shared>> -> memref<128x128xf32, #tpu.memory_space<vmem_shared>>
      tpu.wait_dma2 semaphore(%run_scoped3A_62 : memref<!tpu.dma_semaphore, #tpu.memory_space<semaphore_mem>>) src(%arg11 : memref<128x128xf32, #tpu.memory_space<vmem>>) dst(%dma_wait3A_68 : memref<128x128xf32, #tpu.memory_space<vmem_shared>>)
      tpu.yield
    }) : () -> ()
    %mul3A_38 = arith.constant 640 : i32
    %mul3A_39 = arith.muli %arg1, %mul3A_38 : i32
    %add3A_40 = arith.constant 384 : i32
    %add3A_41 = arith.addi %mul3A_39, %add3A_40 : i32
    %run_scoped3A_42 = arith.constant 0 : i32
    "tpu.region"() ({
      %run_scoped3A_62 = tpu.sem_alloc : memref<!tpu.dma_semaphore, #tpu.memory_space<semaphore_mem>>
      %dma_start3A = arith.constant 0 : i32
      %dma_start3A_63 = tpu.memref_slice %arg11[%run_scoped3A_42, %dma_start3A] : memref<128x128xf32, #tpu.memory_space<vmem>> -> memref<1x128xf32, #tpu.memory_space<vmem>>
      %dma_start3A_64 = tpu.memref_squeeze %dma_start3A_63 : memref<1x128xf32, #tpu.memory_space<vmem>> -> memref<128xf32, #tpu.memory_space<vmem>>
      %dma_start3A_65 = tpu.memref_slice %arg14[%add3A_41] : memref<10240xf32, #tpu.memory_space<vmem_shared>> -> memref<128xf32, #tpu.memory_space<vmem_shared>>
      %dma_start3A_66 = tpu.memref_slice %arg14[%add3A_41] : memref<10240xf32, #tpu.memory_space<vmem_shared>> -> memref<128xf32, #tpu.memory_space<vmem_shared>>
      %dma_start3A_67 = arith.constant 0 : i32
      %dma_start3A_68 = tpu.memref_slice %arg11[%run_scoped3A_42, %dma_start3A_67] : memref<128x128xf32, #tpu.memory_space<vmem>> -> memref<1x128xf32, #tpu.memory_space<vmem>>
      %dma_start3A_69 = tpu.memref_squeeze %dma_start3A_68 : memref<1x128xf32, #tpu.memory_space<vmem>> -> memref<128xf32, #tpu.memory_space<vmem>>
      tpu.enqueue_dma source(%dma_start3A_69 : memref<128xf32, #tpu.memory_space<vmem>>) target(%dma_start3A_66 : memref<128xf32, #tpu.memory_space<vmem_shared>>) target_semaphore(%run_scoped3A_62 : memref<!tpu.dma_semaphore, #tpu.memory_space<semaphore_mem>>)
      %dma_wait3A = arith.constant 0 : i32
      %dma_wait3A_70 = tpu.memref_slice %arg11[%run_scoped3A_42, %dma_wait3A] : memref<128x128xf32, #tpu.memory_space<vmem>> -> memref<1x128xf32, #tpu.memory_space<vmem>>
      %dma_wait3A_71 = tpu.memref_squeeze %dma_wait3A_70 : memref<1x128xf32, #tpu.memory_space<vmem>> -> memref<128xf32, #tpu.memory_space<vmem>>
      %dma_wait3A_72 = tpu.memref_slice %arg14[%add3A_41] : memref<10240xf32, #tpu.memory_space<vmem_shared>> -> memref<128xf32, #tpu.memory_space<vmem_shared>>
      %dma_wait3A_73 = tpu.memref_slice %arg14[%add3A_41] : memref<10240xf32, #tpu.memory_space<vmem_shared>> -> memref<128xf32, #tpu.memory_space<vmem_shared>>
      %dma_wait3A_74 = arith.constant 0 : i32
      %dma_wait3A_75 = tpu.memref_slice %arg11[%run_scoped3A_42, %dma_wait3A_74] : memref<128x128xf32, #tpu.memory_space<vmem>> -> memref<1x128xf32, #tpu.memory_space<vmem>>
      %dma_wait3A_76 = tpu.memref_squeeze %dma_wait3A_75 : memref<1x128xf32, #tpu.memory_space<vmem>> -> memref<128xf32, #tpu.memory_space<vmem>>
      tpu.wait_dma2 semaphore(%run_scoped3A_62 : memref<!tpu.dma_semaphore, #tpu.memory_space<semaphore_mem>>) src(%dma_wait3A_76 : memref<128xf32, #tpu.memory_space<vmem>>) dst(%dma_wait3A_73 : memref<128xf32, #tpu.memory_space<vmem_shared>>)
      tpu.yield
    }) : () -> ()
    %mul3A_43 = arith.constant 640 : i32
    %mul3A_44 = arith.muli %arg1, %mul3A_43 : i32
    %add3A_45 = arith.constant 512 : i32
    %add3A_46 = arith.addi %mul3A_44, %add3A_45 : i32
    "tpu.region"() ({
      %run_scoped3A_62 = tpu.sem_alloc : memref<!tpu.dma_semaphore, #tpu.memory_space<semaphore_mem>>
      %dma_start3A = arith.constant 0 : i32
      %dma_start3A_63 = tpu.memref_slice %arg13[%add3A_46, %dma_start3A] : memref<10240x128xf32, #tpu.memory_space<vmem_shared>> -> memref<128x128xf32, #tpu.memory_space<vmem_shared>>
      %dma_start3A_64 = arith.constant 0 : i32
      %dma_start3A_65 = tpu.memref_slice %arg13[%add3A_46, %dma_start3A_64] : memref<10240x128xf32, #tpu.memory_space<vmem_shared>> -> memref<128x128xf32, #tpu.memory_space<vmem_shared>>
      tpu.enqueue_dma source(%arg11 : memref<128x128xf32, #tpu.memory_space<vmem>>) target(%dma_start3A_65 : memref<128x128xf32, #tpu.memory_space<vmem_shared>>) target_semaphore(%run_scoped3A_62 : memref<!tpu.dma_semaphore, #tpu.memory_space<semaphore_mem>>)
      %dma_wait3A = arith.constant 0 : i32
      %dma_wait3A_66 = tpu.memref_slice %arg13[%add3A_46, %dma_wait3A] : memref<10240x128xf32, #tpu.memory_space<vmem_shared>> -> memref<128x128xf32, #tpu.memory_space<vmem_shared>>
      %dma_wait3A_67 = arith.constant 0 : i32
      %dma_wait3A_68 = tpu.memref_slice %arg13[%add3A_46, %dma_wait3A_67] : memref<10240x128xf32, #tpu.memory_space<vmem_shared>> -> memref<128x128xf32, #tpu.memory_space<vmem_shared>>
      tpu.wait_dma2 semaphore(%run_scoped3A_62 : memref<!tpu.dma_semaphore, #tpu.memory_space<semaphore_mem>>) src(%arg11 : memref<128x128xf32, #tpu.memory_space<vmem>>) dst(%dma_wait3A_68 : memref<128x128xf32, #tpu.memory_space<vmem_shared>>)
      tpu.yield
    }) : () -> ()
    %mul3A_47 = arith.constant 640 : i32
    %mul3A_48 = arith.muli %arg1, %mul3A_47 : i32
    %add3A_49 = arith.constant 512 : i32
    %add3A_50 = arith.addi %mul3A_48, %add3A_49 : i32
    %run_scoped3A_51 = arith.constant 0 : i32
    "tpu.region"() ({
      %run_scoped3A_62 = tpu.sem_alloc : memref<!tpu.dma_semaphore, #tpu.memory_space<semaphore_mem>>
      %dma_start3A = arith.constant 0 : i32
      %dma_start3A_63 = tpu.memref_slice %arg11[%run_scoped3A_51, %dma_start3A] : memref<128x128xf32, #tpu.memory_space<vmem>> -> memref<1x128xf32, #tpu.memory_space<vmem>>
      %dma_start3A_64 = tpu.memref_squeeze %dma_start3A_63 : memref<1x128xf32, #tpu.memory_space<vmem>> -> memref<128xf32, #tpu.memory_space<vmem>>
      %dma_start3A_65 = tpu.memref_slice %arg14[%add3A_50] : memref<10240xf32, #tpu.memory_space<vmem_shared>> -> memref<128xf32, #tpu.memory_space<vmem_shared>>
      %dma_start3A_66 = tpu.memref_slice %arg14[%add3A_50] : memref<10240xf32, #tpu.memory_space<vmem_shared>> -> memref<128xf32, #tpu.memory_space<vmem_shared>>
      %dma_start3A_67 = arith.constant 0 : i32
      %dma_start3A_68 = tpu.memref_slice %arg11[%run_scoped3A_51, %dma_start3A_67] : memref<128x128xf32, #tpu.memory_space<vmem>> -> memref<1x128xf32, #tpu.memory_space<vmem>>
      %dma_start3A_69 = tpu.memref_squeeze %dma_start3A_68 : memref<1x128xf32, #tpu.memory_space<vmem>> -> memref<128xf32, #tpu.memory_space<vmem>>
      tpu.enqueue_dma source(%dma_start3A_69 : memref<128xf32, #tpu.memory_space<vmem>>) target(%dma_start3A_66 : memref<128xf32, #tpu.memory_space<vmem_shared>>) target_semaphore(%run_scoped3A_62 : memref<!tpu.dma_semaphore, #tpu.memory_space<semaphore_mem>>)
      %dma_wait3A = arith.constant 0 : i32
      %dma_wait3A_70 = tpu.memref_slice %arg11[%run_scoped3A_51, %dma_wait3A] : memref<128x128xf32, #tpu.memory_space<vmem>> -> memref<1x128xf32, #tpu.memory_space<vmem>>
      %dma_wait3A_71 = tpu.memref_squeeze %dma_wait3A_70 : memref<1x128xf32, #tpu.memory_space<vmem>> -> memref<128xf32, #tpu.memory_space<vmem>>
      %dma_wait3A_72 = tpu.memref_slice %arg14[%add3A_50] : memref<10240xf32, #tpu.memory_space<vmem_shared>> -> memref<128xf32, #tpu.memory_space<vmem_shared>>
      %dma_wait3A_73 = tpu.memref_slice %arg14[%add3A_50] : memref<10240xf32, #tpu.memory_space<vmem_shared>> -> memref<128xf32, #tpu.memory_space<vmem_shared>>
      %dma_wait3A_74 = arith.constant 0 : i32
      %dma_wait3A_75 = tpu.memref_slice %arg11[%run_scoped3A_51, %dma_wait3A_74] : memref<128x128xf32, #tpu.memory_space<vmem>> -> memref<1x128xf32, #tpu.memory_space<vmem>>
      %dma_wait3A_76 = tpu.memref_squeeze %dma_wait3A_75 : memref<1x128xf32, #tpu.memory_space<vmem>> -> memref<128xf32, #tpu.memory_space<vmem>>
      tpu.wait_dma2 semaphore(%run_scoped3A_62 : memref<!tpu.dma_semaphore, #tpu.memory_space<semaphore_mem>>) src(%dma_wait3A_76 : memref<128xf32, #tpu.memory_space<vmem>>) dst(%dma_wait3A_73 : memref<128xf32, #tpu.memory_space<vmem_shared>>)
      tpu.yield
    }) : () -> ()
    %barrier3A = arith.constant 0 : index
    tpu.barrier barrier_id(%barrier3A)
    %scan3A_52 = arith.constant 0 : i32
    %scan3A_53 = arith.constant 0 : i32
    %scan3A_54 = arith.constant 80 : i32
    %scan3A_55 = arith.addi %scan3A_53, %scan3A_54 : i32
    %scan3A_56 = arith.constant 1 : i32
    %scan3A_57 = scf.for %scan3A_62 = %scan3A_53 to %scan3A_55 step %scan3A_56 iter_args(%scan3A_63 = %scan3A_52) -> (i32)  : i32 {
      %dma_start3A = arith.constant 0 : i32
      %dma_start3A_64 = tpu.memref_slice %arg8[%scan3A_62, %dma_start3A] : memref<80x128xi32, #tpu.memory_space<vmem>> -> memref<1x128xi32, #tpu.memory_space<vmem>>
      %dma_start3A_65 = tpu.memref_squeeze %dma_start3A_64 : memref<1x128xi32, #tpu.memory_space<vmem>> -> memref<128xi32, #tpu.memory_space<vmem>>
      %dma_start3A_66 = arith.constant 0 : i32
      %dma_start3A_67 = arith.constant 0 : i32
      %dma_start3A_68 = tpu.memref_slice %arg2[%dma_start3A_66, %dma_start3A_67] : memref<10000x128xf32, #tpu.memory_space<hbm>> -> memref<10000x128xf32, #tpu.memory_space<hbm>>
      tpu.enqueue_indirect_dma source(%dma_start3A_68 : memref<10000x128xf32, #tpu.memory_space<hbm>>) target(%arg11 : memref<128x128xf32, #tpu.memory_space<vmem>>) offsets(%dma_start3A_65 : memref<128xi32, #tpu.memory_space<vmem>>) semaphore(%arg15 : memref<!tpu.dma_semaphore, #tpu.memory_space<semaphore_mem>>)
      %dma_wait3A = arith.constant 0 : i32
      %dma_wait3A_69 = tpu.memref_slice %arg8[%scan3A_62, %dma_wait3A] : memref<80x128xi32, #tpu.memory_space<vmem>> -> memref<1x128xi32, #tpu.memory_space<vmem>>
      %dma_wait3A_70 = tpu.memref_squeeze %dma_wait3A_69 : memref<1x128xi32, #tpu.memory_space<vmem>> -> memref<128xi32, #tpu.memory_space<vmem>>
      %dma_wait3A_71 = arith.constant 0 : i32
      %dma_wait3A_72 = arith.constant 0 : i32
      %dma_wait3A_73 = tpu.memref_slice %arg2[%dma_wait3A_71, %dma_wait3A_72] : memref<10000x128xf32, #tpu.memory_space<hbm>> -> memref<10000x128xf32, #tpu.memory_space<hbm>>
      tpu.wait_indirect_dma semaphore(%arg15 : memref<!tpu.dma_semaphore, #tpu.memory_space<semaphore_mem>>) src(%dma_wait3A_73 : memref<10000x128xf32, #tpu.memory_space<hbm>>) dst(%arg11 : memref<128x128xf32, #tpu.memory_space<vmem>>)
      %scan3A_74 = arith.constant 0 : i32
      %scan3A_75 = arith.constant 0 : i32
      %scan3A_76 = arith.constant 8 : i32
      %scan3A_77 = arith.addi %scan3A_75, %scan3A_76 : i32
      %scan3A_78 = arith.constant 1 : i32
      %scan3A_79 = scf.for %scan3A_82 = %scan3A_75 to %scan3A_77 step %scan3A_78 iter_args(%scan3A_83 = %scan3A_74) -> (i32)  : i32 {
        %mul3A_84 = arith.constant 16 : i32
        %mul3A_85 = arith.muli %mul3A_84, %scan3A_82 : i32
        %get3A = arith.index_cast %scan3A_62 : i32 to index
        %get3A_86 = arith.index_cast %mul3A_85 : i32 to index
        %get3A_87 = tpu.vector_load %arg10[%get3A, %get3A_86] {strides = array<i32>} : memref<80x128xf32, #tpu.memory_space<vmem>>, vector<1x16xf32>,
        %get3A_88 = vector.shape_cast %get3A_87 : vector<1x16xf32> to vector<16xf32>
        %slice3A = vector.extract_strided_slice %get3A_88 {offsets = [0], sizes = [1], strides = [1]} : vector<16xf32> to vector<1xf32>
        %squeeze3A = vector.extract %slice3A[0] : f32 from vector<1xf32>
        %broadcast_in_dim3A_89 = vector.broadcast %squeeze3A : f32 to vector<16xf32>
        %mul3A_90 = arith.constant 16 : i32
        %mul3A_91 = arith.muli %mul3A_90, %scan3A_82 : i32
        %add3A_92 = arith.constant 0 : i32
        %add3A_93 = arith.addi %mul3A_91, %add3A_92 : i32
        %get3A_94 = arith.index_cast %add3A_93 : i32 to index
        %get3A_95 = arith.constant 0 : index
        %get3A_96 = tpu.vector_load %arg11[%get3A_94, %get3A_95] {strides = array<i32>} : memref<128x128xf32, #tpu.memory_space<vmem>>, vector<1x16xf32>,
        %get3A_97 = vector.shape_cast %get3A_96 : vector<1x16xf32> to vector<16xf32>
        %mul3A_98 = arith.mulf %get3A_97, %broadcast_in_dim3A_89 : vector<16xf32>
        %swap3A = arith.index_cast %add3A_93 : i32 to index
        %swap3A_99 = arith.constant 0 : index
        %swap3A_100 = tpu.vector_load %arg11[%swap3A, %swap3A_99] {strides = array<i32>} : memref<128x128xf32, #tpu.memory_space<vmem>>, vector<1x16xf32>,
        %swap3A_101 = vector.shape_cast %swap3A_100 : vector<1x16xf32> to vector<16xf32>
        %swap3A_102 = vector.shape_cast %mul3A_98 : vector<16xf32> to vector<1x16xf32>
        tpu.vector_store %arg11[%swap3A, %swap3A_99], %swap3A_102 {strides = array<i32>} : memref<128x128xf32, #tpu.memory_space<vmem>>, vector<1x16xf32>,
        %get3A_103 = arith.index_cast %add3A_93 : i32 to index
        %get3A_104 = arith.constant 16 : index
        %get3A_105 = tpu.vector_load %arg11[%get3A_103, %get3A_104] {strides = array<i32>} : memref<128x128xf32, #tpu.memory_space<vmem>>, vector<1x16xf32>,
        %get3A_106 = vector.shape_cast %get3A_105 : vector<1x16xf32> to vector<16xf32>
        %mul3A_107 = arith.mulf %get3A_106, %broadcast_in_dim3A_89 : vector<16xf32>
        %swap3A_108 = arith.index_cast %add3A_93 : i32 to index
        %swap3A_109 = arith.constant 16 : index
        %swap3A_110 = tpu.vector_load %arg11[%swap3A_108, %swap3A_109] {strides = array<i32>} : memref<128x128xf32, #tpu.memory_space<vmem>>, vector<1x16xf32>,
        %swap3A_111 = vector.shape_cast %swap3A_110 : vector<1x16xf32> to vector<16xf32>
        %swap3A_112 = vector.shape_cast %mul3A_107 : vector<16xf32> to vector<1x16xf32>
        tpu.vector_store %arg11[%swap3A_108, %swap3A_109], %swap3A_112 {strides = array<i32>} : memref<128x128xf32, #tpu.memory_space<vmem>>, vector<1x16xf32>,
        %get3A_113 = arith.index_cast %add3A_93 : i32 to index
        %get3A_114 = arith.constant 32 : index
        %get3A_115 = tpu.vector_load %arg11[%get3A_113, %get3A_114] {strides = array<i32>} : memref<128x128xf32, #tpu.memory_space<vmem>>, vector<1x16xf32>,
        %get3A_116 = vector.shape_cast %get3A_115 : vector<1x16xf32> to vector<16xf32>
        %mul3A_117 = arith.mulf %get3A_116, %broadcast_in_dim3A_89 : vector<16xf32>
        %swap3A_118 = arith.index_cast %add3A_93 : i32 to index
        %swap3A_119 = arith.constant 32 : index
        %swap3A_120 = tpu.vector_load %arg11[%swap3A_118, %swap3A_119] {strides = array<i32>} : memref<128x128xf32, #tpu.memory_space<vmem>>, vector<1x16xf32>,
        %swap3A_121 = vector.shape_cast %swap3A_120 : vector<1x16xf32> to vector<16xf32>
        %swap3A_122 = vector.shape_cast %mul3A_117 : vector<16xf32> to vector<1x16xf32>
        tpu.vector_store %arg11[%swap3A_118, %swap3A_119], %swap3A_122 {strides = array<i32>} : memref<128x128xf32, #tpu.memory_space<vmem>>, vector<1x16xf32>,
        %get3A_123 = arith.index_cast %add3A_93 : i32 to index
        %get3A_124 = arith.constant 48 : index
        %get3A_125 = tpu.vector_load %arg11[%get3A_123, %get3A_124] {strides = array<i32>} : memref<128x128xf32, #tpu.memory_space<vmem>>, vector<1x16xf32>,
        %get3A_126 = vector.shape_cast %get3A_125 : vector<1x16xf32> to vector<16xf32>
        %mul3A_127 = arith.mulf %get3A_126, %broadcast_in_dim3A_89 : vector<16xf32>
        %swap3A_128 = arith.index_cast %add3A_93 : i32 to index
        %swap3A_129 = arith.constant 48 : index
        %swap3A_130 = tpu.vector_load %arg11[%swap3A_128, %swap3A_129] {strides = array<i32>} : memref<128x128xf32, #tpu.memory_space<vmem>>, vector<1x16xf32>,
        %swap3A_131 = vector.shape_cast %swap3A_130 : vector<1x16xf32> to vector<16xf32>
        %swap3A_132 = vector.shape_cast %mul3A_127 : vector<16xf32> to vector<1x16xf32>
        tpu.vector_store %arg11[%swap3A_128, %swap3A_129], %swap3A_132 {strides = array<i32>} : memref<128x128xf32, #tpu.memory_space<vmem>>, vector<1x16xf32>,
        %get3A_133 = arith.index_cast %add3A_93 : i32 to index
        %get3A_134 = arith.constant 64 : index
        %get3A_135 = tpu.vector_load %arg11[%get3A_133, %get3A_134] {strides = array<i32>} : memref<128x128xf32, #tpu.memory_space<vmem>>, vector<1x16xf32>,
        %get3A_136 = vector.shape_cast %get3A_135 : vector<1x16xf32> to vector<16xf32>
        %mul3A_137 = arith.mulf %get3A_136, %broadcast_in_dim3A_89 : vector<16xf32>
        %swap3A_138 = arith.index_cast %add3A_93 : i32 to index
        %swap3A_139 = arith.constant 64 : index
        %swap3A_140 = tpu.vector_load %arg11[%swap3A_138, %swap3A_139] {strides = array<i32>} : memref<128x128xf32, #tpu.memory_space<vmem>>, vector<1x16xf32>,
        %swap3A_141 = vector.shape_cast %swap3A_140 : vector<1x16xf32> to vector<16xf32>
        %swap3A_142 = vector.shape_cast %mul3A_137 : vector<16xf32> to vector<1x16xf32>
        tpu.vector_store %arg11[%swap3A_138, %swap3A_139], %swap3A_142 {strides = array<i32>} : memref<128x128xf32, #tpu.memory_space<vmem>>, vector<1x16xf32>,
        %get3A_143 = arith.index_cast %add3A_93 : i32 to index
        %get3A_144 = arith.constant 80 : index
        %get3A_145 = tpu.vector_load %arg11[%get3A_143, %get3A_144] {strides = array<i32>} : memref<128x128xf32, #tpu.memory_space<vmem>>, vector<1x16xf32>,
        %get3A_146 = vector.shape_cast %get3A_145 : vector<1x16xf32> to vector<16xf32>
        %mul3A_147 = arith.mulf %get3A_146, %broadcast_in_dim3A_89 : vector<16xf32>
        %swap3A_148 = arith.index_cast %add3A_93 : i32 to index
        %swap3A_149 = arith.constant 80 : index
        %swap3A_150 = tpu.vector_load %arg11[%swap3A_148, %swap3A_149] {strides = array<i32>} : memref<128x128xf32, #tpu.memory_space<vmem>>, vector<1x16xf32>,
        %swap3A_151 = vector.shape_cast %swap3A_150 : vector<1x16xf32> to vector<16xf32>
        %swap3A_152 = vector.shape_cast %mul3A_147 : vector<16xf32> to vector<1x16xf32>
        tpu.vector_store %arg11[%swap3A_148, %swap3A_149], %swap3A_152 {strides = array<i32>} : memref<128x128xf32, #tpu.memory_space<vmem>>, vector<1x16xf32>,
        %get3A_153 = arith.index_cast %add3A_93 : i32 to index
        %get3A_154 = arith.constant 96 : index
        %get3A_155 = tpu.vector_load %arg11[%get3A_153, %get3A_154] {strides = array<i32>} : memref<128x128xf32, #tpu.memory_space<vmem>>, vector<1x16xf32>,
        %get3A_156 = vector.shape_cast %get3A_155 : vector<1x16xf32> to vector<16xf32>
        %mul3A_157 = arith.mulf %get3A_156, %broadcast_in_dim3A_89 : vector<16xf32>
        %swap3A_158 = arith.index_cast %add3A_93 : i32 to index
        %swap3A_159 = arith.constant 96 : index
        %swap3A_160 = tpu.vector_load %arg11[%swap3A_158, %swap3A_159] {strides = array<i32>} : memref<128x128xf32, #tpu.memory_space<vmem>>, vector<1x16xf32>,
        %swap3A_161 = vector.shape_cast %swap3A_160 : vector<1x16xf32> to vector<16xf32>
        %swap3A_162 = vector.shape_cast %mul3A_157 : vector<16xf32> to vector<1x16xf32>
        tpu.vector_store %arg11[%swap3A_158, %swap3A_159], %swap3A_162 {strides = array<i32>} : memref<128x128xf32, #tpu.memory_space<vmem>>, vector<1x16xf32>,
        %get3A_163 = arith.index_cast %add3A_93 : i32 to index
        %get3A_164 = arith.constant 112 : index
        %get3A_165 = tpu.vector_load %arg11[%get3A_163, %get3A_164] {strides = array<i32>} : memref<128x128xf32, #tpu.memory_space<vmem>>, vector<1x16xf32>,
        %get3A_166 = vector.shape_cast %get3A_165 : vector<1x16xf32> to vector<16xf32>
        %mul3A_167 = arith.mulf %get3A_166, %broadcast_in_dim3A_89 : vector<16xf32>
        %swap3A_168 = arith.index_cast %add3A_93 : i32 to index
        %swap3A_169 = arith.constant 112 : index
        %swap3A_170 = tpu.vector_load %arg11[%swap3A_168, %swap3A_169] {strides = array<i32>} : memref<128x128xf32, #tpu.memory_space<vmem>>, vector<1x16xf32>,
        %swap3A_171 = vector.shape_cast %swap3A_170 : vector<1x16xf32> to vector<16xf32>
        %swap3A_172 = vector.shape_cast %mul3A_167 : vector<16xf32> to vector<1x16xf32>
        tpu.vector_store %arg11[%swap3A_168, %swap3A_169], %swap3A_172 {strides = array<i32>} : memref<128x128xf32, #tpu.memory_space<vmem>>, vector<1x16xf32>,
        %slice3A_173 = vector.extract_strided_slice %get3A_88 {offsets = [1], sizes = [1], strides = [1]} : vector<16xf32> to vector<1xf32>
        %squeeze3A_174 = vector.extract %slice3A_173[0] : f32 from vector<1xf32>
        %broadcast_in_dim3A_175 = vector.broadcast %squeeze3A_174 : f32 to vector<16xf32>
        %mul3A_176 = arith.constant 16 : i32
        %mul3A_177 = arith.muli %mul3A_176, %scan3A_82 : i32
        %add3A_178 = arith.constant 1 : i32
        %add3A_179 = arith.addi %mul3A_177, %add3A_178 : i32
        %get3A_180 = arith.index_cast %add3A_179 : i32 to index
        %get3A_181 = arith.constant 0 : index
        %get3A_182 = tpu.vector_load %arg11[%get3A_180, %get3A_181] {strides = array<i32>} : memref<128x128xf32, #tpu.memory_space<vmem>>, vector<1x16xf32>,
        %get3A_183 = vector.shape_cast %get3A_182 : vector<1x16xf32> to vector<16xf32>
        %mul3A_184 = arith.mulf %get3A_183, %broadcast_in_dim3A_175 : vector<16xf32>
        %swap3A_185 = arith.index_cast %add3A_179 : i32 to index
        %swap3A_186 = arith.constant 0 : index
        %swap3A_187 = tpu.vector_load %arg11[%swap3A_185, %swap3A_186] {strides = array<i32>} : memref<128x128xf32, #tpu.memory_space<vmem>>, vector<1x16xf32>,
        %swap3A_188 = vector.shape_cast %swap3A_187 : vector<1x16xf32> to vector<16xf32>
        %swap3A_189 = vector.shape_cast %mul3A_184 : vector<16xf32> to vector<1x16xf32>
        tpu.vector_store %arg11[%swap3A_185, %swap3A_186], %swap3A_189 {strides = array<i32>} : memref<128x128xf32, #tpu.memory_space<vmem>>, vector<1x16xf32>,
        %get3A_190 = arith.index_cast %add3A_179 : i32 to index
        %get3A_191 = arith.constant 16 : index
        %get3A_192 = tpu.vector_load %arg11[%get3A_190, %get3A_191] {strides = array<i32>} : memref<128x128xf32, #tpu.memory_space<vmem>>, vector<1x16xf32>,
        %get3A_193 = vector.shape_cast %get3A_192 : vector<1x16xf32> to vector<16xf32>
        %mul3A_194 = arith.mulf %get3A_193, %broadcast_in_dim3A_175 : vector<16xf32>
        %swap3A_195 = arith.index_cast %add3A_179 : i32 to index
        %swap3A_196 = arith.constant 16 : index
        %swap3A_197 = tpu.vector_load %arg11[%swap3A_195, %swap3A_196] {strides = array<i32>} : memref<128x128xf32, #tpu.memory_space<vmem>>, vector<1x16xf32>,
        %swap3A_198 = vector.shape_cast %swap3A_197 : vector<1x16xf32> to vector<16xf32>
        %swap3A_199 = vector.shape_cast %mul3A_194 : vector<16xf32> to vector<1x16xf32>
        tpu.vector_store %arg11[%swap3A_195, %swap3A_196], %swap3A_199 {strides = array<i32>} : memref<128x128xf32, #tpu.memory_space<vmem>>, vector<1x16xf32>,
        %get3A_200 = arith.index_cast %add3A_179 : i32 to index
        %get3A_201 = arith.constant 32 : index
        %get3A_202 = tpu.vector_load %arg11[%get3A_200, %get3A_201] {strides = array<i32>} : memref<128x128xf32, #tpu.memory_space<vmem>>, vector<1x16xf32>,
        %get3A_203 = vector.shape_cast %get3A_202 : vector<1x16xf32> to vector<16xf32>
        %mul3A_204 = arith.mulf %get3A_203, %broadcast_in_dim3A_175 : vector<16xf32>
        %swap3A_205 = arith.index_cast %add3A_179 : i32 to index
        %swap3A_206 = arith.constant 32 : index
        %swap3A_207 = tpu.vector_load %arg11[%swap3A_205, %swap3A_206] {strides = array<i32>} : memref<128x128xf32, #tpu.memory_space<vmem>>, vector<1x16xf32>,
        %swap3A_208 = vector.shape_cast %swap3A_207 : vector<1x16xf32> to vector<16xf32>
        %swap3A_209 = vector.shape_cast %mul3A_204 : vector<16xf32> to vector<1x16xf32>
        tpu.vector_store %arg11[%swap3A_205, %swap3A_206], %swap3A_209 {strides = array<i32>} : memref<128x128xf32, #tpu.memory_space<vmem>>, vector<1x16xf32>,
        %get3A_210 = arith.index_cast %add3A_179 : i32 to index
        %get3A_211 = arith.constant 48 : index
        %get3A_212 = tpu.vector_load %arg11[%get3A_210, %get3A_211] {strides = array<i32>} : memref<128x128xf32, #tpu.memory_space<vmem>>, vector<1x16xf32>,
        %get3A_213 = vector.shape_cast %get3A_212 : vector<1x16xf32> to vector<16xf32>
        %mul3A_214 = arith.mulf %get3A_213, %broadcast_in_dim3A_175 : vector<16xf32>
        %swap3A_215 = arith.index_cast %add3A_179 : i32 to index
        %swap3A_216 = arith.constant 48 : index
        %swap3A_217 = tpu.vector_load %arg11[%swap3A_215, %swap3A_216] {strides = array<i32>} : memref<128x128xf32, #tpu.memory_space<vmem>>, vector<1x16xf32>,
        %swap3A_218 = vector.shape_cast %swap3A_217 : vector<1x16xf32> to vector<16xf32>
        %swap3A_219 = vector.shape_cast %mul3A_214 : vector<16xf32> to vector<1x16xf32>
        tpu.vector_store %arg11[%swap3A_215, %swap3A_216], %swap3A_219 {strides = array<i32>} : memref<128x128xf32, #tpu.memory_space<vmem>>, vector<1x16xf32>,
        %get3A_220 = arith.index_cast %add3A_179 : i32 to index
        %get3A_221 = arith.constant 64 : index
        %get3A_222 = tpu.vector_load %arg11[%get3A_220, %get3A_221] {strides = array<i32>} : memref<128x128xf32, #tpu.memory_space<vmem>>, vector<1x16xf32>,
        %get3A_223 = vector.shape_cast %get3A_222 : vector<1x16xf32> to vector<16xf32>
        %mul3A_224 = arith.mulf %get3A_223, %broadcast_in_dim3A_175 : vector<16xf32>
        %swap3A_225 = arith.index_cast %add3A_179 : i32 to index
        %swap3A_226 = arith.constant 64 : index
        %swap3A_227 = tpu.vector_load %arg11[%swap3A_225, %swap3A_226] {strides = array<i32>} : memref<128x128xf32, #tpu.memory_space<vmem>>, vector<1x16xf32>,
        %swap3A_228 = vector.shape_cast %swap3A_227 : vector<1x16xf32> to vector<16xf32>
        %swap3A_229 = vector.shape_cast %mul3A_224 : vector<16xf32> to vector<1x16xf32>
        tpu.vector_store %arg11[%swap3A_225, %swap3A_226], %swap3A_229 {strides = array<i32>} : memref<128x128xf32, #tpu.memory_space<vmem>>, vector<1x16xf32>,
        %get3A_230 = arith.index_cast %add3A_179 : i32 to index
        %get3A_231 = arith.constant 80 : index
        %get3A_232 = tpu.vector_load %arg11[%get3A_230, %get3A_231] {strides = array<i32>} : memref<128x128xf32, #tpu.memory_space<vmem>>, vector<1x16xf32>,
        %get3A_233 = vector.shape_cast %get3A_232 : vector<1x16xf32> to vector<16xf32>
        %mul3A_234 = arith.mulf %get3A_233, %broadcast_in_dim3A_175 : vector<16xf32>
        %swap3A_235 = arith.index_cast %add3A_179 : i32 to index
        %swap3A_236 = arith.constant 80 : index
        %swap3A_237 = tpu.vector_load %arg11[%swap3A_235, %swap3A_236] {strides = array<i32>} : memref<128x128xf32, #tpu.memory_space<vmem>>, vector<1x16xf32>,
        %swap3A_238 = vector.shape_cast %swap3A_237 : vector<1x16xf32> to vector<16xf32>
        %swap3A_239 = vector.shape_cast %mul3A_234 : vector<16xf32> to vector<1x16xf32>
        tpu.vector_store %arg11[%swap3A_235, %swap3A_236], %swap3A_239 {strides = array<i32>} : memref<128x128xf32, #tpu.memory_space<vmem>>, vector<1x16xf32>,
        %get3A_240 = arith.index_cast %add3A_179 : i32 to index
        %get3A_241 = arith.constant 96 : index
        %get3A_242 = tpu.vector_load %arg11[%get3A_240, %get3A_241] {strides = array<i32>} : memref<128x128xf32, #tpu.memory_space<vmem>>, vector<1x16xf32>,
        %get3A_243 = vector.shape_cast %get3A_242 : vector<1x16xf32> to vector<16xf32>
        %mul3A_244 = arith.mulf %get3A_243, %broadcast_in_dim3A_175 : vector<16xf32>
        %swap3A_245 = arith.index_cast %add3A_179 : i32 to index
        %swap3A_246 = arith.constant 96 : index
        %swap3A_247 = tpu.vector_load %arg11[%swap3A_245, %swap3A_246] {strides = array<i32>} : memref<128x128xf32, #tpu.memory_space<vmem>>, vector<1x16xf32>,
        %swap3A_248 = vector.shape_cast %swap3A_247 : vector<1x16xf32> to vector<16xf32>
        %swap3A_249 = vector.shape_cast %mul3A_244 : vector<16xf32> to vector<1x16xf32>
        tpu.vector_store %arg11[%swap3A_245, %swap3A_246], %swap3A_249 {strides = array<i32>} : memref<128x128xf32, #tpu.memory_space<vmem>>, vector<1x16xf32>,
        %get3A_250 = arith.index_cast %add3A_179 : i32 to index
        %get3A_251 = arith.constant 112 : index
        %get3A_252 = tpu.vector_load %arg11[%get3A_250, %get3A_251] {strides = array<i32>} : memref<128x128xf32, #tpu.memory_space<vmem>>, vector<1x16xf32>,
        %get3A_253 = vector.shape_cast %get3A_252 : vector<1x16xf32> to vector<16xf32>
        %mul3A_254 = arith.mulf %get3A_253, %broadcast_in_dim3A_175 : vector<16xf32>
        %swap3A_255 = arith.index_cast %add3A_179 : i32 to index
        %swap3A_256 = arith.constant 112 : index
        %swap3A_257 = tpu.vector_load %arg11[%swap3A_255, %swap3A_256] {strides = array<i32>} : memref<128x128xf32, #tpu.memory_space<vmem>>, vector<1x16xf32>,
        %swap3A_258 = vector.shape_cast %swap3A_257 : vector<1x16xf32> to vector<16xf32>
        %swap3A_259 = vector.shape_cast %mul3A_254 : vector<16xf32> to vector<1x16xf32>
        tpu.vector_store %arg11[%swap3A_255, %swap3A_256], %swap3A_259 {strides = array<i32>} : memref<128x128xf32, #tpu.memory_space<vmem>>, vector<1x16xf32>,
        %slice3A_260 = vector.extract_strided_slice %get3A_88 {offsets = [2], sizes = [1], strides = [1]} : vector<16xf32> to vector<1xf32>
        %squeeze3A_261 = vector.extract %slice3A_260[0] : f32 from vector<1xf32>
        %broadcast_in_dim3A_262 = vector.broadcast %squeeze3A_261 : f32 to vector<16xf32>
        %mul3A_263 = arith.constant 16 : i32
        %mul3A_264 = arith.muli %mul3A_263, %scan3A_82 : i32
        %add3A_265 = arith.constant 2 : i32
        %add3A_266 = arith.addi %mul3A_264, %add3A_265 : i32
        %get3A_267 = arith.index_cast %add3A_266 : i32 to index
        %get3A_268 = arith.constant 0 : index
        %get3A_269 = tpu.vector_load %arg11[%get3A_267, %get3A_268] {strides = array<i32>} : memref<128x128xf32, #tpu.memory_space<vmem>>, vector<1x16xf32>,
        %get3A_270 = vector.shape_cast %get3A_269 : vector<1x16xf32> to vector<16xf32>
        %mul3A_271 = arith.mulf %get3A_270, %broadcast_in_dim3A_262 : vector<16xf32>
        %swap3A_272 = arith.index_cast %add3A_266 : i32 to index
        %swap3A_273 = arith.constant 0 : index
        %swap3A_274 = tpu.vector_load %arg11[%swap3A_272, %swap3A_273] {strides = array<i32>} : memref<128x128xf32, #tpu.memory_space<vmem>>, vector<1x16xf32>,
        %swap3A_275 = vector.shape_cast %swap3A_274 : vector<1x16xf32> to vector<16xf32>
        %swap3A_276 = vector.shape_cast %mul3A_271 : vector<16xf32> to vector<1x16xf32>
        tpu.vector_store %arg11[%swap3A_272, %swap3A_273], %swap3A_276 {strides = array<i32>} : memref<128x128xf32, #tpu.memory_space<vmem>>, vector<1x16xf32>,
        %get3A_277 = arith.index_cast %add3A_266 : i32 to index
        %get3A_278 = arith.constant 16 : index
        %get3A_279 = tpu.vector_load %arg11[%get3A_277, %get3A_278] {strides = array<i32>} : memref<128x128xf32, #tpu.memory_space<vmem>>, vector<1x16xf32>,
        %get3A_280 = vector.shape_cast %get3A_279 : vector<1x16xf32> to vector<16xf32>
        %mul3A_281 = arith.mulf %get3A_280, %broadcast_in_dim3A_262 : vector<16xf32>
        %swap3A_282 = arith.index_cast %add3A_266 : i32 to index
        %swap3A_283 = arith.constant 16 : index
        %swap3A_284 = tpu.vector_load %arg11[%swap3A_282, %swap3A_283] {strides = array<i32>} : memref<128x128xf32, #tpu.memory_space<vmem>>, vector<1x16xf32>,
        %swap3A_285 = vector.shape_cast %swap3A_284 : vector<1x16xf32> to vector<16xf32>
        %swap3A_286 = vector.shape_cast %mul3A_281 : vector<16xf32> to vector<1x16xf32>
        tpu.vector_store %arg11[%swap3A_282, %swap3A_283], %swap3A_286 {strides = array<i32>} : memref<128x128xf32, #tpu.memory_space<vmem>>, vector<1x16xf32>,
        %get3A_287 = arith.index_cast %add3A_266 : i32 to index
        %get3A_288 = arith.constant 32 : index
        %get3A_289 = tpu.vector_load %arg11[%get3A_287, %get3A_288] {strides = array<i32>} : memref<128x128xf32, #tpu.memory_space<vmem>>, vector<1x16xf32>,
        %get3A_290 = vector.shape_cast %get3A_289 : vector<1x16xf32> to vector<16xf32>
        %mul3A_291 = arith.mulf %get3A_290, %broadcast_in_dim3A_262 : vector<16xf32>
        %swap3A_292 = arith.index_cast %add3A_266 : i32 to index
        %swap3A_293 = arith.constant 32 : index
        %swap3A_294 = tpu.vector_load %arg11[%swap3A_292, %swap3A_293] {strides = array<i32>} : memref<128x128xf32, #tpu.memory_space<vmem>>, vector<1x16xf32>,
        %swap3A_295 = vector.shape_cast %swap3A_294 : vector<1x16xf32> to vector<16xf32>
        %swap3A_296 = vector.shape_cast %mul3A_291 : vector<16xf32> to vector<1x16xf32>
        tpu.vector_store %arg11[%swap3A_292, %swap3A_293], %swap3A_296 {strides = array<i32>} : memref<128x128xf32, #tpu.memory_space<vmem>>, vector<1x16xf32>,
        %get3A_297 = arith.index_cast %add3A_266 : i32 to index
        %get3A_298 = arith.constant 48 : index
        %get3A_299 = tpu.vector_load %arg11[%get3A_297, %get3A_298] {strides = array<i32>} : memref<128x128xf32, #tpu.memory_space<vmem>>, vector<1x16xf32>,
        %get3A_300 = vector.shape_cast %get3A_299 : vector<1x16xf32> to vector<16xf32>
        %mul3A_301 = arith.mulf %get3A_300, %broadcast_in_dim3A_262 : vector<16xf32>
        %swap3A_302 = arith.index_cast %add3A_266 : i32 to index
        %swap3A_303 = arith.constant 48 : index
        %swap3A_304 = tpu.vector_load %arg11[%swap3A_302, %swap3A_303] {strides = array<i32>} : memref<128x128xf32, #tpu.memory_space<vmem>>, vector<1x16xf32>,
        %swap3A_305 = vector.shape_cast %swap3A_304 : vector<1x16xf32> to vector<16xf32>
        %swap3A_306 = vector.shape_cast %mul3A_301 : vector<16xf32> to vector<1x16xf32>
        tpu.vector_store %arg11[%swap3A_302, %swap3A_303], %swap3A_306 {strides = array<i32>} : memref<128x128xf32, #tpu.memory_space<vmem>>, vector<1x16xf32>,
        %get3A_307 = arith.index_cast %add3A_266 : i32 to index
        %get3A_308 = arith.constant 64 : index
        %get3A_309 = tpu.vector_load %arg11[%get3A_307, %get3A_308] {strides = array<i32>} : memref<128x128xf32, #tpu.memory_space<vmem>>, vector<1x16xf32>,
        %get3A_310 = vector.shape_cast %get3A_309 : vector<1x16xf32> to vector<16xf32>
        %mul3A_311 = arith.mulf %get3A_310, %broadcast_in_dim3A_262 : vector<16xf32>
        %swap3A_312 = arith.index_cast %add3A_266 : i32 to index
        %swap3A_313 = arith.constant 64 : index
        %swap3A_314 = tpu.vector_load %arg11[%swap3A_312, %swap3A_313] {strides = array<i32>} : memref<128x128xf32, #tpu.memory_space<vmem>>, vector<1x16xf32>,
        %swap3A_315 = vector.shape_cast %swap3A_314 : vector<1x16xf32> to vector<16xf32>
        %swap3A_316 = vector.shape_cast %mul3A_311 : vector<16xf32> to vector<1x16xf32>
        tpu.vector_store %arg11[%swap3A_312, %swap3A_313], %swap3A_316 {strides = array<i32>} : memref<128x128xf32, #tpu.memory_space<vmem>>, vector<1x16xf32>,
        %get3A_317 = arith.index_cast %add3A_266 : i32 to index
        %get3A_318 = arith.constant 80 : index
        %get3A_319 = tpu.vector_load %arg11[%get3A_317, %get3A_318] {strides = array<i32>} : memref<128x128xf32, #tpu.memory_space<vmem>>, vector<1x16xf32>,
        %get3A_320 = vector.shape_cast %get3A_319 : vector<1x16xf32> to vector<16xf32>
        %mul3A_321 = arith.mulf %get3A_320, %broadcast_in_dim3A_262 : vector<16xf32>
        %swap3A_322 = arith.index_cast %add3A_266 : i32 to index
        %swap3A_323 = arith.constant 80 : index
        %swap3A_324 = tpu.vector_load %arg11[%swap3A_322, %swap3A_323] {strides = array<i32>} : memref<128x128xf32, #tpu.memory_space<vmem>>, vector<1x16xf32>,
        %swap3A_325 = vector.shape_cast %swap3A_324 : vector<1x16xf32> to vector<16xf32>
        %swap3A_326 = vector.shape_cast %mul3A_321 : vector<16xf32> to vector<1x16xf32>
        tpu.vector_store %arg11[%swap3A_322, %swap3A_323], %swap3A_326 {strides = array<i32>} : memref<128x128xf32, #tpu.memory_space<vmem>>, vector<1x16xf32>,
        %get3A_327 = arith.index_cast %add3A_266 : i32 to index
        %get3A_328 = arith.constant 96 : index
        %get3A_329 = tpu.vector_load %arg11[%get3A_327, %get3A_328] {strides = array<i32>} : memref<128x128xf32, #tpu.memory_space<vmem>>, vector<1x16xf32>,
        %get3A_330 = vector.shape_cast %get3A_329 : vector<1x16xf32> to vector<16xf32>
        %mul3A_331 = arith.mulf %get3A_330, %broadcast_in_dim3A_262 : vector<16xf32>
        %swap3A_332 = arith.index_cast %add3A_266 : i32 to index
        %swap3A_333 = arith.constant 96 : index
        %swap3A_334 = tpu.vector_load %arg11[%swap3A_332, %swap3A_333] {strides = array<i32>} : memref<128x128xf32, #tpu.memory_space<vmem>>, vector<1x16xf32>,
        %swap3A_335 = vector.shape_cast %swap3A_334 : vector<1x16xf32> to vector<16xf32>
        %swap3A_336 = vector.shape_cast %mul3A_331 : vector<16xf32> to vector<1x16xf32>
        tpu.vector_store %arg11[%swap3A_332, %swap3A_333], %swap3A_336 {strides = array<i32>} : memref<128x128xf32, #tpu.memory_space<vmem>>, vector<1x16xf32>,
        %get3A_337 = arith.index_cast %add3A_266 : i32 to index
        %get3A_338 = arith.constant 112 : index
        %get3A_339 = tpu.vector_load %arg11[%get3A_337, %get3A_338] {strides = array<i32>} : memref<128x128xf32, #tpu.memory_space<vmem>>, vector<1x16xf32>,
        %get3A_340 = vector.shape_cast %get3A_339 : vector<1x16xf32> to vector<16xf32>
        %mul3A_341 = arith.mulf %get3A_340, %broadcast_in_dim3A_262 : vector<16xf32>
        %swap3A_342 = arith.index_cast %add3A_266 : i32 to index
        %swap3A_343 = arith.constant 112 : index
        %swap3A_344 = tpu.vector_load %arg11[%swap3A_342, %swap3A_343] {strides = array<i32>} : memref<128x128xf32, #tpu.memory_space<vmem>>, vector<1x16xf32>,
        %swap3A_345 = vector.shape_cast %swap3A_344 : vector<1x16xf32> to vector<16xf32>
        %swap3A_346 = vector.shape_cast %mul3A_341 : vector<16xf32> to vector<1x16xf32>
        tpu.vector_store %arg11[%swap3A_342, %swap3A_343], %swap3A_346 {strides = array<i32>} : memref<128x128xf32, #tpu.memory_space<vmem>>, vector<1x16xf32>,
        %slice3A_347 = vector.extract_strided_slice %get3A_88 {offsets = [3], sizes = [1], strides = [1]} : vector<16xf32> to vector<1xf32>
        %squeeze3A_348 = vector.extract %slice3A_347[0] : f32 from vector<1xf32>
        %broadcast_in_dim3A_349 = vector.broadcast %squeeze3A_348 : f32 to vector<16xf32>
        %mul3A_350 = arith.constant 16 : i32
        %mul3A_351 = arith.muli %mul3A_350, %scan3A_82 : i32
        %add3A_352 = arith.constant 3 : i32
        %add3A_353 = arith.addi %mul3A_351, %add3A_352 : i32
        %get3A_354 = arith.index_cast %add3A_353 : i32 to index
        %get3A_355 = arith.constant 0 : index
        %get3A_356 = tpu.vector_load %arg11[%get3A_354, %get3A_355] {strides = array<i32>} : memref<128x128xf32, #tpu.memory_space<vmem>>, vector<1x16xf32>,
        %get3A_357 = vector.shape_cast %get3A_356 : vector<1x16xf32> to vector<16xf32>
        %mul3A_358 = arith.mulf %get3A_357, %broadcast_in_dim3A_349 : vector<16xf32>
        %swap3A_359 = arith.index_cast %add3A_353 : i32 to index
        %swap3A_360 = arith.constant 0 : index
        %swap3A_361 = tpu.vector_load %arg11[%swap3A_359, %swap3A_360] {strides = array<i32>} : memref<128x128xf32, #tpu.memory_space<vmem>>, vector<1x16xf32>,
        %swap3A_362 = vector.shape_cast %swap3A_361 : vector<1x16xf32> to vector<16xf32>
        %swap3A_363 = vector.shape_cast %mul3A_358 : vector<16xf32> to vector<1x16xf32>
        tpu.vector_store %arg11[%swap3A_359, %swap3A_360], %swap3A_363 {strides = array<i32>} : memref<128x128xf32, #tpu.memory_space<vmem>>, vector<1x16xf32>,
        %get3A_364 = arith.index_cast %add3A_353 : i32 to index
        %get3A_365 = arith.constant 16 : index
        %get3A_366 = tpu.vector_load %arg11[%get3A_364, %get3A_365] {strides = array<i32>} : memref<128x128xf32, #tpu.memory_space<vmem>>, vector<1x16xf32>,
        %get3A_367 = vector.shape_cast %get3A_366 : vector<1x16xf32> to vector<16xf32>
        %mul3A_368 = arith.mulf %get3A_367, %broadcast_in_dim3A_349 : vector<16xf32>
        %swap3A_369 = arith.index_cast %add3A_353 : i32 to index
        %swap3A_370 = arith.constant 16 : index
        %swap3A_371 = tpu.vector_load %arg11[%swap3A_369, %swap3A_370] {strides = array<i32>} : memref<128x128xf32, #tpu.memory_space<vmem>>, vector<1x16xf32>,
        %swap3A_372 = vector.shape_cast %swap3A_371 : vector<1x16xf32> to vector<16xf32>
        %swap3A_373 = vector.shape_cast %mul3A_368 : vector<16xf32> to vector<1x16xf32>
        tpu.vector_store %arg11[%swap3A_369, %swap3A_370], %swap3A_373 {strides = array<i32>} : memref<128x128xf32, #tpu.memory_space<vmem>>, vector<1x16xf32>,
        %get3A_374 = arith.index_cast %add3A_353 : i32 to index
        %get3A_375 = arith.constant 32 : index
        %get3A_376 = tpu.vector_load %arg11[%get3A_374, %get3A_375] {strides = array<i32>} : memref<128x128xf32, #tpu.memory_space<vmem>>, vector<1x16xf32>,
        %get3A_377 = vector.shape_cast %get3A_376 : vector<1x16xf32> to vector<16xf32>
        %mul3A_378 = arith.mulf %get3A_377, %broadcast_in_dim3A_349 : vector<16xf32>
        %swap3A_379 = arith.index_cast %add3A_353 : i32 to index
        %swap3A_380 = arith.constant 32 : index
        %swap3A_381 = tpu.vector_load %arg11[%swap3A_379, %swap3A_380] {strides = array<i32>} : memref<128x128xf32, #tpu.memory_space<vmem>>, vector<1x16xf32>,
        %swap3A_382 = vector.shape_cast %swap3A_381 : vector<1x16xf32> to vector<16xf32>
        %swap3A_383 = vector.shape_cast %mul3A_378 : vector<16xf32> to vector<1x16xf32>
        tpu.vector_store %arg11[%swap3A_379, %swap3A_380], %swap3A_383 {strides = array<i32>} : memref<128x128xf32, #tpu.memory_space<vmem>>, vector<1x16xf32>,
        %get3A_384 = arith.index_cast %add3A_353 : i32 to index
        %get3A_385 = arith.constant 48 : index
        %get3A_386 = tpu.vector_load %arg11[%get3A_384, %get3A_385] {strides = array<i32>} : memref<128x128xf32, #tpu.memory_space<vmem>>, vector<1x16xf32>,
        %get3A_387 = vector.shape_cast %get3A_386 : vector<1x16xf32> to vector<16xf32>
        %mul3A_388 = arith.mulf %get3A_387, %broadcast_in_dim3A_349 : vector<16xf32>
        %swap3A_389 = arith.index_cast %add3A_353 : i32 to index
        %swap3A_390 = arith.constant 48 : index
        %swap3A_391 = tpu.vector_load %arg11[%swap3A_389, %swap3A_390] {strides = array<i32>} : memref<128x128xf32, #tpu.memory_space<vmem>>, vector<1x16xf32>,
        %swap3A_392 = vector.shape_cast %swap3A_391 : vector<1x16xf32> to vector<16xf32>
        %swap3A_393 = vector.shape_cast %mul3A_388 : vector<16xf32> to vector<1x16xf32>
        tpu.vector_store %arg11[%swap3A_389, %swap3A_390], %swap3A_393 {strides = array<i32>} : memref<128x128xf32, #tpu.memory_space<vmem>>, vector<1x16xf32>,
        %get3A_394 = arith.index_cast %add3A_353 : i32 to index
        %get3A_395 = arith.constant 64 : index
        %get3A_396 = tpu.vector_load %arg11[%get3A_394, %get3A_395] {strides = array<i32>} : memref<128x128xf32, #tpu.memory_space<vmem>>, vector<1x16xf32>,
        %get3A_397 = vector.shape_cast %get3A_396 : vector<1x16xf32> to vector<16xf32>
        %mul3A_398 = arith.mulf %get3A_397, %broadcast_in_dim3A_349 : vector<16xf32>
        %swap3A_399 = arith.index_cast %add3A_353 : i32 to index
        %swap3A_400 = arith.constant 64 : index
        %swap3A_401 = tpu.vector_load %arg11[%swap3A_399, %swap3A_400] {strides = array<i32>} : memref<128x128xf32, #tpu.memory_space<vmem>>, vector<1x16xf32>,
        %swap3A_402 = vector.shape_cast %swap3A_401 : vector<1x16xf32> to vector<16xf32>
        %swap3A_403 = vector.shape_cast %mul3A_398 : vector<16xf32> to vector<1x16xf32>
        tpu.vector_store %arg11[%swap3A_399, %swap3A_400], %swap3A_403 {strides = array<i32>} : memref<128x128xf32, #tpu.memory_space<vmem>>, vector<1x16xf32>,
        %get3A_404 = arith.index_cast %add3A_353 : i32 to index
        %get3A_405 = arith.constant 80 : index
        %get3A_406 = tpu.vector_load %arg11[%get3A_404, %get3A_405] {strides = array<i32>} : memref<128x128xf32, #tpu.memory_space<vmem>>, vector<1x16xf32>,
        %get3A_407 = vector.shape_cast %get3A_406 : vector<1x16xf32> to vector<16xf32>
        %mul3A_408 = arith.mulf %get3A_407, %broadcast_in_dim3A_349 : vector<16xf32>
        %swap3A_409 = arith.index_cast %add3A_353 : i32 to index
        %swap3A_410 = arith.constant 80 : index
        %swap3A_411 = tpu.vector_load %arg11[%swap3A_409, %swap3A_410] {strides = array<i32>} : memref<128x128xf32, #tpu.memory_space<vmem>>, vector<1x16xf32>,
        %swap3A_412 = vector.shape_cast %swap3A_411 : vector<1x16xf32> to vector<16xf32>
        %swap3A_413 = vector.shape_cast %mul3A_408 : vector<16xf32> to vector<1x16xf32>
        tpu.vector_store %arg11[%swap3A_409, %swap3A_410], %swap3A_413 {strides = array<i32>} : memref<128x128xf32, #tpu.memory_space<vmem>>, vector<1x16xf32>,
        %get3A_414 = arith.index_cast %add3A_353 : i32 to index
        %get3A_415 = arith.constant 96 : index
        %get3A_416 = tpu.vector_load %arg11[%get3A_414, %get3A_415] {strides = array<i32>} : memref<128x128xf32, #tpu.memory_space<vmem>>, vector<1x16xf32>,
        %get3A_417 = vector.shape_cast %get3A_416 : vector<1x16xf32> to vector<16xf32>
        %mul3A_418 = arith.mulf %get3A_417, %broadcast_in_dim3A_349 : vector<16xf32>
        %swap3A_419 = arith.index_cast %add3A_353 : i32 to index
        %swap3A_420 = arith.constant 96 : index
        %swap3A_421 = tpu.vector_load %arg11[%swap3A_419, %swap3A_420] {strides = array<i32>} : memref<128x128xf32, #tpu.memory_space<vmem>>, vector<1x16xf32>,
        %swap3A_422 = vector.shape_cast %swap3A_421 : vector<1x16xf32> to vector<16xf32>
        %swap3A_423 = vector.shape_cast %mul3A_418 : vector<16xf32> to vector<1x16xf32>
        tpu.vector_store %arg11[%swap3A_419, %swap3A_420], %swap3A_423 {strides = array<i32>} : memref<128x128xf32, #tpu.memory_space<vmem>>, vector<1x16xf32>,
        %get3A_424 = arith.index_cast %add3A_353 : i32 to index
        %get3A_425 = arith.constant 112 : index
        %get3A_426 = tpu.vector_load %arg11[%get3A_424, %get3A_425] {strides = array<i32>} : memref<128x128xf32, #tpu.memory_space<vmem>>, vector<1x16xf32>,
        %get3A_427 = vector.shape_cast %get3A_426 : vector<1x16xf32> to vector<16xf32>
        %mul3A_428 = arith.mulf %get3A_427, %broadcast_in_dim3A_349 : vector<16xf32>
        %swap3A_429 = arith.index_cast %add3A_353 : i32 to index
        %swap3A_430 = arith.constant 112 : index
        %swap3A_431 = tpu.vector_load %arg11[%swap3A_429, %swap3A_430] {strides = array<i32>} : memref<128x128xf32, #tpu.memory_space<vmem>>, vector<1x16xf32>,
        %swap3A_432 = vector.shape_cast %swap3A_431 : vector<1x16xf32> to vector<16xf32>
        %swap3A_433 = vector.shape_cast %mul3A_428 : vector<16xf32> to vector<1x16xf32>
        tpu.vector_store %arg11[%swap3A_429, %swap3A_430], %swap3A_433 {strides = array<i32>} : memref<128x128xf32, #tpu.memory_space<vmem>>, vector<1x16xf32>,
        %slice3A_434 = vector.extract_strided_slice %get3A_88 {offsets = [4], sizes = [1], strides = [1]} : vector<16xf32> to vector<1xf32>
        %squeeze3A_435 = vector.extract %slice3A_434[0] : f32 from vector<1xf32>
        %broadcast_in_dim3A_436 = vector.broadcast %squeeze3A_435 : f32 to vector<16xf32>
        %mul3A_437 = arith.constant 16 : i32
        %mul3A_438 = arith.muli %mul3A_437, %scan3A_82 : i32
        %add3A_439 = arith.constant 4 : i32
        %add3A_440 = arith.addi %mul3A_438, %add3A_439 : i32
        %get3A_441 = arith.index_cast %add3A_440 : i32 to index
        %get3A_442 = arith.constant 0 : index
        %get3A_443 = tpu.vector_load %arg11[%get3A_441, %get3A_442] {strides = array<i32>} : memref<128x128xf32, #tpu.memory_space<vmem>>, vector<1x16xf32>,
        %get3A_444 = vector.shape_cast %get3A_443 : vector<1x16xf32> to vector<16xf32>
        %mul3A_445 = arith.mulf %get3A_444, %broadcast_in_dim3A_436 : vector<16xf32>
        %swap3A_446 = arith.index_cast %add3A_440 : i32 to index
        %swap3A_447 = arith.constant 0 : index
        %swap3A_448 = tpu.vector_load %arg11[%swap3A_446, %swap3A_447] {strides = array<i32>} : memref<128x128xf32, #tpu.memory_space<vmem>>, vector<1x16xf32>,
        %swap3A_449 = vector.shape_cast %swap3A_448 : vector<1x16xf32> to vector<16xf32>
        %swap3A_450 = vector.shape_cast %mul3A_445 : vector<16xf32> to vector<1x16xf32>
        tpu.vector_store %arg11[%swap3A_446, %swap3A_447], %swap3A_450 {strides = array<i32>} : memref<128x128xf32, #tpu.memory_space<vmem>>, vector<1x16xf32>,
        %get3A_451 = arith.index_cast %add3A_440 : i32 to index
        %get3A_452 = arith.constant 16 : index
        %get3A_453 = tpu.vector_load %arg11[%get3A_451, %get3A_452] {strides = array<i32>} : memref<128x128xf32, #tpu.memory_space<vmem>>, vector<1x16xf32>,
        %get3A_454 = vector.shape_cast %get3A_453 : vector<1x16xf32> to vector<16xf32>
        %mul3A_455 = arith.mulf %get3A_454, %broadcast_in_dim3A_436 : vector<16xf32>
        %swap3A_456 = arith.index_cast %add3A_440 : i32 to index
        %swap3A_457 = arith.constant 16 : index
        %swap3A_458 = tpu.vector_load %arg11[%swap3A_456, %swap3A_457] {strides = array<i32>} : memref<128x128xf32, #tpu.memory_space<vmem>>, vector<1x16xf32>,
        %swap3A_459 = vector.shape_cast %swap3A_458 : vector<1x16xf32> to vector<16xf32>
        %swap3A_460 = vector.shape_cast %mul3A_455 : vector<16xf32> to vector<1x16xf32>
        tpu.vector_store %arg11[%swap3A_456, %swap3A_457], %swap3A_460 {strides = array<i32>} : memref<128x128xf32, #tpu.memory_space<vmem>>, vector<1x16xf32>,
        %get3A_461 = arith.index_cast %add3A_440 : i32 to index
        %get3A_462 = arith.constant 32 : index
        %get3A_463 = tpu.vector_load %arg11[%get3A_461, %get3A_462] {strides = array<i32>} : memref<128x128xf32, #tpu.memory_space<vmem>>, vector<1x16xf32>,
        %get3A_464 = vector.shape_cast %get3A_463 : vector<1x16xf32> to vector<16xf32>
        %mul3A_465 = arith.mulf %get3A_464, %broadcast_in_dim3A_436 : vector<16xf32>
        %swap3A_466 = arith.index_cast %add3A_440 : i32 to index
        %swap3A_467 = arith.constant 32 : index
        %swap3A_468 = tpu.vector_load %arg11[%swap3A_466, %swap3A_467] {strides = array<i32>} : memref<128x128xf32, #tpu.memory_space<vmem>>, vector<1x16xf32>,
        %swap3A_469 = vector.shape_cast %swap3A_468 : vector<1x16xf32> to vector<16xf32>
        %swap3A_470 = vector.shape_cast %mul3A_465 : vector<16xf32> to vector<1x16xf32>
        tpu.vector_store %arg11[%swap3A_466, %swap3A_467], %swap3A_470 {strides = array<i32>} : memref<128x128xf32, #tpu.memory_space<vmem>>, vector<1x16xf32>,
        %get3A_471 = arith.index_cast %add3A_440 : i32 to index
        %get3A_472 = arith.constant 48 : index
        %get3A_473 = tpu.vector_load %arg11[%get3A_471, %get3A_472] {strides = array<i32>} : memref<128x128xf32, #tpu.memory_space<vmem>>, vector<1x16xf32>,
        %get3A_474 = vector.shape_cast %get3A_473 : vector<1x16xf32> to vector<16xf32>
        %mul3A_475 = arith.mulf %get3A_474, %broadcast_in_dim3A_436 : vector<16xf32>
        %swap3A_476 = arith.index_cast %add3A_440 : i32 to index
        %swap3A_477 = arith.constant 48 : index
        %swap3A_478 = tpu.vector_load %arg11[%swap3A_476, %swap3A_477] {strides = array<i32>} : memref<128x128xf32, #tpu.memory_space<vmem>>, vector<1x16xf32>,
        %swap3A_479 = vector.shape_cast %swap3A_478 : vector<1x16xf32> to vector<16xf32>
        %swap3A_480 = vector.shape_cast %mul3A_475 : vector<16xf32> to vector<1x16xf32>
        tpu.vector_store %arg11[%swap3A_476, %swap3A_477], %swap3A_480 {strides = array<i32>} : memref<128x128xf32, #tpu.memory_space<vmem>>, vector<1x16xf32>,
        %get3A_481 = arith.index_cast %add3A_440 : i32 to index
        %get3A_482 = arith.constant 64 : index
        %get3A_483 = tpu.vector_load %arg11[%get3A_481, %get3A_482] {strides = array<i32>} : memref<128x128xf32, #tpu.memory_space<vmem>>, vector<1x16xf32>,
        %get3A_484 = vector.shape_cast %get3A_483 : vector<1x16xf32> to vector<16xf32>
        %mul3A_485 = arith.mulf %get3A_484, %broadcast_in_dim3A_436 : vector<16xf32>
        %swap3A_486 = arith.index_cast %add3A_440 : i32 to index
        %swap3A_487 = arith.constant 64 : index
        %swap3A_488 = tpu.vector_load %arg11[%swap3A_486, %swap3A_487] {strides = array<i32>} : memref<128x128xf32, #tpu.memory_space<vmem>>, vector<1x16xf32>,
        %swap3A_489 = vector.shape_cast %swap3A_488 : vector<1x16xf32> to vector<16xf32>
        %swap3A_490 = vector.shape_cast %mul3A_485 : vector<16xf32> to vector<1x16xf32>
        tpu.vector_store %arg11[%swap3A_486, %swap3A_487], %swap3A_490 {strides = array<i32>} : memref<128x128xf32, #tpu.memory_space<vmem>>, vector<1x16xf32>,
        %get3A_491 = arith.index_cast %add3A_440 : i32 to index
        %get3A_492 = arith.constant 80 : index
        %get3A_493 = tpu.vector_load %arg11[%get3A_491, %get3A_492] {strides = array<i32>} : memref<128x128xf32, #tpu.memory_space<vmem>>, vector<1x16xf32>,
        %get3A_494 = vector.shape_cast %get3A_493 : vector<1x16xf32> to vector<16xf32>
        %mul3A_495 = arith.mulf %get3A_494, %broadcast_in_dim3A_436 : vector<16xf32>
        %swap3A_496 = arith.index_cast %add3A_440 : i32 to index
        %swap3A_497 = arith.constant 80 : index
        %swap3A_498 = tpu.vector_load %arg11[%swap3A_496, %swap3A_497] {strides = array<i32>} : memref<128x128xf32, #tpu.memory_space<vmem>>, vector<1x16xf32>,
        %swap3A_499 = vector.shape_cast %swap3A_498 : vector<1x16xf32> to vector<16xf32>
        %swap3A_500 = vector.shape_cast %mul3A_495 : vector<16xf32> to vector<1x16xf32>
        tpu.vector_store %arg11[%swap3A_496, %swap3A_497], %swap3A_500 {strides = array<i32>} : memref<128x128xf32, #tpu.memory_space<vmem>>, vector<1x16xf32>,
        %get3A_501 = arith.index_cast %add3A_440 : i32 to index
        %get3A_502 = arith.constant 96 : index
        %get3A_503 = tpu.vector_load %arg11[%get3A_501, %get3A_502] {strides = array<i32>} : memref<128x128xf32, #tpu.memory_space<vmem>>, vector<1x16xf32>,
        %get3A_504 = vector.shape_cast %get3A_503 : vector<1x16xf32> to vector<16xf32>
        %mul3A_505 = arith.mulf %get3A_504, %broadcast_in_dim3A_436 : vector<16xf32>
        %swap3A_506 = arith.index_cast %add3A_440 : i32 to index
        %swap3A_507 = arith.constant 96 : index
        %swap3A_508 = tpu.vector_load %arg11[%swap3A_506, %swap3A_507] {strides = array<i32>} : memref<128x128xf32, #tpu.memory_space<vmem>>, vector<1x16xf32>,
        %swap3A_509 = vector.shape_cast %swap3A_508 : vector<1x16xf32> to vector<16xf32>
        %swap3A_510 = vector.shape_cast %mul3A_505 : vector<16xf32> to vector<1x16xf32>
        tpu.vector_store %arg11[%swap3A_506, %swap3A_507], %swap3A_510 {strides = array<i32>} : memref<128x128xf32, #tpu.memory_space<vmem>>, vector<1x16xf32>,
        %get3A_511 = arith.index_cast %add3A_440 : i32 to index
        %get3A_512 = arith.constant 112 : index
        %get3A_513 = tpu.vector_load %arg11[%get3A_511, %get3A_512] {strides = array<i32>} : memref<128x128xf32, #tpu.memory_space<vmem>>, vector<1x16xf32>,
        %get3A_514 = vector.shape_cast %get3A_513 : vector<1x16xf32> to vector<16xf32>
        %mul3A_515 = arith.mulf %get3A_514, %broadcast_in_dim3A_436 : vector<16xf32>
        %swap3A_516 = arith.index_cast %add3A_440 : i32 to index
        %swap3A_517 = arith.constant 112 : index
        %swap3A_518 = tpu.vector_load %arg11[%swap3A_516, %swap3A_517] {strides = array<i32>} : memref<128x128xf32, #tpu.memory_space<vmem>>, vector<1x16xf32>,
        %swap3A_519 = vector.shape_cast %swap3A_518 : vector<1x16xf32> to vector<16xf32>
        %swap3A_520 = vector.shape_cast %mul3A_515 : vector<16xf32> to vector<1x16xf32>
        tpu.vector_store %arg11[%swap3A_516, %swap3A_517], %swap3A_520 {strides = array<i32>} : memref<128x128xf32, #tpu.memory_space<vmem>>, vector<1x16xf32>,
        %slice3A_521 = vector.extract_strided_slice %get3A_88 {offsets = [5], sizes = [1], strides = [1]} : vector<16xf32> to vector<1xf32>
        %squeeze3A_522 = vector.extract %slice3A_521[0] : f32 from vector<1xf32>
        %broadcast_in_dim3A_523 = vector.broadcast %squeeze3A_522 : f32 to vector<16xf32>
        %mul3A_524 = arith.constant 16 : i32
        %mul3A_525 = arith.muli %mul3A_524, %scan3A_82 : i32
        %add3A_526 = arith.constant 5 : i32
        %add3A_527 = arith.addi %mul3A_525, %add3A_526 : i32
        %get3A_528 = arith.index_cast %add3A_527 : i32 to index
        %get3A_529 = arith.constant 0 : index
        %get3A_530 = tpu.vector_load %arg11[%get3A_528, %get3A_529] {strides = array<i32>} : memref<128x128xf32, #tpu.memory_space<vmem>>, vector<1x16xf32>,
        %get3A_531 = vector.shape_cast %get3A_530 : vector<1x16xf32> to vector<16xf32>
        %mul3A_532 = arith.mulf %get3A_531, %broadcast_in_dim3A_523 : vector<16xf32>
        %swap3A_533 = arith.index_cast %add3A_527 : i32 to index
        %swap3A_534 = arith.constant 0 : index
        %swap3A_535 = tpu.vector_load %arg11[%swap3A_533, %swap3A_534] {strides = array<i32>} : memref<128x128xf32, #tpu.memory_space<vmem>>, vector<1x16xf32>,
        %swap3A_536 = vector.shape_cast %swap3A_535 : vector<1x16xf32> to vector<16xf32>
        %swap3A_537 = vector.shape_cast %mul3A_532 : vector<16xf32> to vector<1x16xf32>
        tpu.vector_store %arg11[%swap3A_533, %swap3A_534], %swap3A_537 {strides = array<i32>} : memref<128x128xf32, #tpu.memory_space<vmem>>, vector<1x16xf32>,
        %get3A_538 = arith.index_cast %add3A_527 : i32 to index
        %get3A_539 = arith.constant 16 : index
        %get3A_540 = tpu.vector_load %arg11[%get3A_538, %get3A_539] {strides = array<i32>} : memref<128x128xf32, #tpu.memory_space<vmem>>, vector<1x16xf32>,
        %get3A_541 = vector.shape_cast %get3A_540 : vector<1x16xf32> to vector<16xf32>
        %mul3A_542 = arith.mulf %get3A_541, %broadcast_in_dim3A_523 : vector<16xf32>
        %swap3A_543 = arith.index_cast %add3A_527 : i32 to index
        %swap3A_544 = arith.constant 16 : index
        %swap3A_545 = tpu.vector_load %arg11[%swap3A_543, %swap3A_544] {strides = array<i32>} : memref<128x128xf32, #tpu.memory_space<vmem>>, vector<1x16xf32>,
        %swap3A_546 = vector.shape_cast %swap3A_545 : vector<1x16xf32> to vector<16xf32>
        %swap3A_547 = vector.shape_cast %mul3A_542 : vector<16xf32> to vector<1x16xf32>
        tpu.vector_store %arg11[%swap3A_543, %swap3A_544], %swap3A_547 {strides = array<i32>} : memref<128x128xf32, #tpu.memory_space<vmem>>, vector<1x16xf32>,
        %get3A_548 = arith.index_cast %add3A_527 : i32 to index
        %get3A_549 = arith.constant 32 : index
        %get3A_550 = tpu.vector_load %arg11[%get3A_548, %get3A_549] {strides = array<i32>} : memref<128x128xf32, #tpu.memory_space<vmem>>, vector<1x16xf32>,
        %get3A_551 = vector.shape_cast %get3A_550 : vector<1x16xf32> to vector<16xf32>
        %mul3A_552 = arith.mulf %get3A_551, %broadcast_in_dim3A_523 : vector<16xf32>
        %swap3A_553 = arith.index_cast %add3A_527 : i32 to index
        %swap3A_554 = arith.constant 32 : index
        %swap3A_555 = tpu.vector_load %arg11[%swap3A_553, %swap3A_554] {strides = array<i32>} : memref<128x128xf32, #tpu.memory_space<vmem>>, vector<1x16xf32>,
        %swap3A_556 = vector.shape_cast %swap3A_555 : vector<1x16xf32> to vector<16xf32>
        %swap3A_557 = vector.shape_cast %mul3A_552 : vector<16xf32> to vector<1x16xf32>
        tpu.vector_store %arg11[%swap3A_553, %swap3A_554], %swap3A_557 {strides = array<i32>} : memref<128x128xf32, #tpu.memory_space<vmem>>, vector<1x16xf32>,
        %get3A_558 = arith.index_cast %add3A_527 : i32 to index
        %get3A_559 = arith.constant 48 : index
        %get3A_560 = tpu.vector_load %arg11[%get3A_558, %get3A_559] {strides = array<i32>} : memref<128x128xf32, #tpu.memory_space<vmem>>, vector<1x16xf32>,
        %get3A_561 = vector.shape_cast %get3A_560 : vector<1x16xf32> to vector<16xf32>
        %mul3A_562 = arith.mulf %get3A_561, %broadcast_in_dim3A_523 : vector<16xf32>
        %swap3A_563 = arith.index_cast %add3A_527 : i32 to index
        %swap3A_564 = arith.constant 48 : index
        %swap3A_565 = tpu.vector_load %arg11[%swap3A_563, %swap3A_564] {strides = array<i32>} : memref<128x128xf32, #tpu.memory_space<vmem>>, vector<1x16xf32>,
        %swap3A_566 = vector.shape_cast %swap3A_565 : vector<1x16xf32> to vector<16xf32>
        %swap3A_567 = vector.shape_cast %mul3A_562 : vector<16xf32> to vector<1x16xf32>
        tpu.vector_store %arg11[%swap3A_563, %swap3A_564], %swap3A_567 {strides = array<i32>} : memref<128x128xf32, #tpu.memory_space<vmem>>, vector<1x16xf32>,
        %get3A_568 = arith.index_cast %add3A_527 : i32 to index
        %get3A_569 = arith.constant 64 : index
        %get3A_570 = tpu.vector_load %arg11[%get3A_568, %get3A_569] {strides = array<i32>} : memref<128x128xf32, #tpu.memory_space<vmem>>, vector<1x16xf32>,
        %get3A_571 = vector.shape_cast %get3A_570 : vector<1x16xf32> to vector<16xf32>
        %mul3A_572 = arith.mulf %get3A_571, %broadcast_in_dim3A_523 : vector<16xf32>
        %swap3A_573 = arith.index_cast %add3A_527 : i32 to index
        %swap3A_574 = arith.constant 64 : index
        %swap3A_575 = tpu.vector_load %arg11[%swap3A_573, %swap3A_574] {strides = array<i32>} : memref<128x128xf32, #tpu.memory_space<vmem>>, vector<1x16xf32>,
        %swap3A_576 = vector.shape_cast %swap3A_575 : vector<1x16xf32> to vector<16xf32>
        %swap3A_577 = vector.shape_cast %mul3A_572 : vector<16xf32> to vector<1x16xf32>
        tpu.vector_store %arg11[%swap3A_573, %swap3A_574], %swap3A_577 {strides = array<i32>} : memref<128x128xf32, #tpu.memory_space<vmem>>, vector<1x16xf32>,
        %get3A_578 = arith.index_cast %add3A_527 : i32 to index
        %get3A_579 = arith.constant 80 : index
        %get3A_580 = tpu.vector_load %arg11[%get3A_578, %get3A_579] {strides = array<i32>} : memref<128x128xf32, #tpu.memory_space<vmem>>, vector<1x16xf32>,
        %get3A_581 = vector.shape_cast %get3A_580 : vector<1x16xf32> to vector<16xf32>
        %mul3A_582 = arith.mulf %get3A_581, %broadcast_in_dim3A_523 : vector<16xf32>
        %swap3A_583 = arith.index_cast %add3A_527 : i32 to index
        %swap3A_584 = arith.constant 80 : index
        %swap3A_585 = tpu.vector_load %arg11[%swap3A_583, %swap3A_584] {strides = array<i32>} : memref<128x128xf32, #tpu.memory_space<vmem>>, vector<1x16xf32>,
        %swap3A_586 = vector.shape_cast %swap3A_585 : vector<1x16xf32> to vector<16xf32>
        %swap3A_587 = vector.shape_cast %mul3A_582 : vector<16xf32> to vector<1x16xf32>
        tpu.vector_store %arg11[%swap3A_583, %swap3A_584], %swap3A_587 {strides = array<i32>} : memref<128x128xf32, #tpu.memory_space<vmem>>, vector<1x16xf32>,
        %get3A_588 = arith.index_cast %add3A_527 : i32 to index
        %get3A_589 = arith.constant 96 : index
        %get3A_590 = tpu.vector_load %arg11[%get3A_588, %get3A_589] {strides = array<i32>} : memref<128x128xf32, #tpu.memory_space<vmem>>, vector<1x16xf32>,
        %get3A_591 = vector.shape_cast %get3A_590 : vector<1x16xf32> to vector<16xf32>
        %mul3A_592 = arith.mulf %get3A_591, %broadcast_in_dim3A_523 : vector<16xf32>
        %swap3A_593 = arith.index_cast %add3A_527 : i32 to index
        %swap3A_594 = arith.constant 96 : index
        %swap3A_595 = tpu.vector_load %arg11[%swap3A_593, %swap3A_594] {strides = array<i32>} : memref<128x128xf32, #tpu.memory_space<vmem>>, vector<1x16xf32>,
        %swap3A_596 = vector.shape_cast %swap3A_595 : vector<1x16xf32> to vector<16xf32>
        %swap3A_597 = vector.shape_cast %mul3A_592 : vector<16xf32> to vector<1x16xf32>
        tpu.vector_store %arg11[%swap3A_593, %swap3A_594], %swap3A_597 {strides = array<i32>} : memref<128x128xf32, #tpu.memory_space<vmem>>, vector<1x16xf32>,
        %get3A_598 = arith.index_cast %add3A_527 : i32 to index
        %get3A_599 = arith.constant 112 : index
        %get3A_600 = tpu.vector_load %arg11[%get3A_598, %get3A_599] {strides = array<i32>} : memref<128x128xf32, #tpu.memory_space<vmem>>, vector<1x16xf32>,
        %get3A_601 = vector.shape_cast %get3A_600 : vector<1x16xf32> to vector<16xf32>
        %mul3A_602 = arith.mulf %get3A_601, %broadcast_in_dim3A_523 : vector<16xf32>
        %swap3A_603 = arith.index_cast %add3A_527 : i32 to index
        %swap3A_604 = arith.constant 112 : index
        %swap3A_605 = tpu.vector_load %arg11[%swap3A_603, %swap3A_604] {strides = array<i32>} : memref<128x128xf32, #tpu.memory_space<vmem>>, vector<1x16xf32>,
        %swap3A_606 = vector.shape_cast %swap3A_605 : vector<1x16xf32> to vector<16xf32>
        %swap3A_607 = vector.shape_cast %mul3A_602 : vector<16xf32> to vector<1x16xf32>
        tpu.vector_store %arg11[%swap3A_603, %swap3A_604], %swap3A_607 {strides = array<i32>} : memref<128x128xf32, #tpu.memory_space<vmem>>, vector<1x16xf32>,
        %slice3A_608 = vector.extract_strided_slice %get3A_88 {offsets = [6], sizes = [1], strides = [1]} : vector<16xf32> to vector<1xf32>
        %squeeze3A_609 = vector.extract %slice3A_608[0] : f32 from vector<1xf32>
        %broadcast_in_dim3A_610 = vector.broadcast %squeeze3A_609 : f32 to vector<16xf32>
        %mul3A_611 = arith.constant 16 : i32
        %mul3A_612 = arith.muli %mul3A_611, %scan3A_82 : i32
        %add3A_613 = arith.constant 6 : i32
        %add3A_614 = arith.addi %mul3A_612, %add3A_613 : i32
        %get3A_615 = arith.index_cast %add3A_614 : i32 to index
        %get3A_616 = arith.constant 0 : index
        %get3A_617 = tpu.vector_load %arg11[%get3A_615, %get3A_616] {strides = array<i32>} : memref<128x128xf32, #tpu.memory_space<vmem>>, vector<1x16xf32>,
        %get3A_618 = vector.shape_cast %get3A_617 : vector<1x16xf32> to vector<16xf32>
        %mul3A_619 = arith.mulf %get3A_618, %broadcast_in_dim3A_610 : vector<16xf32>
        %swap3A_620 = arith.index_cast %add3A_614 : i32 to index
        %swap3A_621 = arith.constant 0 : index
        %swap3A_622 = tpu.vector_load %arg11[%swap3A_620, %swap3A_621] {strides = array<i32>} : memref<128x128xf32, #tpu.memory_space<vmem>>, vector<1x16xf32>,
        %swap3A_623 = vector.shape_cast %swap3A_622 : vector<1x16xf32> to vector<16xf32>
        %swap3A_624 = vector.shape_cast %mul3A_619 : vector<16xf32> to vector<1x16xf32>
        tpu.vector_store %arg11[%swap3A_620, %swap3A_621], %swap3A_624 {strides = array<i32>} : memref<128x128xf32, #tpu.memory_space<vmem>>, vector<1x16xf32>,
        %get3A_625 = arith.index_cast %add3A_614 : i32 to index
        %get3A_626 = arith.constant 16 : index
        %get3A_627 = tpu.vector_load %arg11[%get3A_625, %get3A_626] {strides = array<i32>} : memref<128x128xf32, #tpu.memory_space<vmem>>, vector<1x16xf32>,
        %get3A_628 = vector.shape_cast %get3A_627 : vector<1x16xf32> to vector<16xf32>
        %mul3A_629 = arith.mulf %get3A_628, %broadcast_in_dim3A_610 : vector<16xf32>
        %swap3A_630 = arith.index_cast %add3A_614 : i32 to index
        %swap3A_631 = arith.constant 16 : index
        %swap3A_632 = tpu.vector_load %arg11[%swap3A_630, %swap3A_631] {strides = array<i32>} : memref<128x128xf32, #tpu.memory_space<vmem>>, vector<1x16xf32>,
        %swap3A_633 = vector.shape_cast %swap3A_632 : vector<1x16xf32> to vector<16xf32>
        %swap3A_634 = vector.shape_cast %mul3A_629 : vector<16xf32> to vector<1x16xf32>
        tpu.vector_store %arg11[%swap3A_630, %swap3A_631], %swap3A_634 {strides = array<i32>} : memref<128x128xf32, #tpu.memory_space<vmem>>, vector<1x16xf32>,
        %get3A_635 = arith.index_cast %add3A_614 : i32 to index
        %get3A_636 = arith.constant 32 : index
        %get3A_637 = tpu.vector_load %arg11[%get3A_635, %get3A_636] {strides = array<i32>} : memref<128x128xf32, #tpu.memory_space<vmem>>, vector<1x16xf32>,
        %get3A_638 = vector.shape_cast %get3A_637 : vector<1x16xf32> to vector<16xf32>
        %mul3A_639 = arith.mulf %get3A_638, %broadcast_in_dim3A_610 : vector<16xf32>
        %swap3A_640 = arith.index_cast %add3A_614 : i32 to index
        %swap3A_641 = arith.constant 32 : index
        %swap3A_642 = tpu.vector_load %arg11[%swap3A_640, %swap3A_641] {strides = array<i32>} : memref<128x128xf32, #tpu.memory_space<vmem>>, vector<1x16xf32>,
        %swap3A_643 = vector.shape_cast %swap3A_642 : vector<1x16xf32> to vector<16xf32>
        %swap3A_644 = vector.shape_cast %mul3A_639 : vector<16xf32> to vector<1x16xf32>
        tpu.vector_store %arg11[%swap3A_640, %swap3A_641], %swap3A_644 {strides = array<i32>} : memref<128x128xf32, #tpu.memory_space<vmem>>, vector<1x16xf32>,
        %get3A_645 = arith.index_cast %add3A_614 : i32 to index
        %get3A_646 = arith.constant 48 : index
        %get3A_647 = tpu.vector_load %arg11[%get3A_645, %get3A_646] {strides = array<i32>} : memref<128x128xf32, #tpu.memory_space<vmem>>, vector<1x16xf32>,
        %get3A_648 = vector.shape_cast %get3A_647 : vector<1x16xf32> to vector<16xf32>
        %mul3A_649 = arith.mulf %get3A_648, %broadcast_in_dim3A_610 : vector<16xf32>
        %swap3A_650 = arith.index_cast %add3A_614 : i32 to index
        %swap3A_651 = arith.constant 48 : index
        %swap3A_652 = tpu.vector_load %arg11[%swap3A_650, %swap3A_651] {strides = array<i32>} : memref<128x128xf32, #tpu.memory_space<vmem>>, vector<1x16xf32>,
        %swap3A_653 = vector.shape_cast %swap3A_652 : vector<1x16xf32> to vector<16xf32>
        %swap3A_654 = vector.shape_cast %mul3A_649 : vector<16xf32> to vector<1x16xf32>
        tpu.vector_store %arg11[%swap3A_650, %swap3A_651], %swap3A_654 {strides = array<i32>} : memref<128x128xf32, #tpu.memory_space<vmem>>, vector<1x16xf32>,
        %get3A_655 = arith.index_cast %add3A_614 : i32 to index
        %get3A_656 = arith.constant 64 : index
        %get3A_657 = tpu.vector_load %arg11[%get3A_655, %get3A_656] {strides = array<i32>} : memref<128x128xf32, #tpu.memory_space<vmem>>, vector<1x16xf32>,
        %get3A_658 = vector.shape_cast %get3A_657 : vector<1x16xf32> to vector<16xf32>
        %mul3A_659 = arith.mulf %get3A_658, %broadcast_in_dim3A_610 : vector<16xf32>
        %swap3A_660 = arith.index_cast %add3A_614 : i32 to index
        %swap3A_661 = arith.constant 64 : index
        %swap3A_662 = tpu.vector_load %arg11[%swap3A_660, %swap3A_661] {strides = array<i32>} : memref<128x128xf32, #tpu.memory_space<vmem>>, vector<1x16xf32>,
        %swap3A_663 = vector.shape_cast %swap3A_662 : vector<1x16xf32> to vector<16xf32>
        %swap3A_664 = vector.shape_cast %mul3A_659 : vector<16xf32> to vector<1x16xf32>
        tpu.vector_store %arg11[%swap3A_660, %swap3A_661], %swap3A_664 {strides = array<i32>} : memref<128x128xf32, #tpu.memory_space<vmem>>, vector<1x16xf32>,
        %get3A_665 = arith.index_cast %add3A_614 : i32 to index
        %get3A_666 = arith.constant 80 : index
        %get3A_667 = tpu.vector_load %arg11[%get3A_665, %get3A_666] {strides = array<i32>} : memref<128x128xf32, #tpu.memory_space<vmem>>, vector<1x16xf32>,
        %get3A_668 = vector.shape_cast %get3A_667 : vector<1x16xf32> to vector<16xf32>
        %mul3A_669 = arith.mulf %get3A_668, %broadcast_in_dim3A_610 : vector<16xf32>
        %swap3A_670 = arith.index_cast %add3A_614 : i32 to index
        %swap3A_671 = arith.constant 80 : index
        %swap3A_672 = tpu.vector_load %arg11[%swap3A_670, %swap3A_671] {strides = array<i32>} : memref<128x128xf32, #tpu.memory_space<vmem>>, vector<1x16xf32>,
        %swap3A_673 = vector.shape_cast %swap3A_672 : vector<1x16xf32> to vector<16xf32>
        %swap3A_674 = vector.shape_cast %mul3A_669 : vector<16xf32> to vector<1x16xf32>
        tpu.vector_store %arg11[%swap3A_670, %swap3A_671], %swap3A_674 {strides = array<i32>} : memref<128x128xf32, #tpu.memory_space<vmem>>, vector<1x16xf32>,
        %get3A_675 = arith.index_cast %add3A_614 : i32 to index
        %get3A_676 = arith.constant 96 : index
        %get3A_677 = tpu.vector_load %arg11[%get3A_675, %get3A_676] {strides = array<i32>} : memref<128x128xf32, #tpu.memory_space<vmem>>, vector<1x16xf32>,
        %get3A_678 = vector.shape_cast %get3A_677 : vector<1x16xf32> to vector<16xf32>
        %mul3A_679 = arith.mulf %get3A_678, %broadcast_in_dim3A_610 : vector<16xf32>
        %swap3A_680 = arith.index_cast %add3A_614 : i32 to index
        %swap3A_681 = arith.constant 96 : index
        %swap3A_682 = tpu.vector_load %arg11[%swap3A_680, %swap3A_681] {strides = array<i32>} : memref<128x128xf32, #tpu.memory_space<vmem>>, vector<1x16xf32>,
        %swap3A_683 = vector.shape_cast %swap3A_682 : vector<1x16xf32> to vector<16xf32>
        %swap3A_684 = vector.shape_cast %mul3A_679 : vector<16xf32> to vector<1x16xf32>
        tpu.vector_store %arg11[%swap3A_680, %swap3A_681], %swap3A_684 {strides = array<i32>} : memref<128x128xf32, #tpu.memory_space<vmem>>, vector<1x16xf32>,
        %get3A_685 = arith.index_cast %add3A_614 : i32 to index
        %get3A_686 = arith.constant 112 : index
        %get3A_687 = tpu.vector_load %arg11[%get3A_685, %get3A_686] {strides = array<i32>} : memref<128x128xf32, #tpu.memory_space<vmem>>, vector<1x16xf32>,
        %get3A_688 = vector.shape_cast %get3A_687 : vector<1x16xf32> to vector<16xf32>
        %mul3A_689 = arith.mulf %get3A_688, %broadcast_in_dim3A_610 : vector<16xf32>
        %swap3A_690 = arith.index_cast %add3A_614 : i32 to index
        %swap3A_691 = arith.constant 112 : index
        %swap3A_692 = tpu.vector_load %arg11[%swap3A_690, %swap3A_691] {strides = array<i32>} : memref<128x128xf32, #tpu.memory_space<vmem>>, vector<1x16xf32>,
        %swap3A_693 = vector.shape_cast %swap3A_692 : vector<1x16xf32> to vector<16xf32>
        %swap3A_694 = vector.shape_cast %mul3A_689 : vector<16xf32> to vector<1x16xf32>
        tpu.vector_store %arg11[%swap3A_690, %swap3A_691], %swap3A_694 {strides = array<i32>} : memref<128x128xf32, #tpu.memory_space<vmem>>, vector<1x16xf32>,
        %slice3A_695 = vector.extract_strided_slice %get3A_88 {offsets = [7], sizes = [1], strides = [1]} : vector<16xf32> to vector<1xf32>
        %squeeze3A_696 = vector.extract %slice3A_695[0] : f32 from vector<1xf32>
        %broadcast_in_dim3A_697 = vector.broadcast %squeeze3A_696 : f32 to vector<16xf32>
        %mul3A_698 = arith.constant 16 : i32
        %mul3A_699 = arith.muli %mul3A_698, %scan3A_82 : i32
        %add3A_700 = arith.constant 7 : i32
        %add3A_701 = arith.addi %mul3A_699, %add3A_700 : i32
        %get3A_702 = arith.index_cast %add3A_701 : i32 to index
        %get3A_703 = arith.constant 0 : index
        %get3A_704 = tpu.vector_load %arg11[%get3A_702, %get3A_703] {strides = array<i32>} : memref<128x128xf32, #tpu.memory_space<vmem>>, vector<1x16xf32>,
        %get3A_705 = vector.shape_cast %get3A_704 : vector<1x16xf32> to vector<16xf32>
        %mul3A_706 = arith.mulf %get3A_705, %broadcast_in_dim3A_697 : vector<16xf32>
        %swap3A_707 = arith.index_cast %add3A_701 : i32 to index
        %swap3A_708 = arith.constant 0 : index
        %swap3A_709 = tpu.vector_load %arg11[%swap3A_707, %swap3A_708] {strides = array<i32>} : memref<128x128xf32, #tpu.memory_space<vmem>>, vector<1x16xf32>,
        %swap3A_710 = vector.shape_cast %swap3A_709 : vector<1x16xf32> to vector<16xf32>
        %swap3A_711 = vector.shape_cast %mul3A_706 : vector<16xf32> to vector<1x16xf32>
        tpu.vector_store %arg11[%swap3A_707, %swap3A_708], %swap3A_711 {strides = array<i32>} : memref<128x128xf32, #tpu.memory_space<vmem>>, vector<1x16xf32>,
        %get3A_712 = arith.index_cast %add3A_701 : i32 to index
        %get3A_713 = arith.constant 16 : index
        %get3A_714 = tpu.vector_load %arg11[%get3A_712, %get3A_713] {strides = array<i32>} : memref<128x128xf32, #tpu.memory_space<vmem>>, vector<1x16xf32>,
        %get3A_715 = vector.shape_cast %get3A_714 : vector<1x16xf32> to vector<16xf32>
        %mul3A_716 = arith.mulf %get3A_715, %broadcast_in_dim3A_697 : vector<16xf32>
        %swap3A_717 = arith.index_cast %add3A_701 : i32 to index
        %swap3A_718 = arith.constant 16 : index
        %swap3A_719 = tpu.vector_load %arg11[%swap3A_717, %swap3A_718] {strides = array<i32>} : memref<128x128xf32, #tpu.memory_space<vmem>>, vector<1x16xf32>,
        %swap3A_720 = vector.shape_cast %swap3A_719 : vector<1x16xf32> to vector<16xf32>
        %swap3A_721 = vector.shape_cast %mul3A_716 : vector<16xf32> to vector<1x16xf32>
        tpu.vector_store %arg11[%swap3A_717, %swap3A_718], %swap3A_721 {strides = array<i32>} : memref<128x128xf32, #tpu.memory_space<vmem>>, vector<1x16xf32>,
        %get3A_722 = arith.index_cast %add3A_701 : i32 to index
        %get3A_723 = arith.constant 32 : index
        %get3A_724 = tpu.vector_load %arg11[%get3A_722, %get3A_723] {strides = array<i32>} : memref<128x128xf32, #tpu.memory_space<vmem>>, vector<1x16xf32>,
        %get3A_725 = vector.shape_cast %get3A_724 : vector<1x16xf32> to vector<16xf32>
        %mul3A_726 = arith.mulf %get3A_725, %broadcast_in_dim3A_697 : vector<16xf32>
        %swap3A_727 = arith.index_cast %add3A_701 : i32 to index
        %swap3A_728 = arith.constant 32 : index
        %swap3A_729 = tpu.vector_load %arg11[%swap3A_727, %swap3A_728] {strides = array<i32>} : memref<128x128xf32, #tpu.memory_space<vmem>>, vector<1x16xf32>,
        %swap3A_730 = vector.shape_cast %swap3A_729 : vector<1x16xf32> to vector<16xf32>
        %swap3A_731 = vector.shape_cast %mul3A_726 : vector<16xf32> to vector<1x16xf32>
        tpu.vector_store %arg11[%swap3A_727, %swap3A_728], %swap3A_731 {strides = array<i32>} : memref<128x128xf32, #tpu.memory_space<vmem>>, vector<1x16xf32>,
        %get3A_732 = arith.index_cast %add3A_701 : i32 to index
        %get3A_733 = arith.constant 48 : index
        %get3A_734 = tpu.vector_load %arg11[%get3A_732, %get3A_733] {strides = array<i32>} : memref<128x128xf32, #tpu.memory_space<vmem>>, vector<1x16xf32>,
        %get3A_735 = vector.shape_cast %get3A_734 : vector<1x16xf32> to vector<16xf32>
        %mul3A_736 = arith.mulf %get3A_735, %broadcast_in_dim3A_697 : vector<16xf32>
        %swap3A_737 = arith.index_cast %add3A_701 : i32 to index
        %swap3A_738 = arith.constant 48 : index
        %swap3A_739 = tpu.vector_load %arg11[%swap3A_737, %swap3A_738] {strides = array<i32>} : memref<128x128xf32, #tpu.memory_space<vmem>>, vector<1x16xf32>,
        %swap3A_740 = vector.shape_cast %swap3A_739 : vector<1x16xf32> to vector<16xf32>
        %swap3A_741 = vector.shape_cast %mul3A_736 : vector<16xf32> to vector<1x16xf32>
        tpu.vector_store %arg11[%swap3A_737, %swap3A_738], %swap3A_741 {strides = array<i32>} : memref<128x128xf32, #tpu.memory_space<vmem>>, vector<1x16xf32>,
        %get3A_742 = arith.index_cast %add3A_701 : i32 to index
        %get3A_743 = arith.constant 64 : index
        %get3A_744 = tpu.vector_load %arg11[%get3A_742, %get3A_743] {strides = array<i32>} : memref<128x128xf32, #tpu.memory_space<vmem>>, vector<1x16xf32>,
        %get3A_745 = vector.shape_cast %get3A_744 : vector<1x16xf32> to vector<16xf32>
        %mul3A_746 = arith.mulf %get3A_745, %broadcast_in_dim3A_697 : vector<16xf32>
        %swap3A_747 = arith.index_cast %add3A_701 : i32 to index
        %swap3A_748 = arith.constant 64 : index
        %swap3A_749 = tpu.vector_load %arg11[%swap3A_747, %swap3A_748] {strides = array<i32>} : memref<128x128xf32, #tpu.memory_space<vmem>>, vector<1x16xf32>,
        %swap3A_750 = vector.shape_cast %swap3A_749 : vector<1x16xf32> to vector<16xf32>
        %swap3A_751 = vector.shape_cast %mul3A_746 : vector<16xf32> to vector<1x16xf32>
        tpu.vector_store %arg11[%swap3A_747, %swap3A_748], %swap3A_751 {strides = array<i32>} : memref<128x128xf32, #tpu.memory_space<vmem>>, vector<1x16xf32>,
        %get3A_752 = arith.index_cast %add3A_701 : i32 to index
        %get3A_753 = arith.constant 80 : index
        %get3A_754 = tpu.vector_load %arg11[%get3A_752, %get3A_753] {strides = array<i32>} : memref<128x128xf32, #tpu.memory_space<vmem>>, vector<1x16xf32>,
        %get3A_755 = vector.shape_cast %get3A_754 : vector<1x16xf32> to vector<16xf32>
        %mul3A_756 = arith.mulf %get3A_755, %broadcast_in_dim3A_697 : vector<16xf32>
        %swap3A_757 = arith.index_cast %add3A_701 : i32 to index
        %swap3A_758 = arith.constant 80 : index
        %swap3A_759 = tpu.vector_load %arg11[%swap3A_757, %swap3A_758] {strides = array<i32>} : memref<128x128xf32, #tpu.memory_space<vmem>>, vector<1x16xf32>,
        %swap3A_760 = vector.shape_cast %swap3A_759 : vector<1x16xf32> to vector<16xf32>
        %swap3A_761 = vector.shape_cast %mul3A_756 : vector<16xf32> to vector<1x16xf32>
        tpu.vector_store %arg11[%swap3A_757, %swap3A_758], %swap3A_761 {strides = array<i32>} : memref<128x128xf32, #tpu.memory_space<vmem>>, vector<1x16xf32>,
        %get3A_762 = arith.index_cast %add3A_701 : i32 to index
        %get3A_763 = arith.constant 96 : index
        %get3A_764 = tpu.vector_load %arg11[%get3A_762, %get3A_763] {strides = array<i32>} : memref<128x128xf32, #tpu.memory_space<vmem>>, vector<1x16xf32>,
        %get3A_765 = vector.shape_cast %get3A_764 : vector<1x16xf32> to vector<16xf32>
        %mul3A_766 = arith.mulf %get3A_765, %broadcast_in_dim3A_697 : vector<16xf32>
        %swap3A_767 = arith.index_cast %add3A_701 : i32 to index
        %swap3A_768 = arith.constant 96 : index
        %swap3A_769 = tpu.vector_load %arg11[%swap3A_767, %swap3A_768] {strides = array<i32>} : memref<128x128xf32, #tpu.memory_space<vmem>>, vector<1x16xf32>,
        %swap3A_770 = vector.shape_cast %swap3A_769 : vector<1x16xf32> to vector<16xf32>
        %swap3A_771 = vector.shape_cast %mul3A_766 : vector<16xf32> to vector<1x16xf32>
        tpu.vector_store %arg11[%swap3A_767, %swap3A_768], %swap3A_771 {strides = array<i32>} : memref<128x128xf32, #tpu.memory_space<vmem>>, vector<1x16xf32>,
        %get3A_772 = arith.index_cast %add3A_701 : i32 to index
        %get3A_773 = arith.constant 112 : index
        %get3A_774 = tpu.vector_load %arg11[%get3A_772, %get3A_773] {strides = array<i32>} : memref<128x128xf32, #tpu.memory_space<vmem>>, vector<1x16xf32>,
        %get3A_775 = vector.shape_cast %get3A_774 : vector<1x16xf32> to vector<16xf32>
        %mul3A_776 = arith.mulf %get3A_775, %broadcast_in_dim3A_697 : vector<16xf32>
        %swap3A_777 = arith.index_cast %add3A_701 : i32 to index
        %swap3A_778 = arith.constant 112 : index
        %swap3A_779 = tpu.vector_load %arg11[%swap3A_777, %swap3A_778] {strides = array<i32>} : memref<128x128xf32, #tpu.memory_space<vmem>>, vector<1x16xf32>,
        %swap3A_780 = vector.shape_cast %swap3A_779 : vector<1x16xf32> to vector<16xf32>
        %swap3A_781 = vector.shape_cast %mul3A_776 : vector<16xf32> to vector<1x16xf32>
        tpu.vector_store %arg11[%swap3A_777, %swap3A_778], %swap3A_781 {strides = array<i32>} : memref<128x128xf32, #tpu.memory_space<vmem>>, vector<1x16xf32>,
        %slice3A_782 = vector.extract_strided_slice %get3A_88 {offsets = [8], sizes = [1], strides = [1]} : vector<16xf32> to vector<1xf32>
        %squeeze3A_783 = vector.extract %slice3A_782[0] : f32 from vector<1xf32>
        %broadcast_in_dim3A_784 = vector.broadcast %squeeze3A_783 : f32 to vector<16xf32>
        %mul3A_785 = arith.constant 16 : i32
        %mul3A_786 = arith.muli %mul3A_785, %scan3A_82 : i32
        %add3A_787 = arith.constant 8 : i32
        %add3A_788 = arith.addi %mul3A_786, %add3A_787 : i32
        %get3A_789 = arith.index_cast %add3A_788 : i32 to index
        %get3A_790 = arith.constant 0 : index
        %get3A_791 = tpu.vector_load %arg11[%get3A_789, %get3A_790] {strides = array<i32>} : memref<128x128xf32, #tpu.memory_space<vmem>>, vector<1x16xf32>,
        %get3A_792 = vector.shape_cast %get3A_791 : vector<1x16xf32> to vector<16xf32>
        %mul3A_793 = arith.mulf %get3A_792, %broadcast_in_dim3A_784 : vector<16xf32>
        %swap3A_794 = arith.index_cast %add3A_788 : i32 to index
        %swap3A_795 = arith.constant 0 : index
        %swap3A_796 = tpu.vector_load %arg11[%swap3A_794, %swap3A_795] {strides = array<i32>} : memref<128x128xf32, #tpu.memory_space<vmem>>, vector<1x16xf32>,
        %swap3A_797 = vector.shape_cast %swap3A_796 : vector<1x16xf32> to vector<16xf32>
        %swap3A_798 = vector.shape_cast %mul3A_793 : vector<16xf32> to vector<1x16xf32>
        tpu.vector_store %arg11[%swap3A_794, %swap3A_795], %swap3A_798 {strides = array<i32>} : memref<128x128xf32, #tpu.memory_space<vmem>>, vector<1x16xf32>,
        %get3A_799 = arith.index_cast %add3A_788 : i32 to index
        %get3A_800 = arith.constant 16 : index
        %get3A_801 = tpu.vector_load %arg11[%get3A_799, %get3A_800] {strides = array<i32>} : memref<128x128xf32, #tpu.memory_space<vmem>>, vector<1x16xf32>,
        %get3A_802 = vector.shape_cast %get3A_801 : vector<1x16xf32> to vector<16xf32>
        %mul3A_803 = arith.mulf %get3A_802, %broadcast_in_dim3A_784 : vector<16xf32>
        %swap3A_804 = arith.index_cast %add3A_788 : i32 to index
        %swap3A_805 = arith.constant 16 : index
        %swap3A_806 = tpu.vector_load %arg11[%swap3A_804, %swap3A_805] {strides = array<i32>} : memref<128x128xf32, #tpu.memory_space<vmem>>, vector<1x16xf32>,
        %swap3A_807 = vector.shape_cast %swap3A_806 : vector<1x16xf32> to vector<16xf32>
        %swap3A_808 = vector.shape_cast %mul3A_803 : vector<16xf32> to vector<1x16xf32>
        tpu.vector_store %arg11[%swap3A_804, %swap3A_805], %swap3A_808 {strides = array<i32>} : memref<128x128xf32, #tpu.memory_space<vmem>>, vector<1x16xf32>,
        %get3A_809 = arith.index_cast %add3A_788 : i32 to index
        %get3A_810 = arith.constant 32 : index
        %get3A_811 = tpu.vector_load %arg11[%get3A_809, %get3A_810] {strides = array<i32>} : memref<128x128xf32, #tpu.memory_space<vmem>>, vector<1x16xf32>,
        %get3A_812 = vector.shape_cast %get3A_811 : vector<1x16xf32> to vector<16xf32>
        %mul3A_813 = arith.mulf %get3A_812, %broadcast_in_dim3A_784 : vector<16xf32>
        %swap3A_814 = arith.index_cast %add3A_788 : i32 to index
        %swap3A_815 = arith.constant 32 : index
        %swap3A_816 = tpu.vector_load %arg11[%swap3A_814, %swap3A_815] {strides = array<i32>} : memref<128x128xf32, #tpu.memory_space<vmem>>, vector<1x16xf32>,
        %swap3A_817 = vector.shape_cast %swap3A_816 : vector<1x16xf32> to vector<16xf32>
        %swap3A_818 = vector.shape_cast %mul3A_813 : vector<16xf32> to vector<1x16xf32>
        tpu.vector_store %arg11[%swap3A_814, %swap3A_815], %swap3A_818 {strides = array<i32>} : memref<128x128xf32, #tpu.memory_space<vmem>>, vector<1x16xf32>,
        %get3A_819 = arith.index_cast %add3A_788 : i32 to index
        %get3A_820 = arith.constant 48 : index
        %get3A_821 = tpu.vector_load %arg11[%get3A_819, %get3A_820] {strides = array<i32>} : memref<128x128xf32, #tpu.memory_space<vmem>>, vector<1x16xf32>,
        %get3A_822 = vector.shape_cast %get3A_821 : vector<1x16xf32> to vector<16xf32>
        %mul3A_823 = arith.mulf %get3A_822, %broadcast_in_dim3A_784 : vector<16xf32>
        %swap3A_824 = arith.index_cast %add3A_788 : i32 to index
        %swap3A_825 = arith.constant 48 : index
        %swap3A_826 = tpu.vector_load %arg11[%swap3A_824, %swap3A_825] {strides = array<i32>} : memref<128x128xf32, #tpu.memory_space<vmem>>, vector<1x16xf32>,
        %swap3A_827 = vector.shape_cast %swap3A_826 : vector<1x16xf32> to vector<16xf32>
        %swap3A_828 = vector.shape_cast %mul3A_823 : vector<16xf32> to vector<1x16xf32>
        tpu.vector_store %arg11[%swap3A_824, %swap3A_825], %swap3A_828 {strides = array<i32>} : memref<128x128xf32, #tpu.memory_space<vmem>>, vector<1x16xf32>,
        %get3A_829 = arith.index_cast %add3A_788 : i32 to index
        %get3A_830 = arith.constant 64 : index
        %get3A_831 = tpu.vector_load %arg11[%get3A_829, %get3A_830] {strides = array<i32>} : memref<128x128xf32, #tpu.memory_space<vmem>>, vector<1x16xf32>,
        %get3A_832 = vector.shape_cast %get3A_831 : vector<1x16xf32> to vector<16xf32>
        %mul3A_833 = arith.mulf %get3A_832, %broadcast_in_dim3A_784 : vector<16xf32>
        %swap3A_834 = arith.index_cast %add3A_788 : i32 to index
        %swap3A_835 = arith.constant 64 : index
        %swap3A_836 = tpu.vector_load %arg11[%swap3A_834, %swap3A_835] {strides = array<i32>} : memref<128x128xf32, #tpu.memory_space<vmem>>, vector<1x16xf32>,
        %swap3A_837 = vector.shape_cast %swap3A_836 : vector<1x16xf32> to vector<16xf32>
        %swap3A_838 = vector.shape_cast %mul3A_833 : vector<16xf32> to vector<1x16xf32>
        tpu.vector_store %arg11[%swap3A_834, %swap3A_835], %swap3A_838 {strides = array<i32>} : memref<128x128xf32, #tpu.memory_space<vmem>>, vector<1x16xf32>,
        %get3A_839 = arith.index_cast %add3A_788 : i32 to index
        %get3A_840 = arith.constant 80 : index
        %get3A_841 = tpu.vector_load %arg11[%get3A_839, %get3A_840] {strides = array<i32>} : memref<128x128xf32, #tpu.memory_space<vmem>>, vector<1x16xf32>,
        %get3A_842 = vector.shape_cast %get3A_841 : vector<1x16xf32> to vector<16xf32>
        %mul3A_843 = arith.mulf %get3A_842, %broadcast_in_dim3A_784 : vector<16xf32>
        %swap3A_844 = arith.index_cast %add3A_788 : i32 to index
        %swap3A_845 = arith.constant 80 : index
        %swap3A_846 = tpu.vector_load %arg11[%swap3A_844, %swap3A_845] {strides = array<i32>} : memref<128x128xf32, #tpu.memory_space<vmem>>, vector<1x16xf32>,
        %swap3A_847 = vector.shape_cast %swap3A_846 : vector<1x16xf32> to vector<16xf32>
        %swap3A_848 = vector.shape_cast %mul3A_843 : vector<16xf32> to vector<1x16xf32>
        tpu.vector_store %arg11[%swap3A_844, %swap3A_845], %swap3A_848 {strides = array<i32>} : memref<128x128xf32, #tpu.memory_space<vmem>>, vector<1x16xf32>,
        %get3A_849 = arith.index_cast %add3A_788 : i32 to index
        %get3A_850 = arith.constant 96 : index
        %get3A_851 = tpu.vector_load %arg11[%get3A_849, %get3A_850] {strides = array<i32>} : memref<128x128xf32, #tpu.memory_space<vmem>>, vector<1x16xf32>,
        %get3A_852 = vector.shape_cast %get3A_851 : vector<1x16xf32> to vector<16xf32>
        %mul3A_853 = arith.mulf %get3A_852, %broadcast_in_dim3A_784 : vector<16xf32>
        %swap3A_854 = arith.index_cast %add3A_788 : i32 to index
        %swap3A_855 = arith.constant 96 : index
        %swap3A_856 = tpu.vector_load %arg11[%swap3A_854, %swap3A_855] {strides = array<i32>} : memref<128x128xf32, #tpu.memory_space<vmem>>, vector<1x16xf32>,
        %swap3A_857 = vector.shape_cast %swap3A_856 : vector<1x16xf32> to vector<16xf32>
        %swap3A_858 = vector.shape_cast %mul3A_853 : vector<16xf32> to vector<1x16xf32>
        tpu.vector_store %arg11[%swap3A_854, %swap3A_855], %swap3A_858 {strides = array<i32>} : memref<128x128xf32, #tpu.memory_space<vmem>>, vector<1x16xf32>,
        %get3A_859 = arith.index_cast %add3A_788 : i32 to index
        %get3A_860 = arith.constant 112 : index
        %get3A_861 = tpu.vector_load %arg11[%get3A_859, %get3A_860] {strides = array<i32>} : memref<128x128xf32, #tpu.memory_space<vmem>>, vector<1x16xf32>,
        %get3A_862 = vector.shape_cast %get3A_861 : vector<1x16xf32> to vector<16xf32>
        %mul3A_863 = arith.mulf %get3A_862, %broadcast_in_dim3A_784 : vector<16xf32>
        %swap3A_864 = arith.index_cast %add3A_788 : i32 to index
        %swap3A_865 = arith.constant 112 : index
        %swap3A_866 = tpu.vector_load %arg11[%swap3A_864, %swap3A_865] {strides = array<i32>} : memref<128x128xf32, #tpu.memory_space<vmem>>, vector<1x16xf32>,
        %swap3A_867 = vector.shape_cast %swap3A_866 : vector<1x16xf32> to vector<16xf32>
        %swap3A_868 = vector.shape_cast %mul3A_863 : vector<16xf32> to vector<1x16xf32>
        tpu.vector_store %arg11[%swap3A_864, %swap3A_865], %swap3A_868 {strides = array<i32>} : memref<128x128xf32, #tpu.memory_space<vmem>>, vector<1x16xf32>,
        %slice3A_869 = vector.extract_strided_slice %get3A_88 {offsets = [9], sizes = [1], strides = [1]} : vector<16xf32> to vector<1xf32>
        %squeeze3A_870 = vector.extract %slice3A_869[0] : f32 from vector<1xf32>
        %broadcast_in_dim3A_871 = vector.broadcast %squeeze3A_870 : f32 to vector<16xf32>
        %mul3A_872 = arith.constant 16 : i32
        %mul3A_873 = arith.muli %mul3A_872, %scan3A_82 : i32
        %add3A_874 = arith.constant 9 : i32
        %add3A_875 = arith.addi %mul3A_873, %add3A_874 : i32
        %get3A_876 = arith.index_cast %add3A_875 : i32 to index
        %get3A_877 = arith.constant 0 : index
        %get3A_878 = tpu.vector_load %arg11[%get3A_876, %get3A_877] {strides = array<i32>} : memref<128x128xf32, #tpu.memory_space<vmem>>, vector<1x16xf32>,
        %get3A_879 = vector.shape_cast %get3A_878 : vector<1x16xf32> to vector<16xf32>
        %mul3A_880 = arith.mulf %get3A_879, %broadcast_in_dim3A_871 : vector<16xf32>
        %swap3A_881 = arith.index_cast %add3A_875 : i32 to index
        %swap3A_882 = arith.constant 0 : index
        %swap3A_883 = tpu.vector_load %arg11[%swap3A_881, %swap3A_882] {strides = array<i32>} : memref<128x128xf32, #tpu.memory_space<vmem>>, vector<1x16xf32>,
        %swap3A_884 = vector.shape_cast %swap3A_883 : vector<1x16xf32> to vector<16xf32>
        %swap3A_885 = vector.shape_cast %mul3A_880 : vector<16xf32> to vector<1x16xf32>
        tpu.vector_store %arg11[%swap3A_881, %swap3A_882], %swap3A_885 {strides = array<i32>} : memref<128x128xf32, #tpu.memory_space<vmem>>, vector<1x16xf32>,
        %get3A_886 = arith.index_cast %add3A_875 : i32 to index
        %get3A_887 = arith.constant 16 : index
        %get3A_888 = tpu.vector_load %arg11[%get3A_886, %get3A_887] {strides = array<i32>} : memref<128x128xf32, #tpu.memory_space<vmem>>, vector<1x16xf32>,
        %get3A_889 = vector.shape_cast %get3A_888 : vector<1x16xf32> to vector<16xf32>
        %mul3A_890 = arith.mulf %get3A_889, %broadcast_in_dim3A_871 : vector<16xf32>
        %swap3A_891 = arith.index_cast %add3A_875 : i32 to index
        %swap3A_892 = arith.constant 16 : index
        %swap3A_893 = tpu.vector_load %arg11[%swap3A_891, %swap3A_892] {strides = array<i32>} : memref<128x128xf32, #tpu.memory_space<vmem>>, vector<1x16xf32>,
        %swap3A_894 = vector.shape_cast %swap3A_893 : vector<1x16xf32> to vector<16xf32>
        %swap3A_895 = vector.shape_cast %mul3A_890 : vector<16xf32> to vector<1x16xf32>
        tpu.vector_store %arg11[%swap3A_891, %swap3A_892], %swap3A_895 {strides = array<i32>} : memref<128x128xf32, #tpu.memory_space<vmem>>, vector<1x16xf32>,
        %get3A_896 = arith.index_cast %add3A_875 : i32 to index
        %get3A_897 = arith.constant 32 : index
        %get3A_898 = tpu.vector_load %arg11[%get3A_896, %get3A_897] {strides = array<i32>} : memref<128x128xf32, #tpu.memory_space<vmem>>, vector<1x16xf32>,
        %get3A_899 = vector.shape_cast %get3A_898 : vector<1x16xf32> to vector<16xf32>
        %mul3A_900 = arith.mulf %get3A_899, %broadcast_in_dim3A_871 : vector<16xf32>
        %swap3A_901 = arith.index_cast %add3A_875 : i32 to index
        %swap3A_902 = arith.constant 32 : index
        %swap3A_903 = tpu.vector_load %arg11[%swap3A_901, %swap3A_902] {strides = array<i32>} : memref<128x128xf32, #tpu.memory_space<vmem>>, vector<1x16xf32>,
        %swap3A_904 = vector.shape_cast %swap3A_903 : vector<1x16xf32> to vector<16xf32>
        %swap3A_905 = vector.shape_cast %mul3A_900 : vector<16xf32> to vector<1x16xf32>
        tpu.vector_store %arg11[%swap3A_901, %swap3A_902], %swap3A_905 {strides = array<i32>} : memref<128x128xf32, #tpu.memory_space<vmem>>, vector<1x16xf32>,
        %get3A_906 = arith.index_cast %add3A_875 : i32 to index
        %get3A_907 = arith.constant 48 : index
        %get3A_908 = tpu.vector_load %arg11[%get3A_906, %get3A_907] {strides = array<i32>} : memref<128x128xf32, #tpu.memory_space<vmem>>, vector<1x16xf32>,
        %get3A_909 = vector.shape_cast %get3A_908 : vector<1x16xf32> to vector<16xf32>
        %mul3A_910 = arith.mulf %get3A_909, %broadcast_in_dim3A_871 : vector<16xf32>
        %swap3A_911 = arith.index_cast %add3A_875 : i32 to index
        %swap3A_912 = arith.constant 48 : index
        %swap3A_913 = tpu.vector_load %arg11[%swap3A_911, %swap3A_912] {strides = array<i32>} : memref<128x128xf32, #tpu.memory_space<vmem>>, vector<1x16xf32>,
        %swap3A_914 = vector.shape_cast %swap3A_913 : vector<1x16xf32> to vector<16xf32>
        %swap3A_915 = vector.shape_cast %mul3A_910 : vector<16xf32> to vector<1x16xf32>
        tpu.vector_store %arg11[%swap3A_911, %swap3A_912], %swap3A_915 {strides = array<i32>} : memref<128x128xf32, #tpu.memory_space<vmem>>, vector<1x16xf32>,
        %get3A_916 = arith.index_cast %add3A_875 : i32 to index
        %get3A_917 = arith.constant 64 : index
        %get3A_918 = tpu.vector_load %arg11[%get3A_916, %get3A_917] {strides = array<i32>} : memref<128x128xf32, #tpu.memory_space<vmem>>, vector<1x16xf32>,
        %get3A_919 = vector.shape_cast %get3A_918 : vector<1x16xf32> to vector<16xf32>
        %mul3A_920 = arith.mulf %get3A_919, %broadcast_in_dim3A_871 : vector<16xf32>
        %swap3A_921 = arith.index_cast %add3A_875 : i32 to index
        %swap3A_922 = arith.constant 64 : index
        %swap3A_923 = tpu.vector_load %arg11[%swap3A_921, %swap3A_922] {strides = array<i32>} : memref<128x128xf32, #tpu.memory_space<vmem>>, vector<1x16xf32>,
        %swap3A_924 = vector.shape_cast %swap3A_923 : vector<1x16xf32> to vector<16xf32>
        %swap3A_925 = vector.shape_cast %mul3A_920 : vector<16xf32> to vector<1x16xf32>
        tpu.vector_store %arg11[%swap3A_921, %swap3A_922], %swap3A_925 {strides = array<i32>} : memref<128x128xf32, #tpu.memory_space<vmem>>, vector<1x16xf32>,
        %get3A_926 = arith.index_cast %add3A_875 : i32 to index
        %get3A_927 = arith.constant 80 : index
        %get3A_928 = tpu.vector_load %arg11[%get3A_926, %get3A_927] {strides = array<i32>} : memref<128x128xf32, #tpu.memory_space<vmem>>, vector<1x16xf32>,
        %get3A_929 = vector.shape_cast %get3A_928 : vector<1x16xf32> to vector<16xf32>
        %mul3A_930 = arith.mulf %get3A_929, %broadcast_in_dim3A_871 : vector<16xf32>
        %swap3A_931 = arith.index_cast %add3A_875 : i32 to index
        %swap3A_932 = arith.constant 80 : index
        %swap3A_933 = tpu.vector_load %arg11[%swap3A_931, %swap3A_932] {strides = array<i32>} : memref<128x128xf32, #tpu.memory_space<vmem>>, vector<1x16xf32>,
        %swap3A_934 = vector.shape_cast %swap3A_933 : vector<1x16xf32> to vector<16xf32>
        %swap3A_935 = vector.shape_cast %mul3A_930 : vector<16xf32> to vector<1x16xf32>
        tpu.vector_store %arg11[%swap3A_931, %swap3A_932], %swap3A_935 {strides = array<i32>} : memref<128x128xf32, #tpu.memory_space<vmem>>, vector<1x16xf32>,
        %get3A_936 = arith.index_cast %add3A_875 : i32 to index
        %get3A_937 = arith.constant 96 : index
        %get3A_938 = tpu.vector_load %arg11[%get3A_936, %get3A_937] {strides = array<i32>} : memref<128x128xf32, #tpu.memory_space<vmem>>, vector<1x16xf32>,
        %get3A_939 = vector.shape_cast %get3A_938 : vector<1x16xf32> to vector<16xf32>
        %mul3A_940 = arith.mulf %get3A_939, %broadcast_in_dim3A_871 : vector<16xf32>
        %swap3A_941 = arith.index_cast %add3A_875 : i32 to index
        %swap3A_942 = arith.constant 96 : index
        %swap3A_943 = tpu.vector_load %arg11[%swap3A_941, %swap3A_942] {strides = array<i32>} : memref<128x128xf32, #tpu.memory_space<vmem>>, vector<1x16xf32>,
        %swap3A_944 = vector.shape_cast %swap3A_943 : vector<1x16xf32> to vector<16xf32>
        %swap3A_945 = vector.shape_cast %mul3A_940 : vector<16xf32> to vector<1x16xf32>
        tpu.vector_store %arg11[%swap3A_941, %swap3A_942], %swap3A_945 {strides = array<i32>} : memref<128x128xf32, #tpu.memory_space<vmem>>, vector<1x16xf32>,
        %get3A_946 = arith.index_cast %add3A_875 : i32 to index
        %get3A_947 = arith.constant 112 : index
        %get3A_948 = tpu.vector_load %arg11[%get3A_946, %get3A_947] {strides = array<i32>} : memref<128x128xf32, #tpu.memory_space<vmem>>, vector<1x16xf32>,
        %get3A_949 = vector.shape_cast %get3A_948 : vector<1x16xf32> to vector<16xf32>
        %mul3A_950 = arith.mulf %get3A_949, %broadcast_in_dim3A_871 : vector<16xf32>
        %swap3A_951 = arith.index_cast %add3A_875 : i32 to index
        %swap3A_952 = arith.constant 112 : index
        %swap3A_953 = tpu.vector_load %arg11[%swap3A_951, %swap3A_952] {strides = array<i32>} : memref<128x128xf32, #tpu.memory_space<vmem>>, vector<1x16xf32>,
        %swap3A_954 = vector.shape_cast %swap3A_953 : vector<1x16xf32> to vector<16xf32>
        %swap3A_955 = vector.shape_cast %mul3A_950 : vector<16xf32> to vector<1x16xf32>
        tpu.vector_store %arg11[%swap3A_951, %swap3A_952], %swap3A_955 {strides = array<i32>} : memref<128x128xf32, #tpu.memory_space<vmem>>, vector<1x16xf32>,
        %slice3A_956 = vector.extract_strided_slice %get3A_88 {offsets = [10], sizes = [1], strides = [1]} : vector<16xf32> to vector<1xf32>
        %squeeze3A_957 = vector.extract %slice3A_956[0] : f32 from vector<1xf32>
        %broadcast_in_dim3A_958 = vector.broadcast %squeeze3A_957 : f32 to vector<16xf32>
        %mul3A_959 = arith.constant 16 : i32
        %mul3A_960 = arith.muli %mul3A_959, %scan3A_82 : i32
        %add3A_961 = arith.constant 10 : i32
        %add3A_962 = arith.addi %mul3A_960, %add3A_961 : i32
        %get3A_963 = arith.index_cast %add3A_962 : i32 to index
        %get3A_964 = arith.constant 0 : index
        %get3A_965 = tpu.vector_load %arg11[%get3A_963, %get3A_964] {strides = array<i32>} : memref<128x128xf32, #tpu.memory_space<vmem>>, vector<1x16xf32>,
        %get3A_966 = vector.shape_cast %get3A_965 : vector<1x16xf32> to vector<16xf32>
        %mul3A_967 = arith.mulf %get3A_966, %broadcast_in_dim3A_958 : vector<16xf32>
        %swap3A_968 = arith.index_cast %add3A_962 : i32 to index
        %swap3A_969 = arith.constant 0 : index
        %swap3A_970 = tpu.vector_load %arg11[%swap3A_968, %swap3A_969] {strides = array<i32>} : memref<128x128xf32, #tpu.memory_space<vmem>>, vector<1x16xf32>,
        %swap3A_971 = vector.shape_cast %swap3A_970 : vector<1x16xf32> to vector<16xf32>
        %swap3A_972 = vector.shape_cast %mul3A_967 : vector<16xf32> to vector<1x16xf32>
        tpu.vector_store %arg11[%swap3A_968, %swap3A_969], %swap3A_972 {strides = array<i32>} : memref<128x128xf32, #tpu.memory_space<vmem>>, vector<1x16xf32>,
        %get3A_973 = arith.index_cast %add3A_962 : i32 to index
        %get3A_974 = arith.constant 16 : index
        %get3A_975 = tpu.vector_load %arg11[%get3A_973, %get3A_974] {strides = array<i32>} : memref<128x128xf32, #tpu.memory_space<vmem>>, vector<1x16xf32>,
        %get3A_976 = vector.shape_cast %get3A_975 : vector<1x16xf32> to vector<16xf32>
        %mul3A_977 = arith.mulf %get3A_976, %broadcast_in_dim3A_958 : vector<16xf32>
        %swap3A_978 = arith.index_cast %add3A_962 : i32 to index
        %swap3A_979 = arith.constant 16 : index
        %swap3A_980 = tpu.vector_load %arg11[%swap3A_978, %swap3A_979] {strides = array<i32>} : memref<128x128xf32, #tpu.memory_space<vmem>>, vector<1x16xf32>,
        %swap3A_981 = vector.shape_cast %swap3A_980 : vector<1x16xf32> to vector<16xf32>
        %swap3A_982 = vector.shape_cast %mul3A_977 : vector<16xf32> to vector<1x16xf32>
        tpu.vector_store %arg11[%swap3A_978, %swap3A_979], %swap3A_982 {strides = array<i32>} : memref<128x128xf32, #tpu.memory_space<vmem>>, vector<1x16xf32>,
        %get3A_983 = arith.index_cast %add3A_962 : i32 to index
        %get3A_984 = arith.constant 32 : index
        %get3A_985 = tpu.vector_load %arg11[%get3A_983, %get3A_984] {strides = array<i32>} : memref<128x128xf32, #tpu.memory_space<vmem>>, vector<1x16xf32>,
        %get3A_986 = vector.shape_cast %get3A_985 : vector<1x16xf32> to vector<16xf32>
        %mul3A_987 = arith.mulf %get3A_986, %broadcast_in_dim3A_958 : vector<16xf32>
        %swap3A_988 = arith.index_cast %add3A_962 : i32 to index
        %swap3A_989 = arith.constant 32 : index
        %swap3A_990 = tpu.vector_load %arg11[%swap3A_988, %swap3A_989] {strides = array<i32>} : memref<128x128xf32, #tpu.memory_space<vmem>>, vector<1x16xf32>,
        %swap3A_991 = vector.shape_cast %swap3A_990 : vector<1x16xf32> to vector<16xf32>
        %swap3A_992 = vector.shape_cast %mul3A_987 : vector<16xf32> to vector<1x16xf32>
        tpu.vector_store %arg11[%swap3A_988, %swap3A_989], %swap3A_992 {strides = array<i32>} : memref<128x128xf32, #tpu.memory_space<vmem>>, vector<1x16xf32>,
        %get3A_993 = arith.index_cast %add3A_962 : i32 to index
        %get3A_994 = arith.constant 48 : index
        %get3A_995 = tpu.vector_load %arg11[%get3A_993, %get3A_994] {strides = array<i32>} : memref<128x128xf32, #tpu.memory_space<vmem>>, vector<1x16xf32>,
        %get3A_996 = vector.shape_cast %get3A_995 : vector<1x16xf32> to vector<16xf32>
        %mul3A_997 = arith.mulf %get3A_996, %broadcast_in_dim3A_958 : vector<16xf32>
        %swap3A_998 = arith.index_cast %add3A_962 : i32 to index
        %swap3A_999 = arith.constant 48 : index
        %swap3A_1000 = tpu.vector_load %arg11[%swap3A_998, %swap3A_999] {strides = array<i32>} : memref<128x128xf32, #tpu.memory_space<vmem>>, vector<1x16xf32>,
        %swap3A_1001 = vector.shape_cast %swap3A_1000 : vector<1x16xf32> to vector<16xf32>
        %swap3A_1002 = vector.shape_cast %mul3A_997 : vector<16xf32> to vector<1x16xf32>
        tpu.vector_store %arg11[%swap3A_998, %swap3A_999], %swap3A_1002 {strides = array<i32>} : memref<128x128xf32, #tpu.memory_space<vmem>>, vector<1x16xf32>,
        %get3A_1003 = arith.index_cast %add3A_962 : i32 to index
        %get3A_1004 = arith.constant 64 : index
        %get3A_1005 = tpu.vector_load %arg11[%get3A_1003, %get3A_1004] {strides = array<i32>} : memref<128x128xf32, #tpu.memory_space<vmem>>, vector<1x16xf32>,
        %get3A_1006 = vector.shape_cast %get3A_1005 : vector<1x16xf32> to vector<16xf32>
        %mul3A_1007 = arith.mulf %get3A_1006, %broadcast_in_dim3A_958 : vector<16xf32>
        %swap3A_1008 = arith.index_cast %add3A_962 : i32 to index
        %swap3A_1009 = arith.constant 64 : index
        %swap3A_1010 = tpu.vector_load %arg11[%swap3A_1008, %swap3A_1009] {strides = array<i32>} : memref<128x128xf32, #tpu.memory_space<vmem>>, vector<1x16xf32>,
        %swap3A_1011 = vector.shape_cast %swap3A_1010 : vector<1x16xf32> to vector<16xf32>
        %swap3A_1012 = vector.shape_cast %mul3A_1007 : vector<16xf32> to vector<1x16xf32>
        tpu.vector_store %arg11[%swap3A_1008, %swap3A_1009], %swap3A_1012 {strides = array<i32>} : memref<128x128xf32, #tpu.memory_space<vmem>>, vector<1x16xf32>,
        %get3A_1013 = arith.index_cast %add3A_962 : i32 to index
        %get3A_1014 = arith.constant 80 : index
        %get3A_1015 = tpu.vector_load %arg11[%get3A_1013, %get3A_1014] {strides = array<i32>} : memref<128x128xf32, #tpu.memory_space<vmem>>, vector<1x16xf32>,
        %get3A_1016 = vector.shape_cast %get3A_1015 : vector<1x16xf32> to vector<16xf32>
        %mul3A_1017 = arith.mulf %get3A_1016, %broadcast_in_dim3A_958 : vector<16xf32>
        %swap3A_1018 = arith.index_cast %add3A_962 : i32 to index
        %swap3A_1019 = arith.constant 80 : index
        %swap3A_1020 = tpu.vector_load %arg11[%swap3A_1018, %swap3A_1019] {strides = array<i32>} : memref<128x128xf32, #tpu.memory_space<vmem>>, vector<1x16xf32>,
        %swap3A_1021 = vector.shape_cast %swap3A_1020 : vector<1x16xf32> to vector<16xf32>
        %swap3A_1022 = vector.shape_cast %mul3A_1017 : vector<16xf32> to vector<1x16xf32>
        tpu.vector_store %arg11[%swap3A_1018, %swap3A_1019], %swap3A_1022 {strides = array<i32>} : memref<128x128xf32, #tpu.memory_space<vmem>>, vector<1x16xf32>,
        %get3A_1023 = arith.index_cast %add3A_962 : i32 to index
        %get3A_1024 = arith.constant 96 : index
        %get3A_1025 = tpu.vector_load %arg11[%get3A_1023, %get3A_1024] {strides = array<i32>} : memref<128x128xf32, #tpu.memory_space<vmem>>, vector<1x16xf32>,
        %get3A_1026 = vector.shape_cast %get3A_1025 : vector<1x16xf32> to vector<16xf32>
        %mul3A_1027 = arith.mulf %get3A_1026, %broadcast_in_dim3A_958 : vector<16xf32>
        %swap3A_1028 = arith.index_cast %add3A_962 : i32 to index
        %swap3A_1029 = arith.constant 96 : index
        %swap3A_1030 = tpu.vector_load %arg11[%swap3A_1028, %swap3A_1029] {strides = array<i32>} : memref<128x128xf32, #tpu.memory_space<vmem>>, vector<1x16xf32>,
        %swap3A_1031 = vector.shape_cast %swap3A_1030 : vector<1x16xf32> to vector<16xf32>
        %swap3A_1032 = vector.shape_cast %mul3A_1027 : vector<16xf32> to vector<1x16xf32>
        tpu.vector_store %arg11[%swap3A_1028, %swap3A_1029], %swap3A_1032 {strides = array<i32>} : memref<128x128xf32, #tpu.memory_space<vmem>>, vector<1x16xf32>,
        %get3A_1033 = arith.index_cast %add3A_962 : i32 to index
        %get3A_1034 = arith.constant 112 : index
        %get3A_1035 = tpu.vector_load %arg11[%get3A_1033, %get3A_1034] {strides = array<i32>} : memref<128x128xf32, #tpu.memory_space<vmem>>, vector<1x16xf32>,
        %get3A_1036 = vector.shape_cast %get3A_1035 : vector<1x16xf32> to vector<16xf32>
        %mul3A_1037 = arith.mulf %get3A_1036, %broadcast_in_dim3A_958 : vector<16xf32>
        %swap3A_1038 = arith.index_cast %add3A_962 : i32 to index
        %swap3A_1039 = arith.constant 112 : index
        %swap3A_1040 = tpu.vector_load %arg11[%swap3A_1038, %swap3A_1039] {strides = array<i32>} : memref<128x128xf32, #tpu.memory_space<vmem>>, vector<1x16xf32>,
        %swap3A_1041 = vector.shape_cast %swap3A_1040 : vector<1x16xf32> to vector<16xf32>
        %swap3A_1042 = vector.shape_cast %mul3A_1037 : vector<16xf32> to vector<1x16xf32>
        tpu.vector_store %arg11[%swap3A_1038, %swap3A_1039], %swap3A_1042 {strides = array<i32>} : memref<128x128xf32, #tpu.memory_space<vmem>>, vector<1x16xf32>,
        %slice3A_1043 = vector.extract_strided_slice %get3A_88 {offsets = [11], sizes = [1], strides = [1]} : vector<16xf32> to vector<1xf32>
        %squeeze3A_1044 = vector.extract %slice3A_1043[0] : f32 from vector<1xf32>
        %broadcast_in_dim3A_1045 = vector.broadcast %squeeze3A_1044 : f32 to vector<16xf32>
        %mul3A_1046 = arith.constant 16 : i32
        %mul3A_1047 = arith.muli %mul3A_1046, %scan3A_82 : i32
        %add3A_1048 = arith.constant 11 : i32
        %add3A_1049 = arith.addi %mul3A_1047, %add3A_1048 : i32
        %get3A_1050 = arith.index_cast %add3A_1049 : i32 to index
        %get3A_1051 = arith.constant 0 : index
        %get3A_1052 = tpu.vector_load %arg11[%get3A_1050, %get3A_1051] {strides = array<i32>} : memref<128x128xf32, #tpu.memory_space<vmem>>, vector<1x16xf32>,
        %get3A_1053 = vector.shape_cast %get3A_1052 : vector<1x16xf32> to vector<16xf32>
        %mul3A_1054 = arith.mulf %get3A_1053, %broadcast_in_dim3A_1045 : vector<16xf32>
        %swap3A_1055 = arith.index_cast %add3A_1049 : i32 to index
        %swap3A_1056 = arith.constant 0 : index
        %swap3A_1057 = tpu.vector_load %arg11[%swap3A_1055, %swap3A_1056] {strides = array<i32>} : memref<128x128xf32, #tpu.memory_space<vmem>>, vector<1x16xf32>,
        %swap3A_1058 = vector.shape_cast %swap3A_1057 : vector<1x16xf32> to vector<16xf32>
        %swap3A_1059 = vector.shape_cast %mul3A_1054 : vector<16xf32> to vector<1x16xf32>
        tpu.vector_store %arg11[%swap3A_1055, %swap3A_1056], %swap3A_1059 {strides = array<i32>} : memref<128x128xf32, #tpu.memory_space<vmem>>, vector<1x16xf32>,
        %get3A_1060 = arith.index_cast %add3A_1049 : i32 to index
        %get3A_1061 = arith.constant 16 : index
        %get3A_1062 = tpu.vector_load %arg11[%get3A_1060, %get3A_1061] {strides = array<i32>} : memref<128x128xf32, #tpu.memory_space<vmem>>, vector<1x16xf32>,
        %get3A_1063 = vector.shape_cast %get3A_1062 : vector<1x16xf32> to vector<16xf32>
        %mul3A_1064 = arith.mulf %get3A_1063, %broadcast_in_dim3A_1045 : vector<16xf32>
        %swap3A_1065 = arith.index_cast %add3A_1049 : i32 to index
        %swap3A_1066 = arith.constant 16 : index
        %swap3A_1067 = tpu.vector_load %arg11[%swap3A_1065, %swap3A_1066] {strides = array<i32>} : memref<128x128xf32, #tpu.memory_space<vmem>>, vector<1x16xf32>,
        %swap3A_1068 = vector.shape_cast %swap3A_1067 : vector<1x16xf32> to vector<16xf32>
        %swap3A_1069 = vector.shape_cast %mul3A_1064 : vector<16xf32> to vector<1x16xf32>
        tpu.vector_store %arg11[%swap3A_1065, %swap3A_1066], %swap3A_1069 {strides = array<i32>} : memref<128x128xf32, #tpu.memory_space<vmem>>, vector<1x16xf32>,
        %get3A_1070 = arith.index_cast %add3A_1049 : i32 to index
        %get3A_1071 = arith.constant 32 : index
        %get3A_1072 = tpu.vector_load %arg11[%get3A_1070, %get3A_1071] {strides = array<i32>} : memref<128x128xf32, #tpu.memory_space<vmem>>, vector<1x16xf32>,
        %get3A_1073 = vector.shape_cast %get3A_1072 : vector<1x16xf32> to vector<16xf32>
        %mul3A_1074 = arith.mulf %get3A_1073, %broadcast_in_dim3A_1045 : vector<16xf32>
        %swap3A_1075 = arith.index_cast %add3A_1049 : i32 to index
        %swap3A_1076 = arith.constant 32 : index
        %swap3A_1077 = tpu.vector_load %arg11[%swap3A_1075, %swap3A_1076] {strides = array<i32>} : memref<128x128xf32, #tpu.memory_space<vmem>>, vector<1x16xf32>,
        %swap3A_1078 = vector.shape_cast %swap3A_1077 : vector<1x16xf32> to vector<16xf32>
        %swap3A_1079 = vector.shape_cast %mul3A_1074 : vector<16xf32> to vector<1x16xf32>
        tpu.vector_store %arg11[%swap3A_1075, %swap3A_1076], %swap3A_1079 {strides = array<i32>} : memref<128x128xf32, #tpu.memory_space<vmem>>, vector<1x16xf32>,
        %get3A_1080 = arith.index_cast %add3A_1049 : i32 to index
        %get3A_1081 = arith.constant 48 : index
        %get3A_1082 = tpu.vector_load %arg11[%get3A_1080, %get3A_1081] {strides = array<i32>} : memref<128x128xf32, #tpu.memory_space<vmem>>, vector<1x16xf32>,
        %get3A_1083 = vector.shape_cast %get3A_1082 : vector<1x16xf32> to vector<16xf32>
        %mul3A_1084 = arith.mulf %get3A_1083, %broadcast_in_dim3A_1045 : vector<16xf32>
        %swap3A_1085 = arith.index_cast %add3A_1049 : i32 to index
        %swap3A_1086 = arith.constant 48 : index
        %swap3A_1087 = tpu.vector_load %arg11[%swap3A_1085, %swap3A_1086] {strides = array<i32>} : memref<128x128xf32, #tpu.memory_space<vmem>>, vector<1x16xf32>,
        %swap3A_1088 = vector.shape_cast %swap3A_1087 : vector<1x16xf32> to vector<16xf32>
        %swap3A_1089 = vector.shape_cast %mul3A_1084 : vector<16xf32> to vector<1x16xf32>
        tpu.vector_store %arg11[%swap3A_1085, %swap3A_1086], %swap3A_1089 {strides = array<i32>} : memref<128x128xf32, #tpu.memory_space<vmem>>, vector<1x16xf32>,
        %get3A_1090 = arith.index_cast %add3A_1049 : i32 to index
        %get3A_1091 = arith.constant 64 : index
        %get3A_1092 = tpu.vector_load %arg11[%get3A_1090, %get3A_1091] {strides = array<i32>} : memref<128x128xf32, #tpu.memory_space<vmem>>, vector<1x16xf32>,
        %get3A_1093 = vector.shape_cast %get3A_1092 : vector<1x16xf32> to vector<16xf32>
        %mul3A_1094 = arith.mulf %get3A_1093, %broadcast_in_dim3A_1045 : vector<16xf32>
        %swap3A_1095 = arith.index_cast %add3A_1049 : i32 to index
        %swap3A_1096 = arith.constant 64 : index
        %swap3A_1097 = tpu.vector_load %arg11[%swap3A_1095, %swap3A_1096] {strides = array<i32>} : memref<128x128xf32, #tpu.memory_space<vmem>>, vector<1x16xf32>,
        %swap3A_1098 = vector.shape_cast %swap3A_1097 : vector<1x16xf32> to vector<16xf32>
        %swap3A_1099 = vector.shape_cast %mul3A_1094 : vector<16xf32> to vector<1x16xf32>
        tpu.vector_store %arg11[%swap3A_1095, %swap3A_1096], %swap3A_1099 {strides = array<i32>} : memref<128x128xf32, #tpu.memory_space<vmem>>, vector<1x16xf32>,
        %get3A_1100 = arith.index_cast %add3A_1049 : i32 to index
        %get3A_1101 = arith.constant 80 : index
        %get3A_1102 = tpu.vector_load %arg11[%get3A_1100, %get3A_1101] {strides = array<i32>} : memref<128x128xf32, #tpu.memory_space<vmem>>, vector<1x16xf32>,
        %get3A_1103 = vector.shape_cast %get3A_1102 : vector<1x16xf32> to vector<16xf32>
        %mul3A_1104 = arith.mulf %get3A_1103, %broadcast_in_dim3A_1045 : vector<16xf32>
        %swap3A_1105 = arith.index_cast %add3A_1049 : i32 to index
        %swap3A_1106 = arith.constant 80 : index
        %swap3A_1107 = tpu.vector_load %arg11[%swap3A_1105, %swap3A_1106] {strides = array<i32>} : memref<128x128xf32, #tpu.memory_space<vmem>>, vector<1x16xf32>,
        %swap3A_1108 = vector.shape_cast %swap3A_1107 : vector<1x16xf32> to vector<16xf32>
        %swap3A_1109 = vector.shape_cast %mul3A_1104 : vector<16xf32> to vector<1x16xf32>
        tpu.vector_store %arg11[%swap3A_1105, %swap3A_1106], %swap3A_1109 {strides = array<i32>} : memref<128x128xf32, #tpu.memory_space<vmem>>, vector<1x16xf32>,
        %get3A_1110 = arith.index_cast %add3A_1049 : i32 to index
        %get3A_1111 = arith.constant 96 : index
        %get3A_1112 = tpu.vector_load %arg11[%get3A_1110, %get3A_1111] {strides = array<i32>} : memref<128x128xf32, #tpu.memory_space<vmem>>, vector<1x16xf32>,
        %get3A_1113 = vector.shape_cast %get3A_1112 : vector<1x16xf32> to vector<16xf32>
        %mul3A_1114 = arith.mulf %get3A_1113, %broadcast_in_dim3A_1045 : vector<16xf32>
        %swap3A_1115 = arith.index_cast %add3A_1049 : i32 to index
        %swap3A_1116 = arith.constant 96 : index
        %swap3A_1117 = tpu.vector_load %arg11[%swap3A_1115, %swap3A_1116] {strides = array<i32>} : memref<128x128xf32, #tpu.memory_space<vmem>>, vector<1x16xf32>,
        %swap3A_1118 = vector.shape_cast %swap3A_1117 : vector<1x16xf32> to vector<16xf32>
        %swap3A_1119 = vector.shape_cast %mul3A_1114 : vector<16xf32> to vector<1x16xf32>
        tpu.vector_store %arg11[%swap3A_1115, %swap3A_1116], %swap3A_1119 {strides = array<i32>} : memref<128x128xf32, #tpu.memory_space<vmem>>, vector<1x16xf32>,
        %get3A_1120 = arith.index_cast %add3A_1049 : i32 to index
        %get3A_1121 = arith.constant 112 : index
        %get3A_1122 = tpu.vector_load %arg11[%get3A_1120, %get3A_1121] {strides = array<i32>} : memref<128x128xf32, #tpu.memory_space<vmem>>, vector<1x16xf32>,
        %get3A_1123 = vector.shape_cast %get3A_1122 : vector<1x16xf32> to vector<16xf32>
        %mul3A_1124 = arith.mulf %get3A_1123, %broadcast_in_dim3A_1045 : vector<16xf32>
        %swap3A_1125 = arith.index_cast %add3A_1049 : i32 to index
        %swap3A_1126 = arith.constant 112 : index
        %swap3A_1127 = tpu.vector_load %arg11[%swap3A_1125, %swap3A_1126] {strides = array<i32>} : memref<128x128xf32, #tpu.memory_space<vmem>>, vector<1x16xf32>,
        %swap3A_1128 = vector.shape_cast %swap3A_1127 : vector<1x16xf32> to vector<16xf32>
        %swap3A_1129 = vector.shape_cast %mul3A_1124 : vector<16xf32> to vector<1x16xf32>
        tpu.vector_store %arg11[%swap3A_1125, %swap3A_1126], %swap3A_1129 {strides = array<i32>} : memref<128x128xf32, #tpu.memory_space<vmem>>, vector<1x16xf32>,
        %slice3A_1130 = vector.extract_strided_slice %get3A_88 {offsets = [12], sizes = [1], strides = [1]} : vector<16xf32> to vector<1xf32>
        %squeeze3A_1131 = vector.extract %slice3A_1130[0] : f32 from vector<1xf32>
        %broadcast_in_dim3A_1132 = vector.broadcast %squeeze3A_1131 : f32 to vector<16xf32>
        %mul3A_1133 = arith.constant 16 : i32
        %mul3A_1134 = arith.muli %mul3A_1133, %scan3A_82 : i32
        %add3A_1135 = arith.constant 12 : i32
        %add3A_1136 = arith.addi %mul3A_1134, %add3A_1135 : i32
        %get3A_1137 = arith.index_cast %add3A_1136 : i32 to index
        %get3A_1138 = arith.constant 0 : index
        %get3A_1139 = tpu.vector_load %arg11[%get3A_1137, %get3A_1138] {strides = array<i32>} : memref<128x128xf32, #tpu.memory_space<vmem>>, vector<1x16xf32>,
        %get3A_1140 = vector.shape_cast %get3A_1139 : vector<1x16xf32> to vector<16xf32>
        %mul3A_1141 = arith.mulf %get3A_1140, %broadcast_in_dim3A_1132 : vector<16xf32>
        %swap3A_1142 = arith.index_cast %add3A_1136 : i32 to index
        %swap3A_1143 = arith.constant 0 : index
        %swap3A_1144 = tpu.vector_load %arg11[%swap3A_1142, %swap3A_1143] {strides = array<i32>} : memref<128x128xf32, #tpu.memory_space<vmem>>, vector<1x16xf32>,
        %swap3A_1145 = vector.shape_cast %swap3A_1144 : vector<1x16xf32> to vector<16xf32>
        %swap3A_1146 = vector.shape_cast %mul3A_1141 : vector<16xf32> to vector<1x16xf32>
        tpu.vector_store %arg11[%swap3A_1142, %swap3A_1143], %swap3A_1146 {strides = array<i32>} : memref<128x128xf32, #tpu.memory_space<vmem>>, vector<1x16xf32>,
        %get3A_1147 = arith.index_cast %add3A_1136 : i32 to index
        %get3A_1148 = arith.constant 16 : index
        %get3A_1149 = tpu.vector_load %arg11[%get3A_1147, %get3A_1148] {strides = array<i32>} : memref<128x128xf32, #tpu.memory_space<vmem>>, vector<1x16xf32>,
        %get3A_1150 = vector.shape_cast %get3A_1149 : vector<1x16xf32> to vector<16xf32>
        %mul3A_1151 = arith.mulf %get3A_1150, %broadcast_in_dim3A_1132 : vector<16xf32>
        %swap3A_1152 = arith.index_cast %add3A_1136 : i32 to index
        %swap3A_1153 = arith.constant 16 : index
        %swap3A_1154 = tpu.vector_load %arg11[%swap3A_1152, %swap3A_1153] {strides = array<i32>} : memref<128x128xf32, #tpu.memory_space<vmem>>, vector<1x16xf32>,
        %swap3A_1155 = vector.shape_cast %swap3A_1154 : vector<1x16xf32> to vector<16xf32>
        %swap3A_1156 = vector.shape_cast %mul3A_1151 : vector<16xf32> to vector<1x16xf32>
        tpu.vector_store %arg11[%swap3A_1152, %swap3A_1153], %swap3A_1156 {strides = array<i32>} : memref<128x128xf32, #tpu.memory_space<vmem>>, vector<1x16xf32>,
        %get3A_1157 = arith.index_cast %add3A_1136 : i32 to index
        %get3A_1158 = arith.constant 32 : index
        %get3A_1159 = tpu.vector_load %arg11[%get3A_1157, %get3A_1158] {strides = array<i32>} : memref<128x128xf32, #tpu.memory_space<vmem>>, vector<1x16xf32>,
        %get3A_1160 = vector.shape_cast %get3A_1159 : vector<1x16xf32> to vector<16xf32>
        %mul3A_1161 = arith.mulf %get3A_1160, %broadcast_in_dim3A_1132 : vector<16xf32>
        %swap3A_1162 = arith.index_cast %add3A_1136 : i32 to index
        %swap3A_1163 = arith.constant 32 : index
        %swap3A_1164 = tpu.vector_load %arg11[%swap3A_1162, %swap3A_1163] {strides = array<i32>} : memref<128x128xf32, #tpu.memory_space<vmem>>, vector<1x16xf32>,
        %swap3A_1165 = vector.shape_cast %swap3A_1164 : vector<1x16xf32> to vector<16xf32>
        %swap3A_1166 = vector.shape_cast %mul3A_1161 : vector<16xf32> to vector<1x16xf32>
        tpu.vector_store %arg11[%swap3A_1162, %swap3A_1163], %swap3A_1166 {strides = array<i32>} : memref<128x128xf32, #tpu.memory_space<vmem>>, vector<1x16xf32>,
        %get3A_1167 = arith.index_cast %add3A_1136 : i32 to index
        %get3A_1168 = arith.constant 48 : index
        %get3A_1169 = tpu.vector_load %arg11[%get3A_1167, %get3A_1168] {strides = array<i32>} : memref<128x128xf32, #tpu.memory_space<vmem>>, vector<1x16xf32>,
        %get3A_1170 = vector.shape_cast %get3A_1169 : vector<1x16xf32> to vector<16xf32>
        %mul3A_1171 = arith.mulf %get3A_1170, %broadcast_in_dim3A_1132 : vector<16xf32>
        %swap3A_1172 = arith.index_cast %add3A_1136 : i32 to index
        %swap3A_1173 = arith.constant 48 : index
        %swap3A_1174 = tpu.vector_load %arg11[%swap3A_1172, %swap3A_1173] {strides = array<i32>} : memref<128x128xf32, #tpu.memory_space<vmem>>, vector<1x16xf32>,
        %swap3A_1175 = vector.shape_cast %swap3A_1174 : vector<1x16xf32> to vector<16xf32>
        %swap3A_1176 = vector.shape_cast %mul3A_1171 : vector<16xf32> to vector<1x16xf32>
        tpu.vector_store %arg11[%swap3A_1172, %swap3A_1173], %swap3A_1176 {strides = array<i32>} : memref<128x128xf32, #tpu.memory_space<vmem>>, vector<1x16xf32>,
        %get3A_1177 = arith.index_cast %add3A_1136 : i32 to index
        %get3A_1178 = arith.constant 64 : index
        %get3A_1179 = tpu.vector_load %arg11[%get3A_1177, %get3A_1178] {strides = array<i32>} : memref<128x128xf32, #tpu.memory_space<vmem>>, vector<1x16xf32>,
        %get3A_1180 = vector.shape_cast %get3A_1179 : vector<1x16xf32> to vector<16xf32>
        %mul3A_1181 = arith.mulf %get3A_1180, %broadcast_in_dim3A_1132 : vector<16xf32>
        %swap3A_1182 = arith.index_cast %add3A_1136 : i32 to index
        %swap3A_1183 = arith.constant 64 : index
        %swap3A_1184 = tpu.vector_load %arg11[%swap3A_1182, %swap3A_1183] {strides = array<i32>} : memref<128x128xf32, #tpu.memory_space<vmem>>, vector<1x16xf32>,
        %swap3A_1185 = vector.shape_cast %swap3A_1184 : vector<1x16xf32> to vector<16xf32>
        %swap3A_1186 = vector.shape_cast %mul3A_1181 : vector<16xf32> to vector<1x16xf32>
        tpu.vector_store %arg11[%swap3A_1182, %swap3A_1183], %swap3A_1186 {strides = array<i32>} : memref<128x128xf32, #tpu.memory_space<vmem>>, vector<1x16xf32>,
        %get3A_1187 = arith.index_cast %add3A_1136 : i32 to index
        %get3A_1188 = arith.constant 80 : index
        %get3A_1189 = tpu.vector_load %arg11[%get3A_1187, %get3A_1188] {strides = array<i32>} : memref<128x128xf32, #tpu.memory_space<vmem>>, vector<1x16xf32>,
        %get3A_1190 = vector.shape_cast %get3A_1189 : vector<1x16xf32> to vector<16xf32>
        %mul3A_1191 = arith.mulf %get3A_1190, %broadcast_in_dim3A_1132 : vector<16xf32>
        %swap3A_1192 = arith.index_cast %add3A_1136 : i32 to index
        %swap3A_1193 = arith.constant 80 : index
        %swap3A_1194 = tpu.vector_load %arg11[%swap3A_1192, %swap3A_1193] {strides = array<i32>} : memref<128x128xf32, #tpu.memory_space<vmem>>, vector<1x16xf32>,
        %swap3A_1195 = vector.shape_cast %swap3A_1194 : vector<1x16xf32> to vector<16xf32>
        %swap3A_1196 = vector.shape_cast %mul3A_1191 : vector<16xf32> to vector<1x16xf32>
        tpu.vector_store %arg11[%swap3A_1192, %swap3A_1193], %swap3A_1196 {strides = array<i32>} : memref<128x128xf32, #tpu.memory_space<vmem>>, vector<1x16xf32>,
        %get3A_1197 = arith.index_cast %add3A_1136 : i32 to index
        %get3A_1198 = arith.constant 96 : index
        %get3A_1199 = tpu.vector_load %arg11[%get3A_1197, %get3A_1198] {strides = array<i32>} : memref<128x128xf32, #tpu.memory_space<vmem>>, vector<1x16xf32>,
        %get3A_1200 = vector.shape_cast %get3A_1199 : vector<1x16xf32> to vector<16xf32>
        %mul3A_1201 = arith.mulf %get3A_1200, %broadcast_in_dim3A_1132 : vector<16xf32>
        %swap3A_1202 = arith.index_cast %add3A_1136 : i32 to index
        %swap3A_1203 = arith.constant 96 : index
        %swap3A_1204 = tpu.vector_load %arg11[%swap3A_1202, %swap3A_1203] {strides = array<i32>} : memref<128x128xf32, #tpu.memory_space<vmem>>, vector<1x16xf32>,
        %swap3A_1205 = vector.shape_cast %swap3A_1204 : vector<1x16xf32> to vector<16xf32>
        %swap3A_1206 = vector.shape_cast %mul3A_1201 : vector<16xf32> to vector<1x16xf32>
        tpu.vector_store %arg11[%swap3A_1202, %swap3A_1203], %swap3A_1206 {strides = array<i32>} : memref<128x128xf32, #tpu.memory_space<vmem>>, vector<1x16xf32>,
        %get3A_1207 = arith.index_cast %add3A_1136 : i32 to index
        %get3A_1208 = arith.constant 112 : index
        %get3A_1209 = tpu.vector_load %arg11[%get3A_1207, %get3A_1208] {strides = array<i32>} : memref<128x128xf32, #tpu.memory_space<vmem>>, vector<1x16xf32>,
        %get3A_1210 = vector.shape_cast %get3A_1209 : vector<1x16xf32> to vector<16xf32>
        %mul3A_1211 = arith.mulf %get3A_1210, %broadcast_in_dim3A_1132 : vector<16xf32>
        %swap3A_1212 = arith.index_cast %add3A_1136 : i32 to index
        %swap3A_1213 = arith.constant 112 : index
        %swap3A_1214 = tpu.vector_load %arg11[%swap3A_1212, %swap3A_1213] {strides = array<i32>} : memref<128x128xf32, #tpu.memory_space<vmem>>, vector<1x16xf32>,
        %swap3A_1215 = vector.shape_cast %swap3A_1214 : vector<1x16xf32> to vector<16xf32>
        %swap3A_1216 = vector.shape_cast %mul3A_1211 : vector<16xf32> to vector<1x16xf32>
        tpu.vector_store %arg11[%swap3A_1212, %swap3A_1213], %swap3A_1216 {strides = array<i32>} : memref<128x128xf32, #tpu.memory_space<vmem>>, vector<1x16xf32>,
        %slice3A_1217 = vector.extract_strided_slice %get3A_88 {offsets = [13], sizes = [1], strides = [1]} : vector<16xf32> to vector<1xf32>
        %squeeze3A_1218 = vector.extract %slice3A_1217[0] : f32 from vector<1xf32>
        %broadcast_in_dim3A_1219 = vector.broadcast %squeeze3A_1218 : f32 to vector<16xf32>
        %mul3A_1220 = arith.constant 16 : i32
        %mul3A_1221 = arith.muli %mul3A_1220, %scan3A_82 : i32
        %add3A_1222 = arith.constant 13 : i32
        %add3A_1223 = arith.addi %mul3A_1221, %add3A_1222 : i32
        %get3A_1224 = arith.index_cast %add3A_1223 : i32 to index
        %get3A_1225 = arith.constant 0 : index
        %get3A_1226 = tpu.vector_load %arg11[%get3A_1224, %get3A_1225] {strides = array<i32>} : memref<128x128xf32, #tpu.memory_space<vmem>>, vector<1x16xf32>,
        %get3A_1227 = vector.shape_cast %get3A_1226 : vector<1x16xf32> to vector<16xf32>
        %mul3A_1228 = arith.mulf %get3A_1227, %broadcast_in_dim3A_1219 : vector<16xf32>
        %swap3A_1229 = arith.index_cast %add3A_1223 : i32 to index
        %swap3A_1230 = arith.constant 0 : index
        %swap3A_1231 = tpu.vector_load %arg11[%swap3A_1229, %swap3A_1230] {strides = array<i32>} : memref<128x128xf32, #tpu.memory_space<vmem>>, vector<1x16xf32>,
        %swap3A_1232 = vector.shape_cast %swap3A_1231 : vector<1x16xf32> to vector<16xf32>
        %swap3A_1233 = vector.shape_cast %mul3A_1228 : vector<16xf32> to vector<1x16xf32>
        tpu.vector_store %arg11[%swap3A_1229, %swap3A_1230], %swap3A_1233 {strides = array<i32>} : memref<128x128xf32, #tpu.memory_space<vmem>>, vector<1x16xf32>,
        %get3A_1234 = arith.index_cast %add3A_1223 : i32 to index
        %get3A_1235 = arith.constant 16 : index
        %get3A_1236 = tpu.vector_load %arg11[%get3A_1234, %get3A_1235] {strides = array<i32>} : memref<128x128xf32, #tpu.memory_space<vmem>>, vector<1x16xf32>,
        %get3A_1237 = vector.shape_cast %get3A_1236 : vector<1x16xf32> to vector<16xf32>
        %mul3A_1238 = arith.mulf %get3A_1237, %broadcast_in_dim3A_1219 : vector<16xf32>
        %swap3A_1239 = arith.index_cast %add3A_1223 : i32 to index
        %swap3A_1240 = arith.constant 16 : index
        %swap3A_1241 = tpu.vector_load %arg11[%swap3A_1239, %swap3A_1240] {strides = array<i32>} : memref<128x128xf32, #tpu.memory_space<vmem>>, vector<1x16xf32>,
        %swap3A_1242 = vector.shape_cast %swap3A_1241 : vector<1x16xf32> to vector<16xf32>
        %swap3A_1243 = vector.shape_cast %mul3A_1238 : vector<16xf32> to vector<1x16xf32>
        tpu.vector_store %arg11[%swap3A_1239, %swap3A_1240], %swap3A_1243 {strides = array<i32>} : memref<128x128xf32, #tpu.memory_space<vmem>>, vector<1x16xf32>,
        %get3A_1244 = arith.index_cast %add3A_1223 : i32 to index
        %get3A_1245 = arith.constant 32 : index
        %get3A_1246 = tpu.vector_load %arg11[%get3A_1244, %get3A_1245] {strides = array<i32>} : memref<128x128xf32, #tpu.memory_space<vmem>>, vector<1x16xf32>,
        %get3A_1247 = vector.shape_cast %get3A_1246 : vector<1x16xf32> to vector<16xf32>
        %mul3A_1248 = arith.mulf %get3A_1247, %broadcast_in_dim3A_1219 : vector<16xf32>
        %swap3A_1249 = arith.index_cast %add3A_1223 : i32 to index
        %swap3A_1250 = arith.constant 32 : index
        %swap3A_1251 = tpu.vector_load %arg11[%swap3A_1249, %swap3A_1250] {strides = array<i32>} : memref<128x128xf32, #tpu.memory_space<vmem>>, vector<1x16xf32>,
        %swap3A_1252 = vector.shape_cast %swap3A_1251 : vector<1x16xf32> to vector<16xf32>
        %swap3A_1253 = vector.shape_cast %mul3A_1248 : vector<16xf32> to vector<1x16xf32>
        tpu.vector_store %arg11[%swap3A_1249, %swap3A_1250], %swap3A_1253 {strides = array<i32>} : memref<128x128xf32, #tpu.memory_space<vmem>>, vector<1x16xf32>,
        %get3A_1254 = arith.index_cast %add3A_1223 : i32 to index
        %get3A_1255 = arith.constant 48 : index
        %get3A_1256 = tpu.vector_load %arg11[%get3A_1254, %get3A_1255] {strides = array<i32>} : memref<128x128xf32, #tpu.memory_space<vmem>>, vector<1x16xf32>,
        %get3A_1257 = vector.shape_cast %get3A_1256 : vector<1x16xf32> to vector<16xf32>
        %mul3A_1258 = arith.mulf %get3A_1257, %broadcast_in_dim3A_1219 : vector<16xf32>
        %swap3A_1259 = arith.index_cast %add3A_1223 : i32 to index
        %swap3A_1260 = arith.constant 48 : index
        %swap3A_1261 = tpu.vector_load %arg11[%swap3A_1259, %swap3A_1260] {strides = array<i32>} : memref<128x128xf32, #tpu.memory_space<vmem>>, vector<1x16xf32>,
        %swap3A_1262 = vector.shape_cast %swap3A_1261 : vector<1x16xf32> to vector<16xf32>
        %swap3A_1263 = vector.shape_cast %mul3A_1258 : vector<16xf32> to vector<1x16xf32>
        tpu.vector_store %arg11[%swap3A_1259, %swap3A_1260], %swap3A_1263 {strides = array<i32>} : memref<128x128xf32, #tpu.memory_space<vmem>>, vector<1x16xf32>,
        %get3A_1264 = arith.index_cast %add3A_1223 : i32 to index
        %get3A_1265 = arith.constant 64 : index
        %get3A_1266 = tpu.vector_load %arg11[%get3A_1264, %get3A_1265] {strides = array<i32>} : memref<128x128xf32, #tpu.memory_space<vmem>>, vector<1x16xf32>,
        %get3A_1267 = vector.shape_cast %get3A_1266 : vector<1x16xf32> to vector<16xf32>
        %mul3A_1268 = arith.mulf %get3A_1267, %broadcast_in_dim3A_1219 : vector<16xf32>
        %swap3A_1269 = arith.index_cast %add3A_1223 : i32 to index
        %swap3A_1270 = arith.constant 64 : index
        %swap3A_1271 = tpu.vector_load %arg11[%swap3A_1269, %swap3A_1270] {strides = array<i32>} : memref<128x128xf32, #tpu.memory_space<vmem>>, vector<1x16xf32>,
        %swap3A_1272 = vector.shape_cast %swap3A_1271 : vector<1x16xf32> to vector<16xf32>
        %swap3A_1273 = vector.shape_cast %mul3A_1268 : vector<16xf32> to vector<1x16xf32>
        tpu.vector_store %arg11[%swap3A_1269, %swap3A_1270], %swap3A_1273 {strides = array<i32>} : memref<128x128xf32, #tpu.memory_space<vmem>>, vector<1x16xf32>,
        %get3A_1274 = arith.index_cast %add3A_1223 : i32 to index
        %get3A_1275 = arith.constant 80 : index
        %get3A_1276 = tpu.vector_load %arg11[%get3A_1274, %get3A_1275] {strides = array<i32>} : memref<128x128xf32, #tpu.memory_space<vmem>>, vector<1x16xf32>,
        %get3A_1277 = vector.shape_cast %get3A_1276 : vector<1x16xf32> to vector<16xf32>
        %mul3A_1278 = arith.mulf %get3A_1277, %broadcast_in_dim3A_1219 : vector<16xf32>
        %swap3A_1279 = arith.index_cast %add3A_1223 : i32 to index
        %swap3A_1280 = arith.constant 80 : index
        %swap3A_1281 = tpu.vector_load %arg11[%swap3A_1279, %swap3A_1280] {strides = array<i32>} : memref<128x128xf32, #tpu.memory_space<vmem>>, vector<1x16xf32>,
        %swap3A_1282 = vector.shape_cast %swap3A_1281 : vector<1x16xf32> to vector<16xf32>
        %swap3A_1283 = vector.shape_cast %mul3A_1278 : vector<16xf32> to vector<1x16xf32>
        tpu.vector_store %arg11[%swap3A_1279, %swap3A_1280], %swap3A_1283 {strides = array<i32>} : memref<128x128xf32, #tpu.memory_space<vmem>>, vector<1x16xf32>,
        %get3A_1284 = arith.index_cast %add3A_1223 : i32 to index
        %get3A_1285 = arith.constant 96 : index
        %get3A_1286 = tpu.vector_load %arg11[%get3A_1284, %get3A_1285] {strides = array<i32>} : memref<128x128xf32, #tpu.memory_space<vmem>>, vector<1x16xf32>,
        %get3A_1287 = vector.shape_cast %get3A_1286 : vector<1x16xf32> to vector<16xf32>
        %mul3A_1288 = arith.mulf %get3A_1287, %broadcast_in_dim3A_1219 : vector<16xf32>
        %swap3A_1289 = arith.index_cast %add3A_1223 : i32 to index
        %swap3A_1290 = arith.constant 96 : index
        %swap3A_1291 = tpu.vector_load %arg11[%swap3A_1289, %swap3A_1290] {strides = array<i32>} : memref<128x128xf32, #tpu.memory_space<vmem>>, vector<1x16xf32>,
        %swap3A_1292 = vector.shape_cast %swap3A_1291 : vector<1x16xf32> to vector<16xf32>
        %swap3A_1293 = vector.shape_cast %mul3A_1288 : vector<16xf32> to vector<1x16xf32>
        tpu.vector_store %arg11[%swap3A_1289, %swap3A_1290], %swap3A_1293 {strides = array<i32>} : memref<128x128xf32, #tpu.memory_space<vmem>>, vector<1x16xf32>,
        %get3A_1294 = arith.index_cast %add3A_1223 : i32 to index
        %get3A_1295 = arith.constant 112 : index
        %get3A_1296 = tpu.vector_load %arg11[%get3A_1294, %get3A_1295] {strides = array<i32>} : memref<128x128xf32, #tpu.memory_space<vmem>>, vector<1x16xf32>,
        %get3A_1297 = vector.shape_cast %get3A_1296 : vector<1x16xf32> to vector<16xf32>
        %mul3A_1298 = arith.mulf %get3A_1297, %broadcast_in_dim3A_1219 : vector<16xf32>
        %swap3A_1299 = arith.index_cast %add3A_1223 : i32 to index
        %swap3A_1300 = arith.constant 112 : index
        %swap3A_1301 = tpu.vector_load %arg11[%swap3A_1299, %swap3A_1300] {strides = array<i32>} : memref<128x128xf32, #tpu.memory_space<vmem>>, vector<1x16xf32>,
        %swap3A_1302 = vector.shape_cast %swap3A_1301 : vector<1x16xf32> to vector<16xf32>
        %swap3A_1303 = vector.shape_cast %mul3A_1298 : vector<16xf32> to vector<1x16xf32>
        tpu.vector_store %arg11[%swap3A_1299, %swap3A_1300], %swap3A_1303 {strides = array<i32>} : memref<128x128xf32, #tpu.memory_space<vmem>>, vector<1x16xf32>,
        %slice3A_1304 = vector.extract_strided_slice %get3A_88 {offsets = [14], sizes = [1], strides = [1]} : vector<16xf32> to vector<1xf32>
        %squeeze3A_1305 = vector.extract %slice3A_1304[0] : f32 from vector<1xf32>
        %broadcast_in_dim3A_1306 = vector.broadcast %squeeze3A_1305 : f32 to vector<16xf32>
        %mul3A_1307 = arith.constant 16 : i32
        %mul3A_1308 = arith.muli %mul3A_1307, %scan3A_82 : i32
        %add3A_1309 = arith.constant 14 : i32
        %add3A_1310 = arith.addi %mul3A_1308, %add3A_1309 : i32
        %get3A_1311 = arith.index_cast %add3A_1310 : i32 to index
        %get3A_1312 = arith.constant 0 : index
        %get3A_1313 = tpu.vector_load %arg11[%get3A_1311, %get3A_1312] {strides = array<i32>} : memref<128x128xf32, #tpu.memory_space<vmem>>, vector<1x16xf32>,
        %get3A_1314 = vector.shape_cast %get3A_1313 : vector<1x16xf32> to vector<16xf32>
        %mul3A_1315 = arith.mulf %get3A_1314, %broadcast_in_dim3A_1306 : vector<16xf32>
        %swap3A_1316 = arith.index_cast %add3A_1310 : i32 to index
        %swap3A_1317 = arith.constant 0 : index
        %swap3A_1318 = tpu.vector_load %arg11[%swap3A_1316, %swap3A_1317] {strides = array<i32>} : memref<128x128xf32, #tpu.memory_space<vmem>>, vector<1x16xf32>,
        %swap3A_1319 = vector.shape_cast %swap3A_1318 : vector<1x16xf32> to vector<16xf32>
        %swap3A_1320 = vector.shape_cast %mul3A_1315 : vector<16xf32> to vector<1x16xf32>
        tpu.vector_store %arg11[%swap3A_1316, %swap3A_1317], %swap3A_1320 {strides = array<i32>} : memref<128x128xf32, #tpu.memory_space<vmem>>, vector<1x16xf32>,
        %get3A_1321 = arith.index_cast %add3A_1310 : i32 to index
        %get3A_1322 = arith.constant 16 : index
        %get3A_1323 = tpu.vector_load %arg11[%get3A_1321, %get3A_1322] {strides = array<i32>} : memref<128x128xf32, #tpu.memory_space<vmem>>, vector<1x16xf32>,
        %get3A_1324 = vector.shape_cast %get3A_1323 : vector<1x16xf32> to vector<16xf32>
        %mul3A_1325 = arith.mulf %get3A_1324, %broadcast_in_dim3A_1306 : vector<16xf32>
        %swap3A_1326 = arith.index_cast %add3A_1310 : i32 to index
        %swap3A_1327 = arith.constant 16 : index
        %swap3A_1328 = tpu.vector_load %arg11[%swap3A_1326, %swap3A_1327] {strides = array<i32>} : memref<128x128xf32, #tpu.memory_space<vmem>>, vector<1x16xf32>,
        %swap3A_1329 = vector.shape_cast %swap3A_1328 : vector<1x16xf32> to vector<16xf32>
        %swap3A_1330 = vector.shape_cast %mul3A_1325 : vector<16xf32> to vector<1x16xf32>
        tpu.vector_store %arg11[%swap3A_1326, %swap3A_1327], %swap3A_1330 {strides = array<i32>} : memref<128x128xf32, #tpu.memory_space<vmem>>, vector<1x16xf32>,
        %get3A_1331 = arith.index_cast %add3A_1310 : i32 to index
        %get3A_1332 = arith.constant 32 : index
        %get3A_1333 = tpu.vector_load %arg11[%get3A_1331, %get3A_1332] {strides = array<i32>} : memref<128x128xf32, #tpu.memory_space<vmem>>, vector<1x16xf32>,
        %get3A_1334 = vector.shape_cast %get3A_1333 : vector<1x16xf32> to vector<16xf32>
        %mul3A_1335 = arith.mulf %get3A_1334, %broadcast_in_dim3A_1306 : vector<16xf32>
        %swap3A_1336 = arith.index_cast %add3A_1310 : i32 to index
        %swap3A_1337 = arith.constant 32 : index
        %swap3A_1338 = tpu.vector_load %arg11[%swap3A_1336, %swap3A_1337] {strides = array<i32>} : memref<128x128xf32, #tpu.memory_space<vmem>>, vector<1x16xf32>,
        %swap3A_1339 = vector.shape_cast %swap3A_1338 : vector<1x16xf32> to vector<16xf32>
        %swap3A_1340 = vector.shape_cast %mul3A_1335 : vector<16xf32> to vector<1x16xf32>
        tpu.vector_store %arg11[%swap3A_1336, %swap3A_1337], %swap3A_1340 {strides = array<i32>} : memref<128x128xf32, #tpu.memory_space<vmem>>, vector<1x16xf32>,
        %get3A_1341 = arith.index_cast %add3A_1310 : i32 to index
        %get3A_1342 = arith.constant 48 : index
        %get3A_1343 = tpu.vector_load %arg11[%get3A_1341, %get3A_1342] {strides = array<i32>} : memref<128x128xf32, #tpu.memory_space<vmem>>, vector<1x16xf32>,
        %get3A_1344 = vector.shape_cast %get3A_1343 : vector<1x16xf32> to vector<16xf32>
        %mul3A_1345 = arith.mulf %get3A_1344, %broadcast_in_dim3A_1306 : vector<16xf32>
        %swap3A_1346 = arith.index_cast %add3A_1310 : i32 to index
        %swap3A_1347 = arith.constant 48 : index
        %swap3A_1348 = tpu.vector_load %arg11[%swap3A_1346, %swap3A_1347] {strides = array<i32>} : memref<128x128xf32, #tpu.memory_space<vmem>>, vector<1x16xf32>,
        %swap3A_1349 = vector.shape_cast %swap3A_1348 : vector<1x16xf32> to vector<16xf32>
        %swap3A_1350 = vector.shape_cast %mul3A_1345 : vector<16xf32> to vector<1x16xf32>
        tpu.vector_store %arg11[%swap3A_1346, %swap3A_1347], %swap3A_1350 {strides = array<i32>} : memref<128x128xf32, #tpu.memory_space<vmem>>, vector<1x16xf32>,
        %get3A_1351 = arith.index_cast %add3A_1310 : i32 to index
        %get3A_1352 = arith.constant 64 : index
        %get3A_1353 = tpu.vector_load %arg11[%get3A_1351, %get3A_1352] {strides = array<i32>} : memref<128x128xf32, #tpu.memory_space<vmem>>, vector<1x16xf32>,
        %get3A_1354 = vector.shape_cast %get3A_1353 : vector<1x16xf32> to vector<16xf32>
        %mul3A_1355 = arith.mulf %get3A_1354, %broadcast_in_dim3A_1306 : vector<16xf32>
        %swap3A_1356 = arith.index_cast %add3A_1310 : i32 to index
        %swap3A_1357 = arith.constant 64 : index
        %swap3A_1358 = tpu.vector_load %arg11[%swap3A_1356, %swap3A_1357] {strides = array<i32>} : memref<128x128xf32, #tpu.memory_space<vmem>>, vector<1x16xf32>,
        %swap3A_1359 = vector.shape_cast %swap3A_1358 : vector<1x16xf32> to vector<16xf32>
        %swap3A_1360 = vector.shape_cast %mul3A_1355 : vector<16xf32> to vector<1x16xf32>
        tpu.vector_store %arg11[%swap3A_1356, %swap3A_1357], %swap3A_1360 {strides = array<i32>} : memref<128x128xf32, #tpu.memory_space<vmem>>, vector<1x16xf32>,
        %get3A_1361 = arith.index_cast %add3A_1310 : i32 to index
        %get3A_1362 = arith.constant 80 : index
        %get3A_1363 = tpu.vector_load %arg11[%get3A_1361, %get3A_1362] {strides = array<i32>} : memref<128x128xf32, #tpu.memory_space<vmem>>, vector<1x16xf32>,
        %get3A_1364 = vector.shape_cast %get3A_1363 : vector<1x16xf32> to vector<16xf32>
        %mul3A_1365 = arith.mulf %get3A_1364, %broadcast_in_dim3A_1306 : vector<16xf32>
        %swap3A_1366 = arith.index_cast %add3A_1310 : i32 to index
        %swap3A_1367 = arith.constant 80 : index
        %swap3A_1368 = tpu.vector_load %arg11[%swap3A_1366, %swap3A_1367] {strides = array<i32>} : memref<128x128xf32, #tpu.memory_space<vmem>>, vector<1x16xf32>,
        %swap3A_1369 = vector.shape_cast %swap3A_1368 : vector<1x16xf32> to vector<16xf32>
        %swap3A_1370 = vector.shape_cast %mul3A_1365 : vector<16xf32> to vector<1x16xf32>
        tpu.vector_store %arg11[%swap3A_1366, %swap3A_1367], %swap3A_1370 {strides = array<i32>} : memref<128x128xf32, #tpu.memory_space<vmem>>, vector<1x16xf32>,
        %get3A_1371 = arith.index_cast %add3A_1310 : i32 to index
        %get3A_1372 = arith.constant 96 : index
        %get3A_1373 = tpu.vector_load %arg11[%get3A_1371, %get3A_1372] {strides = array<i32>} : memref<128x128xf32, #tpu.memory_space<vmem>>, vector<1x16xf32>,
        %get3A_1374 = vector.shape_cast %get3A_1373 : vector<1x16xf32> to vector<16xf32>
        %mul3A_1375 = arith.mulf %get3A_1374, %broadcast_in_dim3A_1306 : vector<16xf32>
        %swap3A_1376 = arith.index_cast %add3A_1310 : i32 to index
        %swap3A_1377 = arith.constant 96 : index
        %swap3A_1378 = tpu.vector_load %arg11[%swap3A_1376, %swap3A_1377] {strides = array<i32>} : memref<128x128xf32, #tpu.memory_space<vmem>>, vector<1x16xf32>,
        %swap3A_1379 = vector.shape_cast %swap3A_1378 : vector<1x16xf32> to vector<16xf32>
        %swap3A_1380 = vector.shape_cast %mul3A_1375 : vector<16xf32> to vector<1x16xf32>
        tpu.vector_store %arg11[%swap3A_1376, %swap3A_1377], %swap3A_1380 {strides = array<i32>} : memref<128x128xf32, #tpu.memory_space<vmem>>, vector<1x16xf32>,
        %get3A_1381 = arith.index_cast %add3A_1310 : i32 to index
        %get3A_1382 = arith.constant 112 : index
        %get3A_1383 = tpu.vector_load %arg11[%get3A_1381, %get3A_1382] {strides = array<i32>} : memref<128x128xf32, #tpu.memory_space<vmem>>, vector<1x16xf32>,
        %get3A_1384 = vector.shape_cast %get3A_1383 : vector<1x16xf32> to vector<16xf32>
        %mul3A_1385 = arith.mulf %get3A_1384, %broadcast_in_dim3A_1306 : vector<16xf32>
        %swap3A_1386 = arith.index_cast %add3A_1310 : i32 to index
        %swap3A_1387 = arith.constant 112 : index
        %swap3A_1388 = tpu.vector_load %arg11[%swap3A_1386, %swap3A_1387] {strides = array<i32>} : memref<128x128xf32, #tpu.memory_space<vmem>>, vector<1x16xf32>,
        %swap3A_1389 = vector.shape_cast %swap3A_1388 : vector<1x16xf32> to vector<16xf32>
        %swap3A_1390 = vector.shape_cast %mul3A_1385 : vector<16xf32> to vector<1x16xf32>
        tpu.vector_store %arg11[%swap3A_1386, %swap3A_1387], %swap3A_1390 {strides = array<i32>} : memref<128x128xf32, #tpu.memory_space<vmem>>, vector<1x16xf32>,
        %slice3A_1391 = vector.extract_strided_slice %get3A_88 {offsets = [15], sizes = [1], strides = [1]} : vector<16xf32> to vector<1xf32>
        %squeeze3A_1392 = vector.extract %slice3A_1391[0] : f32 from vector<1xf32>
        %broadcast_in_dim3A_1393 = vector.broadcast %squeeze3A_1392 : f32 to vector<16xf32>
        %mul3A_1394 = arith.constant 16 : i32
        %mul3A_1395 = arith.muli %mul3A_1394, %scan3A_82 : i32
        %add3A_1396 = arith.constant 15 : i32
        %add3A_1397 = arith.addi %mul3A_1395, %add3A_1396 : i32
        %get3A_1398 = arith.index_cast %add3A_1397 : i32 to index
        %get3A_1399 = arith.constant 0 : index
        %get3A_1400 = tpu.vector_load %arg11[%get3A_1398, %get3A_1399] {strides = array<i32>} : memref<128x128xf32, #tpu.memory_space<vmem>>, vector<1x16xf32>,
        %get3A_1401 = vector.shape_cast %get3A_1400 : vector<1x16xf32> to vector<16xf32>
        %mul3A_1402 = arith.mulf %get3A_1401, %broadcast_in_dim3A_1393 : vector<16xf32>
        %swap3A_1403 = arith.index_cast %add3A_1397 : i32 to index
        %swap3A_1404 = arith.constant 0 : index
        %swap3A_1405 = tpu.vector_load %arg11[%swap3A_1403, %swap3A_1404] {strides = array<i32>} : memref<128x128xf32, #tpu.memory_space<vmem>>, vector<1x16xf32>,
        %swap3A_1406 = vector.shape_cast %swap3A_1405 : vector<1x16xf32> to vector<16xf32>
        %swap3A_1407 = vector.shape_cast %mul3A_1402 : vector<16xf32> to vector<1x16xf32>
        tpu.vector_store %arg11[%swap3A_1403, %swap3A_1404], %swap3A_1407 {strides = array<i32>} : memref<128x128xf32, #tpu.memory_space<vmem>>, vector<1x16xf32>,
        %get3A_1408 = arith.index_cast %add3A_1397 : i32 to index
        %get3A_1409 = arith.constant 16 : index
        %get3A_1410 = tpu.vector_load %arg11[%get3A_1408, %get3A_1409] {strides = array<i32>} : memref<128x128xf32, #tpu.memory_space<vmem>>, vector<1x16xf32>,
        %get3A_1411 = vector.shape_cast %get3A_1410 : vector<1x16xf32> to vector<16xf32>
        %mul3A_1412 = arith.mulf %get3A_1411, %broadcast_in_dim3A_1393 : vector<16xf32>
        %swap3A_1413 = arith.index_cast %add3A_1397 : i32 to index
        %swap3A_1414 = arith.constant 16 : index
        %swap3A_1415 = tpu.vector_load %arg11[%swap3A_1413, %swap3A_1414] {strides = array<i32>} : memref<128x128xf32, #tpu.memory_space<vmem>>, vector<1x16xf32>,
        %swap3A_1416 = vector.shape_cast %swap3A_1415 : vector<1x16xf32> to vector<16xf32>
        %swap3A_1417 = vector.shape_cast %mul3A_1412 : vector<16xf32> to vector<1x16xf32>
        tpu.vector_store %arg11[%swap3A_1413, %swap3A_1414], %swap3A_1417 {strides = array<i32>} : memref<128x128xf32, #tpu.memory_space<vmem>>, vector<1x16xf32>,
        %get3A_1418 = arith.index_cast %add3A_1397 : i32 to index
        %get3A_1419 = arith.constant 32 : index
        %get3A_1420 = tpu.vector_load %arg11[%get3A_1418, %get3A_1419] {strides = array<i32>} : memref<128x128xf32, #tpu.memory_space<vmem>>, vector<1x16xf32>,
        %get3A_1421 = vector.shape_cast %get3A_1420 : vector<1x16xf32> to vector<16xf32>
        %mul3A_1422 = arith.mulf %get3A_1421, %broadcast_in_dim3A_1393 : vector<16xf32>
        %swap3A_1423 = arith.index_cast %add3A_1397 : i32 to index
        %swap3A_1424 = arith.constant 32 : index
        %swap3A_1425 = tpu.vector_load %arg11[%swap3A_1423, %swap3A_1424] {strides = array<i32>} : memref<128x128xf32, #tpu.memory_space<vmem>>, vector<1x16xf32>,
        %swap3A_1426 = vector.shape_cast %swap3A_1425 : vector<1x16xf32> to vector<16xf32>
        %swap3A_1427 = vector.shape_cast %mul3A_1422 : vector<16xf32> to vector<1x16xf32>
        tpu.vector_store %arg11[%swap3A_1423, %swap3A_1424], %swap3A_1427 {strides = array<i32>} : memref<128x128xf32, #tpu.memory_space<vmem>>, vector<1x16xf32>,
        %get3A_1428 = arith.index_cast %add3A_1397 : i32 to index
        %get3A_1429 = arith.constant 48 : index
        %get3A_1430 = tpu.vector_load %arg11[%get3A_1428, %get3A_1429] {strides = array<i32>} : memref<128x128xf32, #tpu.memory_space<vmem>>, vector<1x16xf32>,
        %get3A_1431 = vector.shape_cast %get3A_1430 : vector<1x16xf32> to vector<16xf32>
        %mul3A_1432 = arith.mulf %get3A_1431, %broadcast_in_dim3A_1393 : vector<16xf32>
        %swap3A_1433 = arith.index_cast %add3A_1397 : i32 to index
        %swap3A_1434 = arith.constant 48 : index
        %swap3A_1435 = tpu.vector_load %arg11[%swap3A_1433, %swap3A_1434] {strides = array<i32>} : memref<128x128xf32, #tpu.memory_space<vmem>>, vector<1x16xf32>,
        %swap3A_1436 = vector.shape_cast %swap3A_1435 : vector<1x16xf32> to vector<16xf32>
        %swap3A_1437 = vector.shape_cast %mul3A_1432 : vector<16xf32> to vector<1x16xf32>
        tpu.vector_store %arg11[%swap3A_1433, %swap3A_1434], %swap3A_1437 {strides = array<i32>} : memref<128x128xf32, #tpu.memory_space<vmem>>, vector<1x16xf32>,
        %get3A_1438 = arith.index_cast %add3A_1397 : i32 to index
        %get3A_1439 = arith.constant 64 : index
        %get3A_1440 = tpu.vector_load %arg11[%get3A_1438, %get3A_1439] {strides = array<i32>} : memref<128x128xf32, #tpu.memory_space<vmem>>, vector<1x16xf32>,
        %get3A_1441 = vector.shape_cast %get3A_1440 : vector<1x16xf32> to vector<16xf32>
        %mul3A_1442 = arith.mulf %get3A_1441, %broadcast_in_dim3A_1393 : vector<16xf32>
        %swap3A_1443 = arith.index_cast %add3A_1397 : i32 to index
        %swap3A_1444 = arith.constant 64 : index
        %swap3A_1445 = tpu.vector_load %arg11[%swap3A_1443, %swap3A_1444] {strides = array<i32>} : memref<128x128xf32, #tpu.memory_space<vmem>>, vector<1x16xf32>,
        %swap3A_1446 = vector.shape_cast %swap3A_1445 : vector<1x16xf32> to vector<16xf32>
        %swap3A_1447 = vector.shape_cast %mul3A_1442 : vector<16xf32> to vector<1x16xf32>
        tpu.vector_store %arg11[%swap3A_1443, %swap3A_1444], %swap3A_1447 {strides = array<i32>} : memref<128x128xf32, #tpu.memory_space<vmem>>, vector<1x16xf32>,
        %get3A_1448 = arith.index_cast %add3A_1397 : i32 to index
        %get3A_1449 = arith.constant 80 : index
        %get3A_1450 = tpu.vector_load %arg11[%get3A_1448, %get3A_1449] {strides = array<i32>} : memref<128x128xf32, #tpu.memory_space<vmem>>, vector<1x16xf32>,
        %get3A_1451 = vector.shape_cast %get3A_1450 : vector<1x16xf32> to vector<16xf32>
        %mul3A_1452 = arith.mulf %get3A_1451, %broadcast_in_dim3A_1393 : vector<16xf32>
        %swap3A_1453 = arith.index_cast %add3A_1397 : i32 to index
        %swap3A_1454 = arith.constant 80 : index
        %swap3A_1455 = tpu.vector_load %arg11[%swap3A_1453, %swap3A_1454] {strides = array<i32>} : memref<128x128xf32, #tpu.memory_space<vmem>>, vector<1x16xf32>,
        %swap3A_1456 = vector.shape_cast %swap3A_1455 : vector<1x16xf32> to vector<16xf32>
        %swap3A_1457 = vector.shape_cast %mul3A_1452 : vector<16xf32> to vector<1x16xf32>
        tpu.vector_store %arg11[%swap3A_1453, %swap3A_1454], %swap3A_1457 {strides = array<i32>} : memref<128x128xf32, #tpu.memory_space<vmem>>, vector<1x16xf32>,
        %get3A_1458 = arith.index_cast %add3A_1397 : i32 to index
        %get3A_1459 = arith.constant 96 : index
        %get3A_1460 = tpu.vector_load %arg11[%get3A_1458, %get3A_1459] {strides = array<i32>} : memref<128x128xf32, #tpu.memory_space<vmem>>, vector<1x16xf32>,
        %get3A_1461 = vector.shape_cast %get3A_1460 : vector<1x16xf32> to vector<16xf32>
        %mul3A_1462 = arith.mulf %get3A_1461, %broadcast_in_dim3A_1393 : vector<16xf32>
        %swap3A_1463 = arith.index_cast %add3A_1397 : i32 to index
        %swap3A_1464 = arith.constant 96 : index
        %swap3A_1465 = tpu.vector_load %arg11[%swap3A_1463, %swap3A_1464] {strides = array<i32>} : memref<128x128xf32, #tpu.memory_space<vmem>>, vector<1x16xf32>,
        %swap3A_1466 = vector.shape_cast %swap3A_1465 : vector<1x16xf32> to vector<16xf32>
        %swap3A_1467 = vector.shape_cast %mul3A_1462 : vector<16xf32> to vector<1x16xf32>
        tpu.vector_store %arg11[%swap3A_1463, %swap3A_1464], %swap3A_1467 {strides = array<i32>} : memref<128x128xf32, #tpu.memory_space<vmem>>, vector<1x16xf32>,
        %get3A_1468 = arith.index_cast %add3A_1397 : i32 to index
        %get3A_1469 = arith.constant 112 : index
        %get3A_1470 = tpu.vector_load %arg11[%get3A_1468, %get3A_1469] {strides = array<i32>} : memref<128x128xf32, #tpu.memory_space<vmem>>, vector<1x16xf32>,
        %get3A_1471 = vector.shape_cast %get3A_1470 : vector<1x16xf32> to vector<16xf32>
        %mul3A_1472 = arith.mulf %get3A_1471, %broadcast_in_dim3A_1393 : vector<16xf32>
        %swap3A_1473 = arith.index_cast %add3A_1397 : i32 to index
        %swap3A_1474 = arith.constant 112 : index
        %swap3A_1475 = tpu.vector_load %arg11[%swap3A_1473, %swap3A_1474] {strides = array<i32>} : memref<128x128xf32, #tpu.memory_space<vmem>>, vector<1x16xf32>,
        %swap3A_1476 = vector.shape_cast %swap3A_1475 : vector<1x16xf32> to vector<16xf32>
        %swap3A_1477 = vector.shape_cast %mul3A_1472 : vector<16xf32> to vector<1x16xf32>
        tpu.vector_store %arg11[%swap3A_1473, %swap3A_1474], %swap3A_1477 {strides = array<i32>} : memref<128x128xf32, #tpu.memory_space<vmem>>, vector<1x16xf32>,
        %scan3A_1478 = arith.constant 0 : i32
        scf.yield %scan3A_1478 : i32
      }
      %scan3A_80 = arith.constant 8 : i32
      "tpu.region"() ({
        %run_scoped3A_82 = tpu.sem_alloc : memref<!tpu.dma_semaphore, #tpu.memory_space<semaphore_mem>>
        %dma_start3A_83 = arith.constant 0 : i32
        %dma_start3A_84 = tpu.memref_slice %arg9[%scan3A_62, %dma_start3A_83] : memref<80x128xi32, #tpu.memory_space<vmem>> -> memref<1x128xi32, #tpu.memory_space<vmem>>
        %dma_start3A_85 = tpu.memref_squeeze %dma_start3A_84 : memref<1x128xi32, #tpu.memory_space<vmem>> -> memref<128xi32, #tpu.memory_space<vmem>>
        %dma_start3A_86 = arith.constant 0 : i32
        %dma_start3A_87 = arith.constant 0 : i32
        %dma_start3A_88 = tpu.memref_slice %arg13[%dma_start3A_86, %dma_start3A_87] : memref<10240x128xf32, #tpu.memory_space<vmem_shared>> -> memref<10240x128xf32, #tpu.memory_space<vmem_shared>>
        tpu.enqueue_indirect_dma source(%arg11 : memref<128x128xf32, #tpu.memory_space<vmem>>) target(%dma_start3A_88 : memref<10240x128xf32, #tpu.memory_space<vmem_shared>>) offsets(%dma_start3A_85 : memref<128xi32, #tpu.memory_space<vmem>>) semaphore(%run_scoped3A_82 : memref<!tpu.dma_semaphore, #tpu.memory_space<semaphore_mem>>) {add = true}
        %dma_wait3A_89 = arith.constant 0 : i32
        %dma_wait3A_90 = tpu.memref_slice %arg9[%scan3A_62, %dma_wait3A_89] : memref<80x128xi32, #tpu.memory_space<vmem>> -> memref<1x128xi32, #tpu.memory_space<vmem>>
        %dma_wait3A_91 = tpu.memref_squeeze %dma_wait3A_90 : memref<1x128xi32, #tpu.memory_space<vmem>> -> memref<128xi32, #tpu.memory_space<vmem>>
        %dma_wait3A_92 = arith.constant 0 : i32
        %dma_wait3A_93 = arith.constant 0 : i32
        %dma_wait3A_94 = tpu.memref_slice %arg13[%dma_wait3A_92, %dma_wait3A_93] : memref<10240x128xf32, #tpu.memory_space<vmem_shared>> -> memref<10240x128xf32, #tpu.memory_space<vmem_shared>>
        tpu.wait_indirect_dma semaphore(%run_scoped3A_82 : memref<!tpu.dma_semaphore, #tpu.memory_space<semaphore_mem>>) src(%arg11 : memref<128x128xf32, #tpu.memory_space<vmem>>) dst(%dma_wait3A_94 : memref<10240x128xf32, #tpu.memory_space<vmem_shared>>)
        tpu.yield
      }) : () -> ()
      "tpu.region"() ({
        %run_scoped3A_82 = tpu.sem_alloc : memref<!tpu.dma_semaphore, #tpu.memory_space<semaphore_mem>>
        %dma_start3A_83 = arith.constant 0 : i32
        %dma_start3A_84 = tpu.memref_slice %arg10[%scan3A_62, %dma_start3A_83] : memref<80x128xf32, #tpu.memory_space<vmem>> -> memref<1x128xf32, #tpu.memory_space<vmem>>
        %dma_start3A_85 = tpu.memref_squeeze %dma_start3A_84 : memref<1x128xf32, #tpu.memory_space<vmem>> -> memref<128xf32, #tpu.memory_space<vmem>>
        %dma_start3A_86 = arith.constant 0 : i32
        %dma_start3A_87 = tpu.memref_slice %arg8[%scan3A_62, %dma_start3A_86] : memref<80x128xi32, #tpu.memory_space<vmem>> -> memref<1x128xi32, #tpu.memory_space<vmem>>
        %dma_start3A_88 = tpu.memref_squeeze %dma_start3A_87 : memref<1x128xi32, #tpu.memory_space<vmem>> -> memref<128xi32, #tpu.memory_space<vmem>>
        %dma_start3A_89 = arith.constant 0 : i32
        %dma_start3A_90 = tpu.memref_slice %arg14[%dma_start3A_89] : memref<10240xf32, #tpu.memory_space<vmem_shared>> -> memref<10240xf32, #tpu.memory_space<vmem_shared>>
        tpu.enqueue_indirect_dma source(%dma_start3A_85 : memref<128xf32, #tpu.memory_space<vmem>>) target(%dma_start3A_90 : memref<10240xf32, #tpu.memory_space<vmem_shared>>) offsets(%dma_start3A_88 : memref<128xi32, #tpu.memory_space<vmem>>) semaphore(%run_scoped3A_82 : memref<!tpu.dma_semaphore, #tpu.memory_space<semaphore_mem>>) {add = true}
        %dma_wait3A_91 = arith.constant 0 : i32
        %dma_wait3A_92 = tpu.memref_slice %arg10[%scan3A_62, %dma_wait3A_91] : memref<80x128xf32, #tpu.memory_space<vmem>> -> memref<1x128xf32, #tpu.memory_space<vmem>>
        %dma_wait3A_93 = tpu.memref_squeeze %dma_wait3A_92 : memref<1x128xf32, #tpu.memory_space<vmem>> -> memref<128xf32, #tpu.memory_space<vmem>>
        %dma_wait3A_94 = arith.constant 0 : i32
        %dma_wait3A_95 = tpu.memref_slice %arg8[%scan3A_62, %dma_wait3A_94] : memref<80x128xi32, #tpu.memory_space<vmem>> -> memref<1x128xi32, #tpu.memory_space<vmem>>
        %dma_wait3A_96 = tpu.memref_squeeze %dma_wait3A_95 : memref<1x128xi32, #tpu.memory_space<vmem>> -> memref<128xi32, #tpu.memory_space<vmem>>
        %dma_wait3A_97 = arith.constant 0 : i32
        %dma_wait3A_98 = tpu.memref_slice %arg14[%dma_wait3A_97] : memref<10240xf32, #tpu.memory_space<vmem_shared>> -> memref<10240xf32, #tpu.memory_space<vmem_shared>>
        tpu.wait_indirect_dma semaphore(%run_scoped3A_82 : memref<!tpu.dma_semaphore, #tpu.memory_space<semaphore_mem>>) src(%dma_wait3A_93 : memref<128xf32, #tpu.memory_space<vmem>>) dst(%dma_wait3A_98 : memref<10240xf32, #tpu.memory_space<vmem_shared>>)
        tpu.yield
      }) : () -> ()
      %scan3A_81 = arith.constant 0 : i32
      scf.yield %scan3A_81 : i32
    }
    %scan3A_58 = arith.constant 80 : i32
    %barrier3A_59 = arith.constant 0 : index
    tpu.barrier barrier_id(%barrier3A_59)
    %mul3A_60 = arith.constant 640 : i32
    %mul3A_61 = arith.muli %arg1, %mul3A_60 : i32
    "tpu.region"() ({
      %run_scoped3A_62 = tpu.sem_alloc : memref<!tpu.dma_semaphore, #tpu.memory_space<semaphore_mem>>
      %dma_start3A = arith.constant 0 : i32
      %dma_start3A_63 = tpu.memref_slice %arg6[%arg0, %mul3A_61, %dma_start3A] : memref<2x10240x128xf32, #tpu.memory_space<hbm>> -> memref<1x640x128xf32, #tpu.memory_space<hbm>>
      %dma_start3A_64 = tpu.memref_squeeze %dma_start3A_63 : memref<1x640x128xf32, #tpu.memory_space<hbm>> -> memref<640x128xf32, #tpu.memory_space<hbm>>
      %dma_start3A_65 = arith.constant 0 : i32
      %dma_start3A_66 = tpu.memref_slice %arg13[%mul3A_61, %dma_start3A_65] : memref<10240x128xf32, #tpu.memory_space<vmem_shared>> -> memref<640x128xf32, #tpu.memory_space<vmem_shared>>
      tpu.enqueue_dma source(%dma_start3A_66 : memref<640x128xf32, #tpu.memory_space<vmem_shared>>) target(%dma_start3A_64 : memref<640x128xf32, #tpu.memory_space<hbm>>) target_semaphore(%run_scoped3A_62 : memref<!tpu.dma_semaphore, #tpu.memory_space<semaphore_mem>>)
      %dma_wait3A = arith.constant 0 : i32
      %dma_wait3A_67 = tpu.memref_slice %arg6[%arg0, %mul3A_61, %dma_wait3A] : memref<2x10240x128xf32, #tpu.memory_space<hbm>> -> memref<1x640x128xf32, #tpu.memory_space<hbm>>
      %dma_wait3A_68 = tpu.memref_squeeze %dma_wait3A_67 : memref<1x640x128xf32, #tpu.memory_space<hbm>> -> memref<640x128xf32, #tpu.memory_space<hbm>>
      %dma_wait3A_69 = arith.constant 0 : i32
      %dma_wait3A_70 = tpu.memref_slice %arg13[%mul3A_61, %dma_wait3A_69] : memref<10240x128xf32, #tpu.memory_space<vmem_shared>> -> memref<640x128xf32, #tpu.memory_space<vmem_shared>>
      tpu.wait_dma2 semaphore(%run_scoped3A_62 : memref<!tpu.dma_semaphore, #tpu.memory_space<semaphore_mem>>) src(%dma_wait3A_70 : memref<640x128xf32, #tpu.memory_space<vmem_shared>>) dst(%dma_wait3A_68 : memref<640x128xf32, #tpu.memory_space<hbm>>)
      tpu.yield
    }) : () -> ()
    "tpu.region"() ({
      %run_scoped3A_62 = tpu.sem_alloc : memref<!tpu.dma_semaphore, #tpu.memory_space<semaphore_mem>>
      %dma_start3A = tpu.memref_slice %arg7[%arg0, %mul3A_61] : memref<2x10240xf32, #tpu.memory_space<hbm>> -> memref<1x640xf32, #tpu.memory_space<hbm>>
      %dma_start3A_63 = tpu.memref_squeeze %dma_start3A : memref<1x640xf32, #tpu.memory_space<hbm>> -> memref<640xf32, #tpu.memory_space<hbm>>
      %dma_start3A_64 = tpu.memref_slice %arg14[%mul3A_61] : memref<10240xf32, #tpu.memory_space<vmem_shared>> -> memref<640xf32, #tpu.memory_space<vmem_shared>>
      tpu.enqueue_dma source(%dma_start3A_64 : memref<640xf32, #tpu.memory_space<vmem_shared>>) target(%dma_start3A_63 : memref<640xf32, #tpu.memory_space<hbm>>) target_semaphore(%run_scoped3A_62 : memref<!tpu.dma_semaphore, #tpu.memory_space<semaphore_mem>>)
      %dma_wait3A = tpu.memref_slice %arg7[%arg0, %mul3A_61] : memref<2x10240xf32, #tpu.memory_space<hbm>> -> memref<1x640xf32, #tpu.memory_space<hbm>>
      %dma_wait3A_65 = tpu.memref_squeeze %dma_wait3A : memref<1x640xf32, #tpu.memory_space<hbm>> -> memref<640xf32, #tpu.memory_space<hbm>>
      %dma_wait3A_66 = tpu.memref_slice %arg14[%mul3A_61] : memref<10240xf32, #tpu.memory_space<vmem_shared>> -> memref<640xf32, #tpu.memory_space<vmem_shared>>
      tpu.wait_dma2 semaphore(%run_scoped3A_62 : memref<!tpu.dma_semaphore, #tpu.memory_space<semaphore_mem>>) src(%dma_wait3A_66 : memref<640xf32, #tpu.memory_space<vmem_shared>>) dst(%dma_wait3A_65 : memref<640xf32, #tpu.memory_space<hbm>>)
      tpu.yield
    }) : () -> ()
    return
  }
}

module attributes {stable_mosaic.version = 14 : i64} {
  func.func @_tc_dense(%arg0: memref<2x10240x128xf32, #tpu.memory_space<vmem>>, %arg1: memref<2x10240xf32, #tpu.memory_space<vmem>>, %arg2: memref<128x128xf32, #tpu.memory_space<vmem>>, %arg3: memref<128xf32, #tpu.memory_space<vmem>>, %arg4: memref<128x128xf32, #tpu.memory_space<vmem>>, %arg5: memref<128xf32, #tpu.memory_space<vmem>>, %arg6: memref<128x128xf32, #tpu.memory_space<vmem>>, %arg7: memref<128xf32, #tpu.memory_space<vmem>>, %arg8: memref<1x128xf32, #tpu.memory_space<vmem>>) attributes {dimension_semantics = [], scalar_prefetch = 0 : i64, scratch_operands = 0 : i64, tpu.core_type = #tpu.core_type<tc>} {
    %get3A = arith.constant 0 : index
    %get3A_0 = arith.constant 0 : index
    %get3A_1 = arith.constant 0 : index
    %get3A_2 = vector.load %arg0[%get3A, %get3A_0, %get3A_1] : memref<2x10240x128xf32, #tpu.memory_space<vmem>>, vector<1x10240x128xf32>
    %get3A_3 = vector.shape_cast %get3A_2 : vector<1x10240x128xf32> to vector<10240x128xf32>
    %get3A_4 = arith.constant 1 : index
    %get3A_5 = arith.constant 0 : index
    %get3A_6 = arith.constant 0 : index
    %get3A_7 = vector.load %arg0[%get3A_4, %get3A_5, %get3A_6] : memref<2x10240x128xf32, #tpu.memory_space<vmem>>, vector<1x10240x128xf32>
    %get3A_8 = vector.shape_cast %get3A_7 : vector<1x10240x128xf32> to vector<10240x128xf32>
    %add3A = arith.addf %get3A_3, %get3A_8 : vector<10240x128xf32>
    %convert_element_type3A = arith.truncf %add3A : vector<10240x128xf32> to vector<10240x128xbf16>
    %get3A_9 = arith.constant 0 : index
    %get3A_10 = arith.constant 0 : index
    %get3A_11 = vector.load %arg2[%get3A_9, %get3A_10] : memref<128x128xf32, #tpu.memory_space<vmem>>, vector<128x128xf32>
    %convert_element_type3A_12 = arith.truncf %get3A_11 : vector<128x128xf32> to vector<128x128xbf16>
    %dot_general3A = arith.constant dense<0.000000e+00> : vector<10240x128xf32>
    %dot_general3A_13 = tpu.matmul %convert_element_type3A, %convert_element_type3A_12, %dot_general3A {dimension_numbers = #tpu.dot_dimension_numbers<[1], [0], [0], [1], [0, 0, 1, 1], [], []>, transpose_lhs_hint = false} : vector<10240x128xbf16>, vector<128x128xbf16>, vector<10240x128xf32> -> vector<10240x128xf32>
    %get3A_14 = arith.constant 0 : index
    %get3A_15 = vector.load %arg3[%get3A_14] : memref<128xf32, #tpu.memory_space<vmem>>, vector<128xf32>
    %broadcast_in_dim3A = vector.shape_cast %get3A_15 : vector<128xf32> to vector<1x128xf32>
    %add3A_16 = vector.broadcast %broadcast_in_dim3A : vector<1x128xf32> to vector<10240x128xf32>
    %add3A_17 = arith.addf %dot_general3A_13, %add3A_16 : vector<10240x128xf32>
    %max3A = arith.constant 0.000000e+00 : f32
    %max3A_18 = vector.broadcast %max3A : f32 to vector<10240x128xf32>
    %max3A_19 = arith.maximumf %add3A_17, %max3A_18 : vector<10240x128xf32>
    %get3A_20 = arith.constant 0 : index
    %get3A_21 = arith.constant 0 : index
    %get3A_22 = vector.load %arg1[%get3A_20, %get3A_21] : memref<2x10240xf32, #tpu.memory_space<vmem>>, vector<1x10240xf32>
    %get3A_23 = vector.shape_cast %get3A_22 : vector<1x10240xf32> to vector<10240xf32>
    %get3A_24 = arith.constant 1 : index
    %get3A_25 = arith.constant 0 : index
    %get3A_26 = vector.load %arg1[%get3A_24, %get3A_25] : memref<2x10240xf32, #tpu.memory_space<vmem>>, vector<1x10240xf32>
    %get3A_27 = vector.shape_cast %get3A_26 : vector<1x10240xf32> to vector<10240xf32>
    %add3A_28 = arith.addf %get3A_23, %get3A_27 : vector<10240xf32>
    %reshape3A = vector.shape_cast %add3A_28 : vector<10240xf32> to vector<1x10240xf32>
    %dot_general3A_29 = arith.constant dense<0.000000e+00> : vector<1x128xf32>
    %dot_general3A_30 = tpu.matmul %reshape3A, %max3A_19, %dot_general3A_29 {dimension_numbers = #tpu.dot_dimension_numbers<[1], [0], [0], [1], [0, 0, 1, 1], [], []>, precision = #tpu.contract_precision<fp32>, transpose_lhs_hint = false} : vector<1x10240xf32>, vector<10240x128xf32>, vector<1x128xf32> -> vector<1x128xf32>
    %mul3A = arith.constant 9.99999974E-5 : f32
    %mul3A_31 = vector.broadcast %mul3A : f32 to vector<1x128xf32>
    %mul3A_32 = arith.mulf %dot_general3A_30, %mul3A_31 : vector<1x128xf32>
    %convert_element_type3A_33 = arith.truncf %mul3A_32 : vector<1x128xf32> to vector<1x128xbf16>
    %convert_element_type3A_34 = arith.extf %convert_element_type3A_33 : vector<1x128xbf16> to vector<1x128xf32>
    %sub3A = arith.subf %mul3A_32, %convert_element_type3A_34 : vector<1x128xf32>
    %convert_element_type3A_35 = arith.truncf %sub3A : vector<1x128xf32> to vector<1x128xbf16>
    %get3A_36 = arith.constant 0 : index
    %get3A_37 = arith.constant 0 : index
    %get3A_38 = vector.load %arg4[%get3A_36, %get3A_37] : memref<128x128xf32, #tpu.memory_space<vmem>>, vector<128x128xf32>
    %convert_element_type3A_39 = arith.truncf %get3A_38 : vector<128x128xf32> to vector<128x128xbf16>
    %dot_general3A_40 = arith.constant dense<0.000000e+00> : vector<1x128xf32>
    %dot_general3A_41 = tpu.matmul %convert_element_type3A_33, %convert_element_type3A_39, %dot_general3A_40 {dimension_numbers = #tpu.dot_dimension_numbers<[1], [0], [0], [1], [0, 0, 1, 1], [], []>, transpose_lhs_hint = false} : vector<1x128xbf16>, vector<128x128xbf16>, vector<1x128xf32> -> vector<1x128xf32>
    %dot_general3A_42 = arith.constant dense<0.000000e+00> : vector<1x128xf32>
    %dot_general3A_43 = tpu.matmul %convert_element_type3A_35, %convert_element_type3A_39, %dot_general3A_42 {dimension_numbers = #tpu.dot_dimension_numbers<[1], [0], [0], [1], [0, 0, 1, 1], [], []>, transpose_lhs_hint = false} : vector<1x128xbf16>, vector<128x128xbf16>, vector<1x128xf32> -> vector<1x128xf32>
    %add3A_44 = arith.addf %dot_general3A_41, %dot_general3A_43 : vector<1x128xf32>
    %get3A_45 = arith.constant 0 : index
    %get3A_46 = vector.load %arg5[%get3A_45] : memref<128xf32, #tpu.memory_space<vmem>>, vector<128xf32>
    %broadcast_in_dim3A_47 = vector.shape_cast %get3A_46 : vector<128xf32> to vector<1x128xf32>
    %add3A_48 = arith.addf %add3A_44, %broadcast_in_dim3A_47 : vector<1x128xf32>
    %convert_element_type3A_49 = arith.truncf %add3A_48 : vector<1x128xf32> to vector<1x128xbf16>
    %get3A_50 = arith.constant 0 : index
    %get3A_51 = arith.constant 0 : index
    %get3A_52 = vector.load %arg6[%get3A_50, %get3A_51] : memref<128x128xf32, #tpu.memory_space<vmem>>, vector<128x128xf32>
    %convert_element_type3A_53 = arith.truncf %get3A_52 : vector<128x128xf32> to vector<128x128xbf16>
    %dot_general3A_54 = arith.constant dense<0.000000e+00> : vector<1x128xf32>
    %dot_general3A_55 = tpu.matmul %convert_element_type3A_49, %convert_element_type3A_53, %dot_general3A_54 {dimension_numbers = #tpu.dot_dimension_numbers<[1], [0], [0], [1], [0, 0, 1, 1], [], []>, transpose_lhs_hint = false} : vector<1x128xbf16>, vector<128x128xbf16>, vector<1x128xf32> -> vector<1x128xf32>
    %get3A_56 = arith.constant 0 : index
    %get3A_57 = vector.load %arg7[%get3A_56] : memref<128xf32, #tpu.memory_space<vmem>>, vector<128xf32>
    %broadcast_in_dim3A_58 = vector.shape_cast %get3A_57 : vector<128xf32> to vector<1x128xf32>
    %add3A_59 = arith.addf %dot_general3A_55, %broadcast_in_dim3A_58 : vector<1x128xf32>
    %tanh3A = math.tanh %add3A_59 : vector<1x128xf32>
    %swap3A = arith.constant 0 : index
    %swap3A_60 = arith.constant 0 : index
    %swap3A_61 = vector.load %arg8[%swap3A, %swap3A_60] : memref<1x128xf32, #tpu.memory_space<vmem>>, vector<1x128xf32>
    tpu.vector_store %arg8[%swap3A, %swap3A_60], %tanh3A {strides = array<i32>} : memref<1x128xf32, #tpu.memory_space<vmem>>, vector<1x128xf32>,
    return
  }
}

</mosaic_0001>

<sc_bundles>
// kernel: kernel.4.cloned.1.call-start
scs
__scs_entry_jumppad:
0x0: {  	(pc) =	sbr.rel $0x88, $3  }
0x1: {  	(tag) =	ssettag $0x0;
	lr =	simm.s32 $0x1  }
0x2: {  	[smem:$0x3F98] =	sst lr;
	_ =	strace $0xD0000000  }
0x3: {  	_ = 	snop  }
0x4: {  	_ = 	snop  }
0x5: {  	_ = 	snop  }
0x6: {  	_ = 	snop  }
0x7: {  	_ = 	snop  }
__scs_overlays_trampoline_lowered:
0x8: {  	[smem:$0x3FA7] =	sst s0  }
0x9: {  	[smem:$0x3FA8] =	sst s1  }
0xa: {  	[smem:$0x3FA9] =	sst s2  }
0xb: {  	[smem:$0x3FAA] =	sst s3  }
0xc: {  	[smem:$0x3FAB] =	sst s4  }
0xd: {  	[smem:$0x3FAC] =	sst s5  }
0xe: {  	[smem:$0x3FAD] =	sst s6  }
0xf: {  	[smem:$0x3FAE] =	sst s7  }
0x10: {  	[smem:$0x3FAF] =	sst s8  }
0x11: {  	[smem:$0x3FB0] =	sst s9;
	s0 =	simm.s32 @!p0 $0x0  }
0x12: {  	s1 =	sld [smem:$0x3F96];
	s0 =	simm.s32 @p0 $0x1  }
0x13: {  	[smem:$0x3FB1] =	sst s0;
	s0 =	simm.s32 @!p1 $0x0  }
0x14: {  	s2 =	sld [smem:$0x3F95];
	s0 =	simm.s32 @p1 $0x1  }
0x15: {  	[smem:$0x3FB2] =	sst s0;
	s0 =	simm.s32 @!p2 $0x0  }
0x16: {  	s3 =	sld [smem:$0x3FDB];
	s0 =	simm.s32 @p2 $0x1  }
0x17: {  	s4 =	simm.s32 $0x1BF5;
	[smem:$0x3FB4] =	sst s0  }
0x18: {  	s0 =	sld [smem:$0x3F97];
	_ =	swait.ge [sflag:s4], $0x0  }
0x19: {  	s7 =	sld [smem:$0x3F98]  }
0x1a: {  	s8 =	sadd.s32 $0xFFFFE003, lr  }
0x1b: {  	s9 =	sadd.s32 $0xFFFFFEF7, lr;
	s5 =	simm.s32 $0xFFFFFFFF;
	p2 =	slt.u32 s8, $0xFFFFF086  }
0x1c: {  	p1 =	slt.u32 s9, $0xF7A;
	s5 =	simm.s32 @!p2 $0x0  }
0x1d: {  	s5 =	simm.s32 @p1 $0x1;
	p0 =	seq.s32 s7, s2  }
0x1e: {  	s7 =	smul.u32 @!p0 $0xF7A, s2;
	p2 =	seq.s32 @!p0 s5, $0x0  }
0x1f: {  	s9 =	smul.u32 $0xF7A, s1;
	s8 =	simm.s32 @!p0 $0x1BF5;
	p2 =	por !p2, p0  }
0x20: {  	[sflag:s8] =	ssyncset.s32 @!p0 $0xFFFFF086;
	s6 =	sadd.s32 @!p0 s3, s7;
	s7 =	simm.s32 @!p0 $0x108  }
0x21: {  	s3 =	sadd.s32 s3, s9;
	s6 =	sadd.s32 @!p0 $0x88, s6;
	s7 =	simm.s32 @p2 $0x1082  }
0x22: {  	[simem:s7], [sflag:s8] =	dma.local @!p0 [hbm:s6], $0xF7A  }
0x23: {  	s9 =	sor.u32 $0xD0000000, s2;
	s6 =	simm.s32 $0x108;
	_ =	swait.ge @!p0 [sflag:s8], $0x0  }
0x24: {  	s3 =	sadd.s32 $0x88, s3;
	s6 =	simm.s32 @!p1 $0x1082;
	[sflag:s4] =	ssyncset.s32 $0xFFFFF086  }
0x25: {  	[simem:s6], [sflag:s4] =	dma.local [hbm:s3], $0xF7A  }
0x26: {  	[smem:$0x3F98] =	sst s1;
	(tag) =	ssettag s2;
	_ =	strace s9  }
0x27: {  	s1 =	sld [smem:$0x3FA8]  }
0x28: {  	s2 =	sld [smem:$0x3FA9]  }
0x29: {  	s4 =	sld [smem:$0x3FAB]  }
0x2a: {  	p0 =	seq.s32 s5, $0x0;
	s5 =	sld [smem:$0x3FAC]  }
0x2b: {  	s6 =	sld [smem:$0x3FAD]  }
0x2c: {  	s7 =	sld [smem:$0x3FAE]  }
0x2d: {  	s3 =	simm.s32 $0x108;
	s8 =	sld [smem:$0x3FAF]  }
0x2e: {  	s3 =	simm.s32 @!p0 $0x1082;
	s9 =	sld [smem:$0x3FB0]  }
0x2f: {  	lr =	sadd.s32 s0, s3;
	s0 =	sld [smem:$0x3FA7]  }
0x30: {  	s3 =	sld [smem:$0x3FAA]  }
0x31: {  	[smem:$0x3FB3] =	sst s10  }
0x32: {  	s10 =	sld [smem:$0x3FB1];
	_ =	sdelay $0x3  }
0x33: {  	p0 =	seq.s32 s10, $0x1;
	s10 =	sld [smem:$0x3FB3];
	_ =	sdelay $0x3  }
0x34: {  	[smem:$0x3FB3] =	sst s10  }
0x35: {  	s10 =	sld [smem:$0x3FB2];
	_ =	sdelay $0x3  }
0x36: {  	p1 =	seq.s32 s10, $0x1;
	s10 =	sld [smem:$0x3FB3];
	_ =	sdelay $0x3  }
0x37: {  	[smem:$0x3FB3] =	sst s10  }
0x38: {  	s10 =	sld [smem:$0x3FB4]  }
0x39: {  	_ = 	snop;
	(pc) =	sbr.ind lr, $3  }
0x3a: {  	_ = 	snop  }
0x3b: {  	_ = 	snop  }
0x3c: {  	p2 =	seq.s32 s10, $0x1;
	s10 =	sld [smem:$0x3FB3]  }
0x3d: {  	_ =	shalt  }
0x3e: {  	_ =	shalt  }
0x3f: {  	_ =	shalt  }
0x40: {  	_ =	shalt  }
0x41: {  	_ =	shalt  }
0x42: {  	_ =	shalt  }
0x43: {  	_ =	shalt  }
0x44: {  	_ =	shalt  }
0x45: {  	_ =	shalt  }
0x46: {  	_ =	shalt  }
0x47: {  	_ =	shalt  }
0x48: {  	_ =	shalt  }
0x49: {  	_ =	shalt  }
0x4a: {  	_ =	shalt  }
0x4b: {  	_ =	shalt  }
0x4c: {  	_ =	shalt  }
0x4d: {  	_ =	shalt  }
0x4e: {  	_ =	shalt  }
0x4f: {  	_ =	shalt  }
0x50: {  	_ =	shalt  }
0x51: {  	_ =	shalt  }
0x52: {  	_ =	shalt  }
0x53: {  	_ =	shalt  }
0x54: {  	_ =	shalt  }
0x55: {  	_ =	shalt  }
0x56: {  	_ =	shalt  }
0x57: {  	_ =	shalt  }
0x58: {  	_ =	shalt  }
0x59: {  	_ =	shalt  }
0x5a: {  	_ =	shalt  }
0x5b: {  	_ =	shalt  }
0x5c: {  	_ =	shalt  }
0x5d: {  	_ =	shalt  }
0x5e: {  	_ =	shalt  }
0x5f: {  	_ =	shalt  }
0x60: {  	_ =	shalt  }
0x61: {  	_ =	shalt  }
0x62: {  	_ =	shalt  }
0x63: {  	_ =	shalt  }
0x64: {  	_ =	shalt  }
0x65: {  	_ =	shalt  }
0x66: {  	_ =	shalt  }
0x67: {  	_ =	shalt  }
0x68: {  	_ =	shalt  }
0x69: {  	_ =	shalt  }
0x6a: {  	_ =	shalt  }
0x6b: {  	_ =	shalt  }
0x6c: {  	_ =	shalt  }
0x6d: {  	_ =	shalt  }
0x6e: {  	_ =	shalt  }
0x6f: {  	_ =	shalt  }
0x70: {  	_ =	shalt  }
0x71: {  	_ =	shalt  }
0x72: {  	_ =	shalt  }
0x73: {  	_ =	shalt  }
0x74: {  	_ =	shalt  }
0x75: {  	_ =	shalt  }
0x76: {  	_ =	shalt  }
0x77: {  	_ =	shalt  }
0x78: {  	_ =	shalt  }
0x79: {  	_ =	shalt  }
0x7a: {  	_ =	shalt  }
0x7b: {  	_ =	shalt  }
0x7c: {  	_ =	shalt  }
0x7d: {  	_ =	shalt  }
0x7e: {  	_ =	shalt  }
0x7f: {  	_ =	shalt  }
0x80: {  	_ =	shalt  }
0x81: {  	_ =	shalt  }
0x82: {  	_ =	shalt  }
0x83: {  	_ =	shalt  }
0x84: {  	_ =	shalt  }
0x85: {  	_ =	shalt  }
0x86: {  	_ =	shalt  }
0x87: {  	_ =	shalt  }
.Lfunc_end0:
.L_simem_size_0:
called_computation_lowered:
.L_overlay_start_0:
0x88: {  	s2 =	sld [smem:$0x3FD9]  }
0x89: {  	s3 =	sld [smem:$0x3FFE];
	_ =	sdelay $0x1  }
0x8a: {  	s1 =	srdreg.scid  }
0x8b: {  	s0 =	sand.u32 $0x1, s1  }
0x8c: {  	s17 =	sshll.u32 s0, $0xA;
	s2 =	sadd.s32 s3, s2  }
0x8d: {  	s2 =	sadd.s32 s2, s17  }
0x8e: {  	[smem:$0x3FBF] =	sst s2  }
0x8f: {  	_ = 	snop  }
0x90: {  	s2 =	sld [smem:$0x3FC9];
	(tm) =	ssettm $0x1  }
0x91: {  	s18 =	sld [smem:$0x3FFB];
	_ =	sdelay $0x3  }
0x92: {  	_ =	strace s18  }
0x93: {  	s3 =	sld [smem:$0x3FFC];
	_ =	sdelay $0x3  }
0x94: {  	_ =	strace s3  }
0x95: {  	s3 =	sld [smem:$0x3FFD];
	_ =	sdelay $0x3  }
0x96: {  	_ =	strace s3  }
0x97: {  	_ =	strace $0x8FFFFFFF  }
0x98: {  	s19 =	sld [smem:$0x3FDB];
	_ =	sdelay $0x1  }
0x99: {  	s4 =	simm.s32 $_scs_section_size  }
0x9a: {  	s5 =	simm.s32 $_size__tile_overlayer_lowered;
	s6 =	simm.s32 $_tile_overlayer_lowered  }
0x9b: {  	s22 =	simm.s32 $0x1BFF;
	s21 =	sshll.u32 s6, $0x1;
	s3 =	sadd.s32 s4, s19  }
0x9c: {  	s7 =	simm.s32 $0x0;
	s20 =	sshll.u32 s5, $0x1;
	s5 =	sadd.s32 s21, s3  }
0x9d: {  	[timem:s7], [sflag:s22] =	dma.local [hbm:s5], s20  }
0x9e: {  	_ =	swait.ge [sflag:s22], s20  }
0x9f: {  	s4 =	ssub.s32 $0x0, s20;
	[sflag:s22] =	ssyncset.done $0x0  }
0xa0: {  	[sflag:s22] =	ssyncadd.s32 s4;
	_ =	sdelay $0x1  }
0xa1: {  	s23 =	simm.s32 $0x1B8B  }
0xa2: {  	_ =	swait.ge [sflag:s23], $0x1  }
0xa3: {  	[sflag:s23] =	ssyncset.done $0x0  }
0xa4: {  	s25 =	simm.s32 $0x1B8E;
	s24 =	sld [smem:$0x3FFE];
	[sflag:s23] =	ssyncadd.s32 $0xFFFFFFFF  }
0xa5: {  	s26 =	simm.s32 $execute0_lowered;
	[smem:$0x3FD2] =	sst s25  }
0xa6: {  	s5 =	sshll.u32 s26, $0x1;
	_ =	strace $0x80000046;
	[dreg:$0x1] =	wrdreg $0xFFFFFFFF  }
0xa7: {  	s28 =	simm.s32 $_size_execute0_lowered;
	s3 =	sadd.s32 s3, s5;
	[dreg:$0x0] =	wrdreg $0x0  }
0xa8: {  	s5 =	sshll.u32 s28, $0x1;
	[dreg:$0x2] =	wrdreg s3  }
0xa9: {  	[dreg:$0x3] =	wrdreg s5  }
0xaa: {  	[dreg:$0x4] =	wrdreg $0xC0  }
0xab: {  	_ =	task [dreg:s7], $0x5FFFF  }
0xac: {  	[dreg:$0x1] =	wrdreg $0xFFFFFFFF  }
0xad: {  	[dreg:$0x0] =	wrdreg $0x60  }
0xae: {  	[dreg:$0x2] =	wrdreg s2  }
0xaf: {  	[dreg:$0x3] =	wrdreg s24  }
0xb0: {  	[dreg:$0x4] =	wrdreg $0xB8000  }
0xb1: {  	[dreg:$0x5] =	wrdreg $0x1F8000  }
0xb2: {  	[dreg:$0x6] =	wrdreg $0x9  }
0xb3: {  	_ =	task.clear_ibuf [dreg:s7], $0x7FFFF;
	_ =	strace $0x90000046  }
0xb4: {  	s29 =	simm.s32 $0x9;
	_ =	strace $0x80000048  }
0xb5: {  	_ =	swait.ge [sflag:s29], $0x1  }
0xb6: {  	[sflag:s29] =	ssyncadd.s32 $0xFFFFFFFF  }
0xb7: {  	_ =	strace $0x90000048  }
0xb8: {  	_ =	sfence  }
0xb9: {  	s30 =	sld [smem:$0x0];
	_ =	sdelay $0x2  }
0xba: {  	s31 =	sshll.u32 s1, $0xD;
	s1 =	sshrl.u32 s1, $0x2  }
0xbb: {  	s3 =	sand.u32 $0x4000, s31;
	s1 =	sadd.s32 s1, s30  }
0xbc: {  	s0 =	sor.u32 s3, s0;
	s1 =	sshll.u32 s1, $0x11  }
0xbd: {  	s0 =	sor.u32 s1, s0  }
0xbe: {  	s0 =	sadd.s32 $0x8F2B, s0  }
0xbf: {  	[sflag:s0] =	ssyncadd.remote.s32 $0x1  }
0xc0: {  	_ =	sfence.sel $0xFFFF  }
0xc1: {  	[dreg:$0x0] =	wrdreg $0xFFFFFFFF;
	(pc) =	sbr.abs _section_cstart, $3  }
0xc2: {  	[dreg:$0x1] =	wrdreg $0xFFFFFFFF  }
0xc3: {  	_ =	task.clear_ibuf [dreg:s7], $0x2FFFF;
	_ =	strace $0x9FFFFFFF  }
0xc4: {  	(tm) =	ssettm $0x7FFFFFFF  }
0xc5: {  	_ =	shalt  }
tec
execute0_lowered:
.L_overlay_start_1:
0x0: {  	(tag) =	ssettag $0x1  }
0x1: {  	s0 =	rddreg [dreg:$0x0]  }
0x2: {  	s3 =	rddreg [dreg:$0x1]  }
0x3: {  	s2 =	rddreg [dreg:$0x2]  }
0x4: {  	s1 =	srdreg.scid;
	s4 =	rddreg [dreg:$0x3]  }
0x5: {  	s5 =	simm.s32 $0x0;
	s22 =	simm.s32 $0x2;
	s6 =	sand.u32 $0x1, s1  }
0x6: {  	s28 =	simm.s32 $0x1;
	s1 =	stileid.u32;
	s7 =	smul.u32 $0x140000, s6  }
0x7: {  	s31 =	simm.s32 $0x0;
	[smem:$0x7FF] =	sst s5;
	s9 =	smul.u32 $0x14000, s1  }
0x8: {  	s8 =	sshll.u32 s6, $0x4;
	_ =	strace $0x80000047;
	s24 =	smul.u32 $0x500, s1  }
0x9: {  	s25 =	sshll.u32 s6, $0x7;
	s6 =	ssub.s32 $0x2, s6;
	s14 =	smul.u32 $0x280, s1  }
0xa: {  	s10 =	smul.u32 $0x50000, s1;
	s8 =	sor.u32 s1, s8;
	s26 =	sshrl.u32 s6, $0x1  }
0xb: {  	s8 =	smul.u32 $0x500, s8;
	s7 =	sadd.s32 s9, s7;
	s21 =	ssub.s32 s6, s26  }
0xc: {  	s29 =	sshrl.u32 s10, $0x2;
	s12 =	sadd.s32 $0x80, s14;
	s10 =	sadd.s32 s14, s4  }
0xd: {  	s15 =	sadd.s32 $0x100, s14;
	s16 =	sadd.s32 $0x180, s14;
	s18 =	sadd.s32 $0x200, s14  }
0xe: {  	s26 =	simm.s32 $0x80;
	s7 =	sshrl.u32 s7, $0x3;
	s9 =	sadd.s32 s29, s2  }
0xf: {  	s11 =	sshll.u32 s12, $0x7;
	s12 =	sadd.s32 s12, s4;
	s13 =	sshll.u32 s15, $0x7  }
0x10: {  	s17 =	sshll.u32 s16, $0x7;
	s14 =	sadd.s32 s15, s4;
	s30 =	sshll.u32 s18, $0x7  }
0x11: {  	s16 =	sadd.s32 s16, s4;
	s18 =	sadd.s32 s18, s4;
	s21 =	smax.u32 s21, $0x1  }
0x12: {  	s8 =	sadd.s32 s8, s3;
	s19 =	sadd.s32 s7, s3;
	s7 =	sor.u32 s25, s24  }
0x13: {  	s11 =	sadd.s32 s11, s2;
	s13 =	sadd.s32 s13, s2;
	s15 =	sadd.s32 s17, s2  }
0x14: {  	s17 =	sadd.s32 s30, s2;
	s25 =	simm.s32 $0x7800;
	s7 =	sshrl.u32 s7, $0x3  }
0x15: {  	s6 =	sadd.s32 $0xB200, s8;
	s19 =	sadd.s32 $0x1F200, s19;
	s3 =	sadd.s32 s7, s3  }
0x16: {  	v0 =	vimm.f32 $0.0e+00;
	s7 =	sadd.s32 $0x1200, s8;
	s8 =	sadd.s32 $0x15200, s8;
	s20 =	sadd.s32 $0x6F200, s3  }
.LBB2_1:
0x17: {  	[tilespmem:s5], [sflag:$0x2] =	stream.linear.gather [hbm4b:s6+s5], $0x2800, $0x38;
	[tilespmem:$0x1FA80] =	vst v63  }
0x18: {  	_ =	swait.ge [sflag:s22], $0x2800  }
0x19: {  	[sflag:s22] =	ssyncset.done $0x0  }
0x1a: {  	s3 =	simm.s32 $0x2800;
	[sflag:s22] =	ssyncadd.s32 $0xFFFFD800  }
0x1b: {  	[tilespmem:s3], [sflag:$0x2] =	stream.linear.gather [hbm4b:s7+s5], $0x2800, $0x38;
	[tilespmem:$0x1FA80] =	vst v63  }
0x1c: {  	_ =	swait.ge [sflag:s22], $0x2800  }
0x1d: {  	[sflag:s22] =	ssyncset.done $0x0  }
0x1e: {  	s30 =	simm.s32 $0x5000;
	[sflag:s22] =	ssyncadd.s32 $0xFFFFD800  }
0x1f: {  	[tilespmem:s30], [sflag:$0x2] =	stream.linear.gather [hbm4b:s8+s5], $0x2800, $0x38;
	[tilespmem:$0x1FA80] =	vst v63  }
0x20: {  	_ =	swait.ge [sflag:s22], $0x2800  }
0x21: {  	[sflag:s22] =	ssyncset.done $0x0  }
0x22: {  	s23 =	simm.s32 $0x200;
	s3 =	simm.s32 $0x0;
	[sflag:s22] =	ssyncadd.s32 $0xFFFFD800  }
.LBB2_2:
0x23: {  	p0 =	sne.s32 s23, $0xFE00;
	[tilespmem:s3+$0x7870] =	vst v0  }
0x24: {  	[tilespmem:s3+$0x7800] =	vst v0  }
0x25: {  	[tilespmem:s3+$0x7810] =	vst v0  }
.Ltmp0:
0x26: {  	[tilespmem:s3+$0x7820] =	vst v0;
	(pc) =	sbr.rel @p0 .LBB2_2-.Ltmp0, $4  }
0x27: {  	[tilespmem:s3+$0x7830] =	vst v0  }
0x28: {  	[tilespmem:s3+$0x7840] =	vst v0  }
0x29: {  	[tilespmem:s3+$0x7850] =	vst v0  }
0x2a: {  	[tilespmem:s3+$0x7860] =	vst v0;
	s3 =	sshra.s32 s23, $0x2;
	s23 =	sadd.s32 $0x200, s23  }
0x2b: {  	[tilespmem:s3+$0x7870] =	vst v0  }
0x2c: {  	[tilespmem:s3+$0x7800] =	vst v0  }
0x2d: {  	[tilespmem:s3+$0x7810] =	vst v0  }
0x2e: {  	[tilespmem:s3+$0x7820] =	vst v0  }
0x2f: {  	[tilespmem:s3+$0x7830] =	vst v0  }
0x30: {  	[tilespmem:s3+$0x7840] =	vst v0  }
0x31: {  	[tilespmem:s3+$0x7850] =	vst v0  }
0x32: {  	[tilespmem:s3+$0x7860] =	vst v0  }
0x33: {  	[spmem:s9] =	stream.linear.scatter [tilespmem:s25], [sflag:$0x2], $0x4000, $0x38;
	[tilespmem:$0x1FA80] =	vst v63  }
0x34: {  	_ =	swait.ge [sflag:s22], $0x4000  }
0x35: {  	[sflag:s22] =	ssyncset.done $0x0  }
0x36: {  	[sflag:s22] =	ssyncadd.s32 $0xFFFFC000  }
0x37: {  	[spmem:s10] =	stream.linear.scatter [tilespmem:s25], [sflag:$0x2], $0x80, $0x38;
	[tilespmem:$0x1FA80] =	vst v63  }
0x38: {  	_ =	swait.ge [sflag:s22], $0x80  }
0x39: {  	[sflag:s22] =	ssyncset.done $0x0  }
0x3a: {  	[sflag:s22] =	ssyncadd.s32 $0xFFFFFF80  }
0x3b: {  	[spmem:s11] =	stream.linear.scatter [tilespmem:s25], [sflag:$0x2], $0x4000, $0x38;
	[tilespmem:$0x1FA80] =	vst v63  }
0x3c: {  	_ =	swait.ge [sflag:s22], $0x4000  }
0x3d: {  	[sflag:s22] =	ssyncset.done $0x0  }
0x3e: {  	[sflag:s22] =	ssyncadd.s32 $0xFFFFC000  }
0x3f: {  	[spmem:s12] =	stream.linear.scatter [tilespmem:s25], [sflag:$0x2], $0x80, $0x38;
	[tilespmem:$0x1FA80] =	vst v63  }
0x40: {  	_ =	swait.ge [sflag:s22], $0x80  }
0x41: {  	[sflag:s22] =	ssyncset.done $0x0  }
0x42: {  	[sflag:s22] =	ssyncadd.s32 $0xFFFFFF80  }
0x43: {  	[spmem:s13] =	stream.linear.scatter [tilespmem:s25], [sflag:$0x2], $0x4000, $0x38;
	[tilespmem:$0x1FA80] =	vst v63  }
0x44: {  	_ =	swait.ge [sflag:s22], $0x4000  }
0x45: {  	[sflag:s22] =	ssyncset.done $0x0  }
0x46: {  	[sflag:s22] =	ssyncadd.s32 $0xFFFFC000  }
0x47: {  	[spmem:s14] =	stream.linear.scatter [tilespmem:s25], [sflag:$0x2], $0x80, $0x38;
	[tilespmem:$0x1FA80] =	vst v63  }
0x48: {  	_ =	swait.ge [sflag:s22], $0x80  }
0x49: {  	[sflag:s22] =	ssyncset.done $0x0  }
0x4a: {  	[sflag:s22] =	ssyncadd.s32 $0xFFFFFF80  }
0x4b: {  	[spmem:s15] =	stream.linear.scatter [tilespmem:s25], [sflag:$0x2], $0x4000, $0x38;
	[tilespmem:$0x1FA80] =	vst v63  }
0x4c: {  	_ =	swait.ge [sflag:s22], $0x4000  }
0x4d: {  	[sflag:s22] =	ssyncset.done $0x0  }
0x4e: {  	[sflag:s22] =	ssyncadd.s32 $0xFFFFC000  }
0x4f: {  	[spmem:s16] =	stream.linear.scatter [tilespmem:s25], [sflag:$0x2], $0x80, $0x38;
	[tilespmem:$0x1FA80] =	vst v63  }
0x50: {  	_ =	swait.ge [sflag:s22], $0x80  }
0x51: {  	[sflag:s22] =	ssyncset.done $0x0  }
0x52: {  	[sflag:s22] =	ssyncadd.s32 $0xFFFFFF80  }
0x53: {  	[spmem:s17] =	stream.linear.scatter [tilespmem:s25], [sflag:$0x2], $0x4000, $0x38;
	[tilespmem:$0x1FA80] =	vst v63  }
0x54: {  	_ =	swait.ge [sflag:s22], $0x4000  }
0x55: {  	[sflag:s22] =	ssyncset.done $0x0  }
0x56: {  	[sflag:s22] =	ssyncadd.s32 $0xFFFFC000  }
0x57: {  	[spmem:s18] =	stream.linear.scatter [tilespmem:s25], [sflag:$0x2], $0x80, $0x38;
	[tilespmem:$0x1FA80] =	vst v63  }
0x58: {  	_ =	swait.ge [sflag:s22], $0x80  }
0x59: {  	[sflag:s22] =	ssyncset.done $0x0  }
0x5a: {  	[sflag:s22] =	ssyncadd.s32 $0xFFFFFF80  }
0x5b: {  	s3 =	simm.s32 $0x0;
	[bflag:$0x0] =	sbarrier.arrive $0xFFFF  }
.LBB2_4:
0x5c: {  	s23 =	sshll.u32 s3, $0x7  }
0x5d: {  	[tilespmem:s25], [sflag:$0x1] =	stream.indirect.gather [hbm4b:s0+s26], $0x80, s23, s26, $0xb8;
	[tilespmem:$0x1FA80] =	vst v63  }
0x5e: {  	s24 =	sadd.s32 $0x5000, s23  }
0x5f: {  	_ =	swait.ge [sflag:s28], $0x4000;
	v1 =	vmov s24  }
0x60: {  	[sflag:s28] =	ssyncset.done $0x0  }
0x61: {  	s29 =	simm.s32 $0x0;
	[sflag:s28] =	ssyncadd.s32 $0xFFFFC000  }
.LBB2_5:
0x62: {  	s30 =	sshll.u32 s29, $0x4  }
0x63: {  	s30 =	sand.u32 $0x3FFFFFF0, s30  }
0x64: {  	v2 =	vld.idx.msk [tilespmem:v1+s30+$0x0 ss:$0x1], $0xffff;
	s30 =	sshll.u32 s29, $0xB  }
0x65: {  	s30 =	sand.u32 $0x3FFFF800, s30  }
0x66: {  	v3 =	vld [tilespmem:s30+$0x7800]  }
0x67: {  	v4 =	vld [tilespmem:s30+$0x7810]  }
0x68: {  	v5 =	vld [tilespmem:s30+$0x7820]  }
0x69: {  	v7 =	vld [tilespmem:s30+$0x7830];
	v6 =	vbroadcast v2, $0x0  }
0x6a: {  	v8 =	vld [tilespmem:s30+$0x7840]  }
0x6b: {  	v9 =	vld [tilespmem:s30+$0x7850];
	v3 =	vmul.f32 v6, v3  }
0x6c: {  	v10 =	vld [tilespmem:s30+$0x7860];
	v4 =	vmul.f32 v4, v6  }
0x6d: {  	v24 =	vld [tilespmem:s30+$0x7870];
	[tilespmem:s30+$0x7800] =	vst v3;
	v3 =	vmul.f32 v5, v6  }
0x6e: {  	v26 =	vld [tilespmem:s30+$0x7880];
	v25 =	vmul.f32 v7, v6;
	[tilespmem:s30+$0x7810] =	vst v4  }
0x6f: {  	v27 =	vld [tilespmem:s30+$0x7890];
	[tilespmem:s30+$0x7820] =	vst v3;
	v3 =	vmul.f32 v8, v6  }
0x70: {  	v29 =	vld [tilespmem:s30+$0x78A0];
	v28 =	vmul.f32 v9, v6;
	[tilespmem:s30+$0x7830] =	vst v25  }
0x71: {  	v11 =	vld [tilespmem:s30+$0x78B0];
	v30 =	vbroadcast v2, $0x1;
	[tilespmem:s30+$0x7840] =	vst v3;
	v3 =	vmul.f32 v10, v6  }
0x72: {  	v32 =	vld [tilespmem:s30+$0x78C0];
	v31 =	vmul.f32 v24, v6;
	[tilespmem:s30+$0x7850] =	vst v28  }
0x73: {  	v33 =	vld [tilespmem:s30+$0x78D0];
	[tilespmem:s30+$0x7860] =	vst v3;
	v3 =	vmul.f32 v26, v30  }
0x74: {  	v35 =	vld [tilespmem:s30+$0x78E0];
	v34 =	vmul.f32 v27, v30;
	[tilespmem:s30+$0x7870] =	vst v31  }
0x75: {  	v36 =	vld [tilespmem:s30+$0x78F0];
	[tilespmem:s30+$0x7880] =	vst v3;
	v3 =	vmul.f32 v29, v30  }
0x76: {  	v38 =	vld [tilespmem:s30+$0x7900];
	v37 =	vmul.f32 v11, v30;
	[tilespmem:s30+$0x7890] =	vst v34  }
0x77: {  	v39 =	vld [tilespmem:s30+$0x7910];
	[tilespmem:s30+$0x78A0] =	vst v3;
	v3 =	vmul.f32 v32, v30  }
0x78: {  	v41 =	vld [tilespmem:s30+$0x7920];
	v40 =	vmul.f32 v33, v30;
	[tilespmem:s30+$0x78B0] =	vst v37  }
0x79: {  	v43 =	vld [tilespmem:s30+$0x7930];
	v42 =	vbroadcast v2, $0x2;
	[tilespmem:s30+$0x78C0] =	vst v3;
	v3 =	vmul.f32 v35, v30  }
0x7a: {  	v45 =	vld [tilespmem:s30+$0x7940];
	v44 =	vmul.f32 v36, v30;
	[tilespmem:s30+$0x78D0] =	vst v40  }
0x7b: {  	v46 =	vld [tilespmem:s30+$0x7950];
	[tilespmem:s30+$0x78E0] =	vst v3;
	v3 =	vmul.f32 v38, v42  }
0x7c: {  	v48 =	vld [tilespmem:s30+$0x7960];
	v47 =	vmul.f32 v39, v42;
	[tilespmem:s30+$0x78F0] =	vst v44  }
0x7d: {  	v49 =	vld [tilespmem:s30+$0x7970];
	[tilespmem:s30+$0x7900] =	vst v3;
	v3 =	vmul.f32 v41, v42  }
0x7e: {  	v51 =	vld [tilespmem:s30+$0x7980];
	v50 =	vmul.f32 v43, v42;
	[tilespmem:s30+$0x7910] =	vst v47  }
0x7f: {  	v52 =	vld [tilespmem:s30+$0x7990];
	[tilespmem:s30+$0x7920] =	vst v3;
	v3 =	vmul.f32 v45, v42  }
0x80: {  	v54 =	vld [tilespmem:s30+$0x79A0];
	v53 =	vmul.f32 v46, v42;
	[tilespmem:s30+$0x7930] =	vst v50  }
0x81: {  	v56 =	vld [tilespmem:s30+$0x79B0];
	v55 =	vbroadcast v2, $0x3;
	[tilespmem:s30+$0x7940] =	vst v3;
	v3 =	vmul.f32 v48, v42  }
0x82: {  	v58 =	vld [tilespmem:s30+$0x79C0];
	v57 =	vmul.f32 v49, v42;
	[tilespmem:s30+$0x7950] =	vst v53  }
0x83: {  	v59 =	vld [tilespmem:s30+$0x79D0];
	[tilespmem:s30+$0x7960] =	vst v3;
	v3 =	vmul.f32 v51, v55  }
0x84: {  	v61 =	vld [tilespmem:s30+$0x79E0];
	v60 =	vmul.f32 v52, v55;
	[tilespmem:s30+$0x7970] =	vst v57  }
0x85: {  	v62 =	vld [tilespmem:s30+$0x79F0];
	[tilespmem:s30+$0x7980] =	vst v3;
	v3 =	vmul.f32 v54, v55  }
0x86: {  	v12 =	vld [tilespmem:s30+$0x7A00];
	v63 =	vmul.f32 v56, v55;
	[tilespmem:s30+$0x7990] =	vst v60  }
0x87: {  	v13 =	vld [tilespmem:s30+$0x7A10];
	[tilespmem:s30+$0x79A0] =	vst v3;
	v3 =	vmul.f32 v58, v55  }
0x88: {  	v15 =	vld [tilespmem:s30+$0x7A20];
	v14 =	vmul.f32 v59, v55;
	[tilespmem:s30+$0x79B0] =	vst v63  }
0x89: {  	v17 =	vld [tilespmem:s30+$0x7A30];
	v16 =	vbroadcast v2, $0x4;
	[tilespmem:s30+$0x79C0] =	vst v3;
	v3 =	vmul.f32 v61, v55  }
0x8a: {  	v19 =	vld [tilespmem:s30+$0x7A40];
	v18 =	vmul.f32 v62, v55;
	[tilespmem:s30+$0x79D0] =	vst v14  }
0x8b: {  	v20 =	vld [tilespmem:s30+$0x7A50];
	[tilespmem:s30+$0x79E0] =	vst v3;
	v3 =	vmul.f32 v12, v16  }
0x8c: {  	v22 =	vld [tilespmem:s30+$0x7A60];
	v21 =	vmul.f32 v13, v16;
	[tilespmem:s30+$0x79F0] =	vst v18  }
0x8d: {  	v23 =	vld [tilespmem:s30+$0x7A70];
	[tilespmem:s30+$0x7A00] =	vst v3;
	v3 =	vmul.f32 v15, v16  }
0x8e: {  	v24 =	vmul.f32 v17, v16;
	[tilespmem:s30+$0x7A10] =	vst v21;
	v25 =	vld [tilespmem:s30+$0x7A80]  }
0x8f: {  	v33 =	vld [tilespmem:s30+$0x7AD0];
	[tilespmem:s30+$0x7A20] =	vst v3;
	v3 =	vmul.f32 v19, v16  }
0x90: {  	v27 =	vmul.f32 v20, v16;
	[tilespmem:s30+$0x7A30] =	vst v24;
	v28 =	vld [tilespmem:s30+$0x7AA0]  }
0x91: {  	v36 =	vld [tilespmem:s30+$0x7AF0];
	v29 =	vbroadcast v2, $0x5;
	[tilespmem:s30+$0x7A40] =	vst v3;
	v3 =	vmul.f32 v22, v16  }
0x92: {  	[tilespmem:s30+$0x7A50] =	vst v27;
	v31 =	vmul.f32 v23, v16;
	v32 =	vld [tilespmem:s30+$0x7AC0]  }
0x93: {  	v26 =	vld [tilespmem:s30+$0x7A90];
	[tilespmem:s30+$0x7A60] =	vst v3;
	v3 =	vmul.f32 v25, v29  }
0x94: {  	[tilespmem:s30+$0x7A70] =	vst v31;
	v40 =	vmul.f32 v33, v29;
	v35 =	vld [tilespmem:s30+$0x7AE0]  }
0x95: {  	v30 =	vld [tilespmem:s30+$0x7AB0];
	[tilespmem:s30+$0x7A80] =	vst v3;
	v3 =	vmul.f32 v28, v29  }
0x96: {  	v44 =	vmul.f32 v36, v29;
	[tilespmem:s30+$0x7AD0] =	vst v40;
	v38 =	vld [tilespmem:s30+$0x7B00]  }
0x97: {  	v39 =	vld [tilespmem:s30+$0x7B10];
	[tilespmem:s30+$0x7AA0] =	vst v3;
	v3 =	vmul.f32 v32, v29  }
0x98: {  	v34 =	vmul.f32 v26, v29;
	[tilespmem:s30+$0x7AF0] =	vst v44;
	v41 =	vld [tilespmem:s30+$0x7B20]  }
0x99: {  	v43 =	vld [tilespmem:s30+$0x7B30];
	v42 =	vbroadcast v2, $0x6;
	[tilespmem:s30+$0x7AC0] =	vst v3;
	v3 =	vmul.f32 v35, v29  }
0x9a: {  	[tilespmem:s30+$0x7A90] =	vst v34;
	v37 =	vmul.f32 v30, v29;
	v45 =	vld [tilespmem:s30+$0x7B40]  }
0x9b: {  	v46 =	vld [tilespmem:s30+$0x7B50];
	[tilespmem:s30+$0x7AE0] =	vst v3;
	v3 =	vmul.f32 v38, v42  }
0x9c: {  	[tilespmem:s30+$0x7AB0] =	vst v37;
	v48 =	vld [tilespmem:s30+$0x7B60];
	v47 =	vmul.f32 v39, v42  }
0x9d: {  	v49 =	vld [tilespmem:s30+$0x7B70];
	[tilespmem:s30+$0x7B00] =	vst v3;
	v3 =	vmul.f32 v41, v42  }
0x9e: {  	v50 =	vmul.f32 v43, v42;
	v51 =	vld [tilespmem:s30+$0x7B80];
	[tilespmem:s30+$0x7B10] =	vst v47  }
0x9f: {  	v52 =	vld [tilespmem:s30+$0x7B90];
	[tilespmem:s30+$0x7B20] =	vst v3;
	v3 =	vmul.f32 v45, v42  }
0xa0: {  	v53 =	vmul.f32 v46, v42;
	[tilespmem:s30+$0x7B30] =	vst v50;
	v54 =	vld [tilespmem:s30+$0x7BA0]  }
0xa1: {  	v56 =	vld [tilespmem:s30+$0x7BB0];
	v55 =	vbroadcast v2, $0x7;
	[tilespmem:s30+$0x7B40] =	vst v3;
	v3 =	vmul.f32 v48, v42  }
0xa2: {  	v57 =	vmul.f32 v49, v42;
	[tilespmem:s30+$0x7B50] =	vst v53;
	v58 =	vld [tilespmem:s30+$0x7BC0]  }
0xa3: {  	v59 =	vld [tilespmem:s30+$0x7BD0];
	[tilespmem:s30+$0x7B60] =	vst v3;
	v3 =	vmul.f32 v51, v55  }
0xa4: {  	[tilespmem:s30+$0x7B70] =	vst v57;
	v61 =	vld [tilespmem:s30+$0x7BE0];
	v60 =	vmul.f32 v52, v55  }
0xa5: {  	v62 =	vld [tilespmem:s30+$0x7BF0];
	[tilespmem:s30+$0x7B80] =	vst v3;
	v3 =	vmul.f32 v54, v55  }
0xa6: {  	v63 =	vmul.f32 v56, v55;
	v12 =	vld [tilespmem:s30+$0x7C00];
	[tilespmem:s30+$0x7B90] =	vst v60  }
0xa7: {  	v13 =	vld [tilespmem:s30+$0x7C10];
	[tilespmem:s30+$0x7BA0] =	vst v3;
	v3 =	vmul.f32 v58, v55  }
0xa8: {  	v14 =	vmul.f32 v59, v55;
	[tilespmem:s30+$0x7BB0] =	vst v63;
	v15 =	vld [tilespmem:s30+$0x7C20]  }
0xa9: {  	v17 =	vld [tilespmem:s30+$0x7C30];
	v16 =	vbroadcast v2, $0x8;
	[tilespmem:s30+$0x7BC0] =	vst v3;
	v3 =	vmul.f32 v61, v55  }
0xaa: {  	v18 =	vmul.f32 v62, v55;
	[tilespmem:s30+$0x7BD0] =	vst v14;
	v19 =	vld [tilespmem:s30+$0x7C40]  }
0xab: {  	v20 =	vld [tilespmem:s30+$0x7C50];
	[tilespmem:s30+$0x7BE0] =	vst v3;
	v3 =	vmul.f32 v12, v16  }
0xac: {  	[tilespmem:s30+$0x7BF0] =	vst v18;
	v22 =	vld [tilespmem:s30+$0x7C60];
	v21 =	vmul.f32 v13, v16  }
0xad: {  	v23 =	vld [tilespmem:s30+$0x7C70];
	[tilespmem:s30+$0x7C00] =	vst v3;
	v3 =	vmul.f32 v15, v16  }
0xae: {  	v24 =	vmul.f32 v17, v16;
	v25 =	vld [tilespmem:s30+$0x7C80];
	[tilespmem:s30+$0x7C10] =	vst v21  }
0xaf: {  	v26 =	vld [tilespmem:s30+$0x7C90];
	[tilespmem:s30+$0x7C20] =	vst v3;
	v3 =	vmul.f32 v19, v16  }
0xb0: {  	v27 =	vmul.f32 v20, v16;
	[tilespmem:s30+$0x7C30] =	vst v24;
	v28 =	vld [tilespmem:s30+$0x7CA0]  }
0xb1: {  	v30 =	vld [tilespmem:s30+$0x7CB0];
	v29 =	vbroadcast v2, $0x9;
	[tilespmem:s30+$0x7C40] =	vst v3;
	v3 =	vmul.f32 v22, v16  }
0xb2: {  	v31 =	vmul.f32 v23, v16;
	[tilespmem:s30+$0x7C50] =	vst v27;
	v32 =	vld [tilespmem:s30+$0x7CC0]  }
0xb3: {  	v33 =	vld [tilespmem:s30+$0x7CD0];
	[tilespmem:s30+$0x7C60] =	vst v3;
	v3 =	vmul.f32 v25, v29  }
0xb4: {  	[tilespmem:s30+$0x7C70] =	vst v31;
	v35 =	vld [tilespmem:s30+$0x7CE0];
	v34 =	vmul.f32 v26, v29  }
0xb5: {  	v36 =	vld [tilespmem:s30+$0x7CF0];
	[tilespmem:s30+$0x7C80] =	vst v3;
	v3 =	vmul.f32 v28, v29  }
0xb6: {  	v37 =	vmul.f32 v30, v29;
	v38 =	vld [tilespmem:s30+$0x7D00];
	[tilespmem:s30+$0x7C90] =	vst v34  }
0xb7: {  	v39 =	vld [tilespmem:s30+$0x7D10];
	[tilespmem:s30+$0x7CA0] =	vst v3;
	v3 =	vmul.f32 v32, v29  }
0xb8: {  	v40 =	vmul.f32 v33, v29;
	[tilespmem:s30+$0x7CB0] =	vst v37;
	v41 =	vld [tilespmem:s30+$0x7D20]  }
0xb9: {  	v43 =	vld [tilespmem:s30+$0x7D30];
	v42 =	vbroadcast v2, $0xA;
	[tilespmem:s30+$0x7CC0] =	vst v3;
	v3 =	vmul.f32 v35, v29  }
0xba: {  	v44 =	vmul.f32 v36, v29;
	[tilespmem:s30+$0x7CD0] =	vst v40;
	v45 =	vld [tilespmem:s30+$0x7D40]  }
0xbb: {  	v46 =	vld [tilespmem:s30+$0x7D50];
	[tilespmem:s30+$0x7CE0] =	vst v3;
	v3 =	vmul.f32 v38, v42  }
0xbc: {  	[tilespmem:s30+$0x7CF0] =	vst v44;
	v48 =	vld [tilespmem:s30+$0x7D60];
	v47 =	vmul.f32 v39, v42  }
0xbd: {  	v49 =	vld [tilespmem:s30+$0x7D70];
	[tilespmem:s30+$0x7D00] =	vst v3;
	v3 =	vmul.f32 v41, v42  }
0xbe: {  	v50 =	vmul.f32 v43, v42;
	v51 =	vld [tilespmem:s30+$0x7D80];
	[tilespmem:s30+$0x7D10] =	vst v47  }
0xbf: {  	v52 =	vld [tilespmem:s30+$0x7D90];
	[tilespmem:s30+$0x7D20] =	vst v3;
	v3 =	vmul.f32 v45, v42  }
0xc0: {  	v53 =	vmul.f32 v46, v42;
	[tilespmem:s30+$0x7D30] =	vst v50;
	v54 =	vld [tilespmem:s30+$0x7DA0]  }
0xc1: {  	v56 =	vld [tilespmem:s30+$0x7DB0];
	v55 =	vbroadcast v2, $0xB;
	[tilespmem:s30+$0x7D40] =	vst v3;
	v3 =	vmul.f32 v48, v42  }
0xc2: {  	v57 =	vmul.f32 v49, v42;
	[tilespmem:s30+$0x7D50] =	vst v53;
	v58 =	vld [tilespmem:s30+$0x7DC0]  }
0xc3: {  	v59 =	vld [tilespmem:s30+$0x7DD0];
	[tilespmem:s30+$0x7D60] =	vst v3;
	v3 =	vmul.f32 v51, v55  }
0xc4: {  	[tilespmem:s30+$0x7D70] =	vst v57;
	v61 =	vld [tilespmem:s30+$0x7DE0];
	v60 =	vmul.f32 v52, v55  }
0xc5: {  	v62 =	vld [tilespmem:s30+$0x7DF0];
	[tilespmem:s30+$0x7D80] =	vst v3;
	v3 =	vmul.f32 v54, v55  }
0xc6: {  	v63 =	vmul.f32 v56, v55;
	v12 =	vld [tilespmem:s30+$0x7E00];
	[tilespmem:s30+$0x7D90] =	vst v60  }
0xc7: {  	v13 =	vld [tilespmem:s30+$0x7E10];
	[tilespmem:s30+$0x7DA0] =	vst v3;
	v3 =	vmul.f32 v58, v55  }
0xc8: {  	v14 =	vmul.f32 v59, v55;
	[tilespmem:s30+$0x7DB0] =	vst v63;
	v15 =	vld [tilespmem:s30+$0x7E20]  }
0xc9: {  	v17 =	vld [tilespmem:s30+$0x7E30];
	v16 =	vbroadcast v2, $0xC;
	[tilespmem:s30+$0x7DC0] =	vst v3;
	v3 =	vmul.f32 v61, v55  }
0xca: {  	v18 =	vmul.f32 v62, v55;
	[tilespmem:s30+$0x7DD0] =	vst v14;
	v19 =	vld [tilespmem:s30+$0x7E40]  }
0xcb: {  	v20 =	vld [tilespmem:s30+$0x7E50];
	[tilespmem:s30+$0x7DE0] =	vst v3;
	v3 =	vmul.f32 v12, v16  }
0xcc: {  	[tilespmem:s30+$0x7DF0] =	vst v18;
	v22 =	vld [tilespmem:s30+$0x7E60];
	v21 =	vmul.f32 v13, v16  }
0xcd: {  	v23 =	vld [tilespmem:s30+$0x7E70];
	[tilespmem:s30+$0x7E00] =	vst v3;
	v3 =	vmul.f32 v15, v16  }
0xce: {  	v24 =	vmul.f32 v17, v16;
	v25 =	vld [tilespmem:s30+$0x7E80];
	[tilespmem:s30+$0x7E10] =	vst v21  }
0xcf: {  	v26 =	vld [tilespmem:s30+$0x7E90];
	[tilespmem:s30+$0x7E20] =	vst v3;
	v3 =	vmul.f32 v19, v16  }
0xd0: {  	v27 =	vmul.f32 v20, v16;
	[tilespmem:s30+$0x7E30] =	vst v24;
	v28 =	vld [tilespmem:s30+$0x7EA0]  }
0xd1: {  	v30 =	vld [tilespmem:s30+$0x7EB0];
	v29 =	vbroadcast v2, $0xD;
	[tilespmem:s30+$0x7E40] =	vst v3;
	v3 =	vmul.f32 v22, v16  }
0xd2: {  	v31 =	vmul.f32 v23, v16;
	[tilespmem:s30+$0x7E50] =	vst v27;
	v32 =	vld [tilespmem:s30+$0x7EC0]  }
0xd3: {  	v33 =	vld [tilespmem:s30+$0x7ED0];
	[tilespmem:s30+$0x7E60] =	vst v3;
	v3 =	vmul.f32 v25, v29  }
0xd4: {  	[tilespmem:s30+$0x7E70] =	vst v31;
	v35 =	vld [tilespmem:s30+$0x7EE0];
	v34 =	vmul.f32 v26, v29  }
0xd5: {  	v36 =	vld [tilespmem:s30+$0x7EF0];
	[tilespmem:s30+$0x7E80] =	vst v3;
	v3 =	vmul.f32 v28, v29  }
0xd6: {  	v37 =	vmul.f32 v30, v29;
	v38 =	vld [tilespmem:s30+$0x7F00];
	[tilespmem:s30+$0x7E90] =	vst v34  }
0xd7: {  	v39 =	vld [tilespmem:s30+$0x7F10];
	[tilespmem:s30+$0x7EA0] =	vst v3;
	v3 =	vmul.f32 v32, v29  }
0xd8: {  	v40 =	vmul.f32 v33, v29;
	[tilespmem:s30+$0x7EB0] =	vst v37;
	v41 =	vld [tilespmem:s30+$0x7F20]  }
0xd9: {  	v43 =	vld [tilespmem:s30+$0x7F30];
	v42 =	vbroadcast v2, $0xE;
	[tilespmem:s30+$0x7EC0] =	vst v3;
	v3 =	vmul.f32 v35, v29  }
0xda: {  	v44 =	vmul.f32 v36, v29;
	[tilespmem:s30+$0x7ED0] =	vst v40;
	v45 =	vld [tilespmem:s30+$0x7F40]  }
0xdb: {  	v46 =	vld [tilespmem:s30+$0x7F50];
	[tilespmem:s30+$0x7EE0] =	vst v3;
	v3 =	vmul.f32 v38, v42  }
0xdc: {  	[tilespmem:s30+$0x7EF0] =	vst v44;
	v48 =	vld [tilespmem:s30+$0x7F60];
	v47 =	vmul.f32 v39, v42  }
0xdd: {  	v49 =	vld [tilespmem:s30+$0x7F70];
	[tilespmem:s30+$0x7F00] =	vst v3;
	v3 =	vmul.f32 v41, v42  }
0xde: {  	v50 =	vmul.f32 v43, v42;
	v51 =	vld [tilespmem:s30+$0x7F80];
	[tilespmem:s30+$0x7F10] =	vst v47  }
0xdf: {  	v52 =	vld [tilespmem:s30+$0x7F90];
	[tilespmem:s30+$0x7F20] =	vst v3;
	v3 =	vmul.f32 v45, v42  }
0xe0: {  	v53 =	vmul.f32 v46, v42;
	[tilespmem:s30+$0x7F30] =	vst v50;
	v54 =	vld [tilespmem:s30+$0x7FA0]  }
0xe1: {  	v2 =	vbroadcast v2, $0xF;
	v58 =	vld [tilespmem:s30+$0x7FD0];
	[tilespmem:s30+$0x7F40] =	vst v3;
	v3 =	vmul.f32 v48, v42  }
0xe2: {  	v57 =	vld [tilespmem:s30+$0x7FC0];
	v56 =	vmul.f32 v49, v42;
	[tilespmem:s30+$0x7F50] =	vst v53  }
0xe3: {  	v55 =	vld [tilespmem:s30+$0x7FB0];
	[tilespmem:s30+$0x7F60] =	vst v3;
	v3 =	vmul.f32 v51, v2  }
0xe4: {  	v60 =	vld [tilespmem:s30+$0x7FE0];
	v59 =	vmul.f32 v52, v2;
	[tilespmem:s30+$0x7F70] =	vst v56  }
0xe5: {  	v61 =	vld [tilespmem:s30+$0x7FF0];
	[tilespmem:s30+$0x7F80] =	vst v3;
	v3 =	vmul.f32 v54, v2  }
0xe6: {  	[tilespmem:s30+$0x7F90] =	vst v59;
	v63 =	vmul.f32 v58, v2  }
0xe7: {  	p0 =	sne.s32 s29, $0x7;
	[tilespmem:s30+$0x7FA0] =	vst v3;
	v3 =	vmul.f32 v57, v2  }
.Ltmp1:
0xe8: {  	v62 =	vmul.f32 v55, v2;
	[tilespmem:s30+$0x7FD0] =	vst v63;
	(pc) =	sbr.rel @p0 .LBB2_5-.Ltmp1, $4  }
0xe9: {  	[tilespmem:s30+$0x7FC0] =	vst v3;
	v3 =	vmul.f32 v60, v2  }
0xea: {  	[tilespmem:s30+$0x7FB0] =	vst v62;
	v2 =	vmul.f32 v61, v2  }
0xeb: {  	[tilespmem:s30+$0x7FE0] =	vst v3  }
0xec: {  	s29 =	sadd.s32 $0x1, s29;
	[tilespmem:s30+$0x7FF0] =	vst v2  }
0xed: {  	s29 =	sadd.s32 $0x2800, s23  }
0xee: {  	[spmem:s2] =	stream.indirect.scatter.add.f32 [tilespmem:s25], [sflag:$0x2], $0x80, s29, s26, $0xb8;
	[tilespmem:$0x1FA80] =	vst v63  }
0xef: {  	s3 =	sadd.s32 $0x1, s3;
	_ =	swait.ge [sflag:s22], $0x4000  }
0xf0: {  	p0 =	sne.s32 s3, $0x50;
	[sflag:s22] =	ssyncset.done $0x0  }
.Ltmp2:
0xf1: {  	[sflag:s22] =	ssyncadd.s32 $0xFFFFC000;
	(pc) =	sbr.rel @p0 .LBB2_4-.Ltmp2, $4  }
0xf2: {  	[spmem:s4] =	stream.indirect.scatter.add.f32 [tilespmem:s24], [sflag:$0x2], $0x1, s23, s26, $0xb8;
	[tilespmem:$0x1FA80] =	vst v63  }
0xf3: {  	_ =	swait.ge [sflag:s22], $0x80  }
0xf4: {  	[sflag:s22] =	ssyncset.done $0x0  }
0xf5: {  	[sflag:s22] =	ssyncadd.s32 $0xFFFFFF80  }
0xf6: {  	s3 =	sshll.u32 s1, $0x6  }
0xf7: {  	[bflag:$0x0] =	sbarrier.arrive $0xFFFF;
	s23 =	sshrl.u32 s9, $0x3;
	s3 =	sor.u32 $0x1C02, s3  }
0xf8: {  	[hbm:s19], [sflag:s3] =	dma.local [spmem:s23], $0x2800  }
0xf9: {  	s30 =	sshrl.u32 s10, $0x3;
	s31 =	sadd.s32 $0x1, s31;
	_ =	swait.ge [sflag:s22], $0x2800  }
0xfa: {  	s24 =	simm.s32 $0x20;
	p0 =	sne.s32 s31, s21;
	[sflag:s22] =	ssyncset.done $0x0  }
.Ltmp3:
0xfb: {  	s29 =	simm.s32 $0x10;
	[sflag:s22] =	ssyncadd.s32 $0xFFFFD800;
	(pc) =	sbr.rel @p0 .LBB2_1-.Ltmp3, $4  }
0xfc: {  	[hbm:s20@s24], [sflag:s3] =	dma.strided [spmem:s30@s29], $0x50, s28, $0x10   }
0xfd: {  	_ =	swait.ge [sflag:s22], $0x50  }
0xfe: {  	[sflag:s22] =	ssyncset.done $0x0  }
0xff: {  	[sflag:s22] =	ssyncadd.s32 $0xFFFFFFB0  }
0x100: {  	_ =	sfence.sel $0x180000  }
0x101: {  	[bflag:$0x0] =	sbarrier.arrive $0xFFFF  }
0x102: {  	_ =	strace $0x90000047  }
0x103: {  	[bflag:$0x2] =	sbarrier.arrive $0xFFFF  }
0x104: {  	p0 =	sne.s32 s1, $0x0;
	s0 =	rddreg [dreg:$0x4]  }
0x105: {  	s0 =	sadd.s32 @!p0 $0x100000, s0  }
0x106: {  	[sflag:s0] =	ssyncadd.tile.s32 @!p0 $0x1;
	_ =	shalt  }
.Lfunc_end2:
_tile_overlayer_lowered:
.L_overlay_start_2:
0x107: {  	(tag) =	ssettag $0x2  }
0x108: {  	s0 =	rddreg [dreg:$0x0];
	s2 =	stileid.u32  }
0x109: {  	s1 =	rddreg [dreg:$0x1];
	p0 =	sne.s32 s2, $0x0  }
0x10a: {  	s3 =	rddreg [dreg:$0x2];
	[bflag:$0x3] =	sbarrier.arrive $0xFFFF;
	s2 =	simm.s32 @!p0 $0x1C02  }
0x10b: {  	[timem:s3], [sflag:s2] =	dma.local @!p0 [hbm:s0], s1  }
0x10c: {  	s0 =	simm.s32 @!p0 $0x2  }
0x10d: {  	_ =	swait.ge @!p0 [sflag:s0], s1  }
0x10e: {  	s1 =	ssub.s32 @!p0 $0x0, s1;
	[sflag:s0] =	ssyncset.done @!p0 $0x0  }
0x10f: {  	[sflag:s0] =	ssyncadd.s32 @!p0 s1  }
0x110: {  	[bflag:$0x3] =	sbarrier.arrive $0xFFFF  }
0x111: {  	_ =	shalt  }

</sc_bundles>
